<compile_context>
chip_gen: v7x
topology: tpu7x:2x2x1
jax: 0.10.2.dev20260603
libtpu: 0.0.44.dev20260713+nightly
codegen_flags: <defaults>
</compile_context>

<pallas_src>
import functools

import jax
import jax.numpy as jnp
from jax import lax
from jax.experimental import pallas as pl
from jax.experimental.pallas import tpu as pltpu
from jax.experimental.pallas import tpu_sc as plsc

N = 10000
D = 256
HALF = 128
E = 160000
B_ID = 2048

NC = 2
NS = 16
ROWS_PER_TILE = 640
ROW_CHUNK = 80
NRC = ROWS_PER_TILE // ROW_CHUNK
IDS_PER_TILE = B_ID // NS
EDGES_PER_TILE = E // NS
ECHUNK = 80
HCHUNKS = 63
NSPM = N + 8

BM = 5000


def _mm_body(x_ref, w_ref, hb_ref, g_ref):
    y = jnp.dot(x_ref[...], w_ref[...], preferred_element_type=jnp.float32)
    hb_ref[0] = y[:, 0:HALF]
    hb_ref[1] = y[:, HALF:2 * HALF]
    g_ref[0] = y[:, 2 * HALF:3 * HALF]
    g_ref[1] = y[:, 3 * HALF:4 * HALF]


def _matmul_tc(x, w2):
    return pl.pallas_call(
        _mm_body,
        grid=(N // BM,),
        in_specs=[pl.BlockSpec((BM, D), lambda i: (i, 0)),
                  pl.BlockSpec((D, 2 * D), lambda i: (0, 0))],
        out_specs=[pl.BlockSpec((NC, BM, HALF), lambda i: (0, i, 0)),
                   pl.BlockSpec((NC, BM, HALF), lambda i: (0, i, 0))],
        out_shape=[jax.ShapeDtypeStruct((NC, N, HALF), jnp.float32),
                   jax.ShapeDtypeStruct((NC, N, HALF), jnp.float32)],
    )(x, w2)


_sc_mesh = plsc.VectorSubcoreMesh(core_axis_name="c", subcore_axis_name="s")


@functools.partial(
    pl.kernel,
    out_type=[jax.ShapeDtypeStruct((N, D), jnp.float32),
              jax.ShapeDtypeStruct((NC, N, HALF), jnp.float32)],
    mesh=_sc_mesh,
    scratch_types=[
        pltpu.VMEM_SHARED((NSPM, HALF), jnp.float32),
        pltpu.VMEM((2, IDS_PER_TILE // 2), jnp.int32),
        pltpu.VMEM((HCHUNKS, ECHUNK), jnp.int32),
        pltpu.VMEM((HCHUNKS, ECHUNK), jnp.int32),
        pltpu.VMEM((ECHUNK, HALF), jnp.float32),
        pltpu.VMEM((ECHUNK, HALF), jnp.float32),
        pltpu.VMEM((ECHUNK, HALF), jnp.float32),
        pltpu.SemaphoreType.DMA((6,)),
        pltpu.SemaphoreType.DMA((3,)),
        pltpu.SemaphoreType.DMA,
        pltpu.SemaphoreType.DMA((2,)),
    ],
)
def _sc_gcn(hb, g, idv, srcr, dstr, out, htmp,
            shared, idq, srcv, dstv, rows0, rows1, rows2, gsems, ssems, sem,
            xsems):
    c = lax.axis_index("c")
    s = lax.axis_index("s")
    rbase = s * ROWS_PER_TILE

    def _rows_fold(fn):
        for k in range(NRC):
            off = rbase + k * ROW_CHUNK

            @pl.when(off < N)
            def _():
                fn(off)

    x0 = pltpu.async_copy(srcr.at[s].at[0], srcv, xsems.at[0])
    x1 = pltpu.async_copy(dstr.at[s].at[0], dstv, xsems.at[1])

    _rows_fold(lambda off: pltpu.sync_copy(
        hb.at[c].at[pl.ds(off, ROW_CHUNK)],
        shared.at[pl.ds(off, ROW_CHUNK)]))
    plsc.subcore_barrier()

    pltpu.sync_copy(idv.at[s], idq)
    for k in range(2):
        pltpu.async_copy(g.at[c].at[idq.at[k]],
                         rows0.at[pl.ds(0, IDS_PER_TILE // 2)], sem).wait()
        pltpu.sync_copy(rows0.at[pl.ds(0, IDS_PER_TILE // 2)],
                        shared.at[idq.at[k]], add=True)
    plsc.subcore_barrier()

    _rows_fold(lambda off: pltpu.sync_copy(
        shared.at[pl.ds(off, ROW_CHUNK)],
        htmp.at[c].at[pl.ds(off, ROW_CHUNK)]))

    zero16 = jnp.zeros((16,), jnp.float32)

    @pl.loop(0, ROW_CHUNK)
    def _zero_rows(i):
        for j2 in range(HALF // 16):
            rows0[i, pl.ds(j2 * 16, 16)] = zero16

    _rows_fold(lambda off: pltpu.sync_copy(
        rows0.at[pl.ds(0, ROW_CHUNK)],
        shared.at[pl.ds(off, ROW_CHUNK)]))

    pairs = (rows0, rows1, rows2)

    def _gather(j, k, p, gs):
        return pltpu.async_copy(
            htmp.at[c].at[srcv.at[j, pl.ds(k * 40, 40)]],
            pairs[p].at[pl.ds(k * 40, 40)], gs)

    def _scatter(j, p, ss):
        return pltpu.async_copy(pairs[p], shared.at[dstv.at[j]], ss,
                                add=True)

    for h2 in range(2):
        if h2 == 0:
            x0.wait()
            x1.wait()
            plsc.subcore_barrier()
        else:
            pltpu.sync_copy(srcr.at[s].at[h2], srcv)
            pltpu.sync_copy(dstr.at[s].at[h2], dstv)

        @pl.loop(0, HCHUNKS, step=3)
        def _edges(j):
            for u in range(3):
                @pl.when(j > 0)
                def _():
                    pltpu.make_async_copy(
                        pairs[u], shared.at[dstv.at[j + u - 3]],
                        ssems.at[u]).wait()
                _gather(j + u, 0, u, gsems.at[2 * u])
                _gather(j + u, 1, u, gsems.at[2 * u + 1])
            for u in range(3):
                pltpu.make_async_copy(
                    htmp.at[c].at[srcv.at[j + u, pl.ds(0, 40)]],
                    pairs[u].at[pl.ds(0, 40)], gsems.at[2 * u]).wait()
                pltpu.make_async_copy(
                    htmp.at[c].at[srcv.at[j + u, pl.ds(40, 40)]],
                    pairs[u].at[pl.ds(40, 40)], gsems.at[2 * u + 1]).wait()
                _scatter(j + u, u, ssems.at[u])

        for u in range(3):
            pltpu.make_async_copy(
                pairs[u], shared.at[dstv.at[HCHUNKS + u - 3]],
                ssems.at[u]).wait()

    plsc.subcore_barrier()

    _rows_fold(lambda off: pltpu.sync_copy(
        shared.at[pl.ds(off, ROW_CHUNK)],
        out.at[pl.ds(off, ROW_CHUNK), pl.ds(c * HALF, HALF)]))


def kernel(feature, edge_index, id, weight, weight_id):
    w2 = jnp.concatenate([weight, weight_id], axis=1)
    hb, g = _matmul_tc(feature, w2)
    pad = 2 * HCHUNKS * ECHUNK - EDGES_PER_TILE
    src = jnp.pad(edge_index[0].reshape(NS, EDGES_PER_TILE),
                  ((0, 0), (0, pad))).reshape(NS, 2, HCHUNKS, ECHUNK)
    dst = jnp.pad(edge_index[1].reshape(NS, EDGES_PER_TILE),
                  ((0, 0), (0, pad)),
                  constant_values=N).reshape(NS, 2, HCHUNKS, ECHUNK)
    id2 = id.reshape(NS, 2, IDS_PER_TILE // 2)
    out2, _ = _sc_gcn(hb, g, id2, src, dst)
    return out2

# --- scband reference (transcript-rebuilt; emitter-appended) ---
"""Pipeline reference for scband-gcnlayer-21449066676640 (READ-ONLY COPY).

The authoritative reference and input builder live on the scoring server;
editing this copy changes nothing except your own understanding.
"""

import jax, jax.numpy as jnp
import numpy as np

N = 10000
E = 160000
D_IN = 256
D_OUT = 256
B_ID = 2048


def _xavier_uniform(key, shape):
    fan_in, fan_out = shape[0], shape[1]
    limit = np.sqrt(6.0 / (fan_in + fan_out))
    return jax.random.uniform(key, shape, dtype=jnp.float32, minval=-limit, maxval=limit)


def setup_inputs(seed: int = 0) -> dict:
    key = jax.random.key(seed)
    k1, k2, k3, k4, k5 = jax.random.split(key, 5)
    feature = jax.random.normal(k1, (N, D_IN), dtype=jnp.float32)
    edge_index = jax.random.randint(k2, (2, E), 0, N, dtype=jnp.int32)
    id = jax.random.randint(k3, (B_ID,), 0, N, dtype=jnp.int32)
    weight = _xavier_uniform(k4, (D_IN, D_OUT))
    weight_id = _xavier_uniform(k5, (D_IN, D_OUT))
    return {"feature": feature, "edge_index": edge_index, "id": id, "weight": weight, "weight_id": weight_id}


def reference(feature, edge_index, id, weight, weight_id):
    # feature_id = index_select(feature, 0, id) @ weight_id
    feature_id = jnp.take(feature, id, axis=0) @ weight_id
    # feature = feature @ weight
    h = feature @ weight
    # feature.index_add_(0, id, feature_id)  (duplicate indices accumulate)
    h = h.at[id].add(feature_id)
    # DGL update_all(copy_src, sum): out[dst] = sum over in-edges of h[src]
    src = edge_index[0]
    dst = edge_index[1]
    out = jax.ops.segment_sum(jnp.take(h, src, axis=0), dst, num_segments=N)
    return out

if __name__ == "__main__":
    import jax
    _d = setup_inputs()
    print(jax.jit(kernel)(*tuple(_d.values())))

</pallas_src>

<mosaic_0001>
#map = affine_map<(d0, d1) -> (0, 0, 0)>
#map1 = affine_map<(d0, d1) -> (0, 0, 0, 0)>
#map2 = affine_map<(d0, d1) -> (0, 0)>
module attributes {stable_mosaic.version = 14 : i64} {
  func.func @_sc_gcn(%arg0: i32, %arg1: i32, %arg2: memref<2x10000x128xf32, #tpu.memory_space<hbm>>, %arg3: memref<2x10000x128xf32, #tpu.memory_space<hbm>>, %arg4: memref<16x2x64xi32, #tpu.memory_space<hbm>>, %arg5: memref<16x2x63x80xi32, #tpu.memory_space<hbm>>, %arg6: memref<16x2x63x80xi32, #tpu.memory_space<hbm>>, %arg7: memref<10000x256xf32, #tpu.memory_space<hbm>>, %arg8: memref<2x10000x128xf32, #tpu.memory_space<hbm>>, %arg9: memref<10008x128xf32, #tpu.memory_space<vmem_shared>>, %arg10: memref<2x64xi32, #tpu.memory_space<vmem>>, %arg11: memref<63x80xi32, #tpu.memory_space<vmem>>, %arg12: memref<63x80xi32, #tpu.memory_space<vmem>>, %arg13: memref<80x128xf32, #tpu.memory_space<vmem>>, %arg14: memref<80x128xf32, #tpu.memory_space<vmem>>, %arg15: memref<80x128xf32, #tpu.memory_space<vmem>>, %arg16: memref<6x!tpu.dma_semaphore, #tpu.memory_space<semaphore_mem>>, %arg17: memref<3x!tpu.dma_semaphore, #tpu.memory_space<semaphore_mem>>, %arg18: memref<!tpu.dma_semaphore, #tpu.memory_space<semaphore_mem>>, %arg19: memref<2x!tpu.dma_semaphore, #tpu.memory_space<semaphore_mem>>) attributes {dimension_semantics = [#tpu.dimension_semantics<core_parallel>, #tpu.dimension_semantics<subcore_parallel>], iteration_bounds = array<i64: 2, 16>, scalar_prefetch = 0 : i64, scratch_operands = 11 : i64, tpu.core_type = #tpu.core_type<sc_vector_subcore>, window_params = [{transform_indices = #map}, {transform_indices = #map}, {transform_indices = #map}, {transform_indices = #map1}, {transform_indices = #map1}, {transform_indices = #map2}, {transform_indices = #map}]} {
    %mul3A = arith.constant 640 : i32
    %mul3A_0 = arith.muli %arg1, %mul3A : i32
    %dma_start3A = arith.constant 0 : i32
    %dma_start3A_1 = arith.constant 0 : i32
    %dma_start3A_2 = arith.constant 0 : i32
    %dma_start3A_3 = arith.constant 0 : i32
    %dma_start3A_4 = arith.constant 0 : i32
    %dma_start3A_5 = tpu.memref_slice %arg5[%arg1, %dma_start3A_2, %dma_start3A_3, %dma_start3A_4] : memref<16x2x63x80xi32, #tpu.memory_space<hbm>> -> memref<1x2x63x80xi32, #tpu.memory_space<hbm>>
    %dma_start3A_6 = tpu.memref_squeeze %dma_start3A_5 : memref<1x2x63x80xi32, #tpu.memory_space<hbm>> -> memref<2x63x80xi32, #tpu.memory_space<hbm>>
    %dma_start3A_7 = arith.constant 0 : i32
    %dma_start3A_8 = arith.constant 0 : i32
    %dma_start3A_9 = tpu.memref_slice %dma_start3A_6[%dma_start3A, %dma_start3A_7, %dma_start3A_8] : memref<2x63x80xi32, #tpu.memory_space<hbm>> -> memref<1x63x80xi32, #tpu.memory_space<hbm>>
    %dma_start3A_10 = tpu.memref_squeeze %dma_start3A_9 : memref<1x63x80xi32, #tpu.memory_space<hbm>> -> memref<63x80xi32, #tpu.memory_space<hbm>>
    %dma_start3A_11 = tpu.memref_slice %arg19[%dma_start3A_1] : memref<2x!tpu.dma_semaphore, #tpu.memory_space<semaphore_mem>> -> memref<1x!tpu.dma_semaphore, #tpu.memory_space<semaphore_mem>>
    %dma_start3A_12 = tpu.memref_squeeze %dma_start3A_11 : memref<1x!tpu.dma_semaphore, #tpu.memory_space<semaphore_mem>> -> memref<!tpu.dma_semaphore, #tpu.memory_space<semaphore_mem>>
    %dma_start3A_13 = arith.constant 0 : i32
    %dma_start3A_14 = arith.constant 0 : i32
    %dma_start3A_15 = arith.constant 0 : i32
    %dma_start3A_16 = tpu.memref_slice %arg5[%arg1, %dma_start3A_13, %dma_start3A_14, %dma_start3A_15] : memref<16x2x63x80xi32, #tpu.memory_space<hbm>> -> memref<1x2x63x80xi32, #tpu.memory_space<hbm>>
    %dma_start3A_17 = tpu.memref_squeeze %dma_start3A_16 : memref<1x2x63x80xi32, #tpu.memory_space<hbm>> -> memref<2x63x80xi32, #tpu.memory_space<hbm>>
    %dma_start3A_18 = arith.constant 0 : i32
    %dma_start3A_19 = arith.constant 0 : i32
    %dma_start3A_20 = tpu.memref_slice %dma_start3A_17[%dma_start3A, %dma_start3A_18, %dma_start3A_19] : memref<2x63x80xi32, #tpu.memory_space<hbm>> -> memref<1x63x80xi32, #tpu.memory_space<hbm>>
    %dma_start3A_21 = tpu.memref_squeeze %dma_start3A_20 : memref<1x63x80xi32, #tpu.memory_space<hbm>> -> memref<63x80xi32, #tpu.memory_space<hbm>>
    tpu.enqueue_dma source(%dma_start3A_21 : memref<63x80xi32, #tpu.memory_space<hbm>>) target(%arg11 : memref<63x80xi32, #tpu.memory_space<vmem>>) target_semaphore(%dma_start3A_12 : memref<!tpu.dma_semaphore, #tpu.memory_space<semaphore_mem>>)
    %dma_start3A_22 = arith.constant 0 : i32
    %dma_start3A_23 = arith.constant 1 : i32
    %dma_start3A_24 = arith.constant 0 : i32
    %dma_start3A_25 = arith.constant 0 : i32
    %dma_start3A_26 = arith.constant 0 : i32
    %dma_start3A_27 = tpu.memref_slice %arg6[%arg1, %dma_start3A_24, %dma_start3A_25, %dma_start3A_26] : memref<16x2x63x80xi32, #tpu.memory_space<hbm>> -> memref<1x2x63x80xi32, #tpu.memory_space<hbm>>
    %dma_start3A_28 = tpu.memref_squeeze %dma_start3A_27 : memref<1x2x63x80xi32, #tpu.memory_space<hbm>> -> memref<2x63x80xi32, #tpu.memory_space<hbm>>
    %dma_start3A_29 = arith.constant 0 : i32
    %dma_start3A_30 = arith.constant 0 : i32
    %dma_start3A_31 = tpu.memref_slice %dma_start3A_28[%dma_start3A_22, %dma_start3A_29, %dma_start3A_30] : memref<2x63x80xi32, #tpu.memory_space<hbm>> -> memref<1x63x80xi32, #tpu.memory_space<hbm>>
    %dma_start3A_32 = tpu.memref_squeeze %dma_start3A_31 : memref<1x63x80xi32, #tpu.memory_space<hbm>> -> memref<63x80xi32, #tpu.memory_space<hbm>>
    %dma_start3A_33 = tpu.memref_slice %arg19[%dma_start3A_23] : memref<2x!tpu.dma_semaphore, #tpu.memory_space<semaphore_mem>> -> memref<1x!tpu.dma_semaphore, #tpu.memory_space<semaphore_mem>>
    %dma_start3A_34 = tpu.memref_squeeze %dma_start3A_33 : memref<1x!tpu.dma_semaphore, #tpu.memory_space<semaphore_mem>> -> memref<!tpu.dma_semaphore, #tpu.memory_space<semaphore_mem>>
    %dma_start3A_35 = arith.constant 0 : i32
    %dma_start3A_36 = arith.constant 0 : i32
    %dma_start3A_37 = arith.constant 0 : i32
    %dma_start3A_38 = tpu.memref_slice %arg6[%arg1, %dma_start3A_35, %dma_start3A_36, %dma_start3A_37] : memref<16x2x63x80xi32, #tpu.memory_space<hbm>> -> memref<1x2x63x80xi32, #tpu.memory_space<hbm>>
    %dma_start3A_39 = tpu.memref_squeeze %dma_start3A_38 : memref<1x2x63x80xi32, #tpu.memory_space<hbm>> -> memref<2x63x80xi32, #tpu.memory_space<hbm>>
    %dma_start3A_40 = arith.constant 0 : i32
    %dma_start3A_41 = arith.constant 0 : i32
    %dma_start3A_42 = tpu.memref_slice %dma_start3A_39[%dma_start3A_22, %dma_start3A_40, %dma_start3A_41] : memref<2x63x80xi32, #tpu.memory_space<hbm>> -> memref<1x63x80xi32, #tpu.memory_space<hbm>>
    %dma_start3A_43 = tpu.memref_squeeze %dma_start3A_42 : memref<1x63x80xi32, #tpu.memory_space<hbm>> -> memref<63x80xi32, #tpu.memory_space<hbm>>
    tpu.enqueue_dma source(%dma_start3A_43 : memref<63x80xi32, #tpu.memory_space<hbm>>) target(%arg12 : memref<63x80xi32, #tpu.memory_space<vmem>>) target_semaphore(%dma_start3A_34 : memref<!tpu.dma_semaphore, #tpu.memory_space<semaphore_mem>>)
    %add3A = arith.constant 0 : i32
    %add3A_44 = arith.addi %mul3A_0, %add3A : i32
    %lt3A = arith.constant 10000 : i32
    %lt3A_45 = arith.cmpi slt, %add3A_44, %lt3A : i32
    %convert_element_type3A = arith.extui %lt3A_45 : i1 to i32
    %cond3A = arith.constant 0 : i32
    %cond3A_46 = arith.cmpi ne, %convert_element_type3A, %cond3A : i32
    scf.if %cond3A_46 {
      "tpu.region"() ({
        %run_scoped3A_444 = tpu.sem_alloc : memref<!tpu.dma_semaphore, #tpu.memory_space<semaphore_mem>>
        %dma_start3A_445 = arith.constant 0 : i32
        %dma_start3A_446 = tpu.memref_slice %arg9[%add3A_44, %dma_start3A_445] : memref<10008x128xf32, #tpu.memory_space<vmem_shared>> -> memref<80x128xf32, #tpu.memory_space<vmem_shared>>
        %dma_start3A_447 = arith.constant 0 : i32
        %dma_start3A_448 = arith.constant 0 : i32
        %dma_start3A_449 = tpu.memref_slice %arg2[%arg0, %dma_start3A_447, %dma_start3A_448] : memref<2x10000x128xf32, #tpu.memory_space<hbm>> -> memref<1x10000x128xf32, #tpu.memory_space<hbm>>
        %dma_start3A_450 = tpu.memref_squeeze %dma_start3A_449 : memref<1x10000x128xf32, #tpu.memory_space<hbm>> -> memref<10000x128xf32, #tpu.memory_space<hbm>>
        %dma_start3A_451 = arith.constant 0 : i32
        %dma_start3A_452 = tpu.memref_slice %dma_start3A_450[%add3A_44, %dma_start3A_451] : memref<10000x128xf32, #tpu.memory_space<hbm>> -> memref<80x128xf32, #tpu.memory_space<hbm>>
        tpu.enqueue_dma source(%dma_start3A_452 : memref<80x128xf32, #tpu.memory_space<hbm>>) target(%dma_start3A_446 : memref<80x128xf32, #tpu.memory_space<vmem_shared>>) target_semaphore(%run_scoped3A_444 : memref<!tpu.dma_semaphore, #tpu.memory_space<semaphore_mem>>)
        %dma_wait3A_453 = arith.constant 0 : i32
        %dma_wait3A_454 = tpu.memref_slice %arg9[%add3A_44, %dma_wait3A_453] : memref<10008x128xf32, #tpu.memory_space<vmem_shared>> -> memref<80x128xf32, #tpu.memory_space<vmem_shared>>
        %dma_wait3A_455 = arith.constant 0 : i32
        %dma_wait3A_456 = arith.constant 0 : i32
        %dma_wait3A_457 = tpu.memref_slice %arg2[%arg0, %dma_wait3A_455, %dma_wait3A_456] : memref<2x10000x128xf32, #tpu.memory_space<hbm>> -> memref<1x10000x128xf32, #tpu.memory_space<hbm>>
        %dma_wait3A_458 = tpu.memref_squeeze %dma_wait3A_457 : memref<1x10000x128xf32, #tpu.memory_space<hbm>> -> memref<10000x128xf32, #tpu.memory_space<hbm>>
        %dma_wait3A_459 = arith.constant 0 : i32
        %dma_wait3A_460 = tpu.memref_slice %dma_wait3A_458[%add3A_44, %dma_wait3A_459] : memref<10000x128xf32, #tpu.memory_space<hbm>> -> memref<80x128xf32, #tpu.memory_space<hbm>>
        tpu.wait_dma2 semaphore(%run_scoped3A_444 : memref<!tpu.dma_semaphore, #tpu.memory_space<semaphore_mem>>) src(%dma_wait3A_460 : memref<80x128xf32, #tpu.memory_space<hbm>>) dst(%dma_wait3A_454 : memref<80x128xf32, #tpu.memory_space<vmem_shared>>)
        tpu.yield
      }) : () -> ()
    } else {
    }
    %add3A_47 = arith.constant 80 : i32
    %add3A_48 = arith.addi %mul3A_0, %add3A_47 : i32
    %lt3A_49 = arith.constant 10000 : i32
    %lt3A_50 = arith.cmpi slt, %add3A_48, %lt3A_49 : i32
    %convert_element_type3A_51 = arith.extui %lt3A_50 : i1 to i32
    %cond3A_52 = arith.constant 0 : i32
    %cond3A_53 = arith.cmpi ne, %convert_element_type3A_51, %cond3A_52 : i32
    scf.if %cond3A_53 {
      "tpu.region"() ({
        %run_scoped3A_444 = tpu.sem_alloc : memref<!tpu.dma_semaphore, #tpu.memory_space<semaphore_mem>>
        %dma_start3A_445 = arith.constant 0 : i32
        %dma_start3A_446 = tpu.memref_slice %arg9[%add3A_48, %dma_start3A_445] : memref<10008x128xf32, #tpu.memory_space<vmem_shared>> -> memref<80x128xf32, #tpu.memory_space<vmem_shared>>
        %dma_start3A_447 = arith.constant 0 : i32
        %dma_start3A_448 = arith.constant 0 : i32
        %dma_start3A_449 = tpu.memref_slice %arg2[%arg0, %dma_start3A_447, %dma_start3A_448] : memref<2x10000x128xf32, #tpu.memory_space<hbm>> -> memref<1x10000x128xf32, #tpu.memory_space<hbm>>
        %dma_start3A_450 = tpu.memref_squeeze %dma_start3A_449 : memref<1x10000x128xf32, #tpu.memory_space<hbm>> -> memref<10000x128xf32, #tpu.memory_space<hbm>>
        %dma_start3A_451 = arith.constant 0 : i32
        %dma_start3A_452 = tpu.memref_slice %dma_start3A_450[%add3A_48, %dma_start3A_451] : memref<10000x128xf32, #tpu.memory_space<hbm>> -> memref<80x128xf32, #tpu.memory_space<hbm>>
        tpu.enqueue_dma source(%dma_start3A_452 : memref<80x128xf32, #tpu.memory_space<hbm>>) target(%dma_start3A_446 : memref<80x128xf32, #tpu.memory_space<vmem_shared>>) target_semaphore(%run_scoped3A_444 : memref<!tpu.dma_semaphore, #tpu.memory_space<semaphore_mem>>)
        %dma_wait3A_453 = arith.constant 0 : i32
        %dma_wait3A_454 = tpu.memref_slice %arg9[%add3A_48, %dma_wait3A_453] : memref<10008x128xf32, #tpu.memory_space<vmem_shared>> -> memref<80x128xf32, #tpu.memory_space<vmem_shared>>
        %dma_wait3A_455 = arith.constant 0 : i32
        %dma_wait3A_456 = arith.constant 0 : i32
        %dma_wait3A_457 = tpu.memref_slice %arg2[%arg0, %dma_wait3A_455, %dma_wait3A_456] : memref<2x10000x128xf32, #tpu.memory_space<hbm>> -> memref<1x10000x128xf32, #tpu.memory_space<hbm>>
        %dma_wait3A_458 = tpu.memref_squeeze %dma_wait3A_457 : memref<1x10000x128xf32, #tpu.memory_space<hbm>> -> memref<10000x128xf32, #tpu.memory_space<hbm>>
        %dma_wait3A_459 = arith.constant 0 : i32
        %dma_wait3A_460 = tpu.memref_slice %dma_wait3A_458[%add3A_48, %dma_wait3A_459] : memref<10000x128xf32, #tpu.memory_space<hbm>> -> memref<80x128xf32, #tpu.memory_space<hbm>>
        tpu.wait_dma2 semaphore(%run_scoped3A_444 : memref<!tpu.dma_semaphore, #tpu.memory_space<semaphore_mem>>) src(%dma_wait3A_460 : memref<80x128xf32, #tpu.memory_space<hbm>>) dst(%dma_wait3A_454 : memref<80x128xf32, #tpu.memory_space<vmem_shared>>)
        tpu.yield
      }) : () -> ()
    } else {
    }
    %add3A_54 = arith.constant 160 : i32
    %add3A_55 = arith.addi %mul3A_0, %add3A_54 : i32
    %lt3A_56 = arith.constant 10000 : i32
    %lt3A_57 = arith.cmpi slt, %add3A_55, %lt3A_56 : i32
    %convert_element_type3A_58 = arith.extui %lt3A_57 : i1 to i32
    %cond3A_59 = arith.constant 0 : i32
    %cond3A_60 = arith.cmpi ne, %convert_element_type3A_58, %cond3A_59 : i32
    scf.if %cond3A_60 {
      "tpu.region"() ({
        %run_scoped3A_444 = tpu.sem_alloc : memref<!tpu.dma_semaphore, #tpu.memory_space<semaphore_mem>>
        %dma_start3A_445 = arith.constant 0 : i32
        %dma_start3A_446 = tpu.memref_slice %arg9[%add3A_55, %dma_start3A_445] : memref<10008x128xf32, #tpu.memory_space<vmem_shared>> -> memref<80x128xf32, #tpu.memory_space<vmem_shared>>
        %dma_start3A_447 = arith.constant 0 : i32
        %dma_start3A_448 = arith.constant 0 : i32
        %dma_start3A_449 = tpu.memref_slice %arg2[%arg0, %dma_start3A_447, %dma_start3A_448] : memref<2x10000x128xf32, #tpu.memory_space<hbm>> -> memref<1x10000x128xf32, #tpu.memory_space<hbm>>
        %dma_start3A_450 = tpu.memref_squeeze %dma_start3A_449 : memref<1x10000x128xf32, #tpu.memory_space<hbm>> -> memref<10000x128xf32, #tpu.memory_space<hbm>>
        %dma_start3A_451 = arith.constant 0 : i32
        %dma_start3A_452 = tpu.memref_slice %dma_start3A_450[%add3A_55, %dma_start3A_451] : memref<10000x128xf32, #tpu.memory_space<hbm>> -> memref<80x128xf32, #tpu.memory_space<hbm>>
        tpu.enqueue_dma source(%dma_start3A_452 : memref<80x128xf32, #tpu.memory_space<hbm>>) target(%dma_start3A_446 : memref<80x128xf32, #tpu.memory_space<vmem_shared>>) target_semaphore(%run_scoped3A_444 : memref<!tpu.dma_semaphore, #tpu.memory_space<semaphore_mem>>)
        %dma_wait3A_453 = arith.constant 0 : i32
        %dma_wait3A_454 = tpu.memref_slice %arg9[%add3A_55, %dma_wait3A_453] : memref<10008x128xf32, #tpu.memory_space<vmem_shared>> -> memref<80x128xf32, #tpu.memory_space<vmem_shared>>
        %dma_wait3A_455 = arith.constant 0 : i32
        %dma_wait3A_456 = arith.constant 0 : i32
        %dma_wait3A_457 = tpu.memref_slice %arg2[%arg0, %dma_wait3A_455, %dma_wait3A_456] : memref<2x10000x128xf32, #tpu.memory_space<hbm>> -> memref<1x10000x128xf32, #tpu.memory_space<hbm>>
        %dma_wait3A_458 = tpu.memref_squeeze %dma_wait3A_457 : memref<1x10000x128xf32, #tpu.memory_space<hbm>> -> memref<10000x128xf32, #tpu.memory_space<hbm>>
        %dma_wait3A_459 = arith.constant 0 : i32
        %dma_wait3A_460 = tpu.memref_slice %dma_wait3A_458[%add3A_55, %dma_wait3A_459] : memref<10000x128xf32, #tpu.memory_space<hbm>> -> memref<80x128xf32, #tpu.memory_space<hbm>>
        tpu.wait_dma2 semaphore(%run_scoped3A_444 : memref<!tpu.dma_semaphore, #tpu.memory_space<semaphore_mem>>) src(%dma_wait3A_460 : memref<80x128xf32, #tpu.memory_space<hbm>>) dst(%dma_wait3A_454 : memref<80x128xf32, #tpu.memory_space<vmem_shared>>)
        tpu.yield
      }) : () -> ()
    } else {
    }
    %add3A_61 = arith.constant 240 : i32
    %add3A_62 = arith.addi %mul3A_0, %add3A_61 : i32
    %lt3A_63 = arith.constant 10000 : i32
    %lt3A_64 = arith.cmpi slt, %add3A_62, %lt3A_63 : i32
    %convert_element_type3A_65 = arith.extui %lt3A_64 : i1 to i32
    %cond3A_66 = arith.constant 0 : i32
    %cond3A_67 = arith.cmpi ne, %convert_element_type3A_65, %cond3A_66 : i32
    scf.if %cond3A_67 {
      "tpu.region"() ({
        %run_scoped3A_444 = tpu.sem_alloc : memref<!tpu.dma_semaphore, #tpu.memory_space<semaphore_mem>>
        %dma_start3A_445 = arith.constant 0 : i32
        %dma_start3A_446 = tpu.memref_slice %arg9[%add3A_62, %dma_start3A_445] : memref<10008x128xf32, #tpu.memory_space<vmem_shared>> -> memref<80x128xf32, #tpu.memory_space<vmem_shared>>
        %dma_start3A_447 = arith.constant 0 : i32
        %dma_start3A_448 = arith.constant 0 : i32
        %dma_start3A_449 = tpu.memref_slice %arg2[%arg0, %dma_start3A_447, %dma_start3A_448] : memref<2x10000x128xf32, #tpu.memory_space<hbm>> -> memref<1x10000x128xf32, #tpu.memory_space<hbm>>
        %dma_start3A_450 = tpu.memref_squeeze %dma_start3A_449 : memref<1x10000x128xf32, #tpu.memory_space<hbm>> -> memref<10000x128xf32, #tpu.memory_space<hbm>>
        %dma_start3A_451 = arith.constant 0 : i32
        %dma_start3A_452 = tpu.memref_slice %dma_start3A_450[%add3A_62, %dma_start3A_451] : memref<10000x128xf32, #tpu.memory_space<hbm>> -> memref<80x128xf32, #tpu.memory_space<hbm>>
        tpu.enqueue_dma source(%dma_start3A_452 : memref<80x128xf32, #tpu.memory_space<hbm>>) target(%dma_start3A_446 : memref<80x128xf32, #tpu.memory_space<vmem_shared>>) target_semaphore(%run_scoped3A_444 : memref<!tpu.dma_semaphore, #tpu.memory_space<semaphore_mem>>)
        %dma_wait3A_453 = arith.constant 0 : i32
        %dma_wait3A_454 = tpu.memref_slice %arg9[%add3A_62, %dma_wait3A_453] : memref<10008x128xf32, #tpu.memory_space<vmem_shared>> -> memref<80x128xf32, #tpu.memory_space<vmem_shared>>
        %dma_wait3A_455 = arith.constant 0 : i32
        %dma_wait3A_456 = arith.constant 0 : i32
        %dma_wait3A_457 = tpu.memref_slice %arg2[%arg0, %dma_wait3A_455, %dma_wait3A_456] : memref<2x10000x128xf32, #tpu.memory_space<hbm>> -> memref<1x10000x128xf32, #tpu.memory_space<hbm>>
        %dma_wait3A_458 = tpu.memref_squeeze %dma_wait3A_457 : memref<1x10000x128xf32, #tpu.memory_space<hbm>> -> memref<10000x128xf32, #tpu.memory_space<hbm>>
        %dma_wait3A_459 = arith.constant 0 : i32
        %dma_wait3A_460 = tpu.memref_slice %dma_wait3A_458[%add3A_62, %dma_wait3A_459] : memref<10000x128xf32, #tpu.memory_space<hbm>> -> memref<80x128xf32, #tpu.memory_space<hbm>>
        tpu.wait_dma2 semaphore(%run_scoped3A_444 : memref<!tpu.dma_semaphore, #tpu.memory_space<semaphore_mem>>) src(%dma_wait3A_460 : memref<80x128xf32, #tpu.memory_space<hbm>>) dst(%dma_wait3A_454 : memref<80x128xf32, #tpu.memory_space<vmem_shared>>)
        tpu.yield
      }) : () -> ()
    } else {
    }
    %add3A_68 = arith.constant 320 : i32
    %add3A_69 = arith.addi %mul3A_0, %add3A_68 : i32
    %lt3A_70 = arith.constant 10000 : i32
    %lt3A_71 = arith.cmpi slt, %add3A_69, %lt3A_70 : i32
    %convert_element_type3A_72 = arith.extui %lt3A_71 : i1 to i32
    %cond3A_73 = arith.constant 0 : i32
    %cond3A_74 = arith.cmpi ne, %convert_element_type3A_72, %cond3A_73 : i32
    scf.if %cond3A_74 {
      "tpu.region"() ({
        %run_scoped3A_444 = tpu.sem_alloc : memref<!tpu.dma_semaphore, #tpu.memory_space<semaphore_mem>>
        %dma_start3A_445 = arith.constant 0 : i32
        %dma_start3A_446 = tpu.memref_slice %arg9[%add3A_69, %dma_start3A_445] : memref<10008x128xf32, #tpu.memory_space<vmem_shared>> -> memref<80x128xf32, #tpu.memory_space<vmem_shared>>
        %dma_start3A_447 = arith.constant 0 : i32
        %dma_start3A_448 = arith.constant 0 : i32
        %dma_start3A_449 = tpu.memref_slice %arg2[%arg0, %dma_start3A_447, %dma_start3A_448] : memref<2x10000x128xf32, #tpu.memory_space<hbm>> -> memref<1x10000x128xf32, #tpu.memory_space<hbm>>
        %dma_start3A_450 = tpu.memref_squeeze %dma_start3A_449 : memref<1x10000x128xf32, #tpu.memory_space<hbm>> -> memref<10000x128xf32, #tpu.memory_space<hbm>>
        %dma_start3A_451 = arith.constant 0 : i32
        %dma_start3A_452 = tpu.memref_slice %dma_start3A_450[%add3A_69, %dma_start3A_451] : memref<10000x128xf32, #tpu.memory_space<hbm>> -> memref<80x128xf32, #tpu.memory_space<hbm>>
        tpu.enqueue_dma source(%dma_start3A_452 : memref<80x128xf32, #tpu.memory_space<hbm>>) target(%dma_start3A_446 : memref<80x128xf32, #tpu.memory_space<vmem_shared>>) target_semaphore(%run_scoped3A_444 : memref<!tpu.dma_semaphore, #tpu.memory_space<semaphore_mem>>)
        %dma_wait3A_453 = arith.constant 0 : i32
        %dma_wait3A_454 = tpu.memref_slice %arg9[%add3A_69, %dma_wait3A_453] : memref<10008x128xf32, #tpu.memory_space<vmem_shared>> -> memref<80x128xf32, #tpu.memory_space<vmem_shared>>
        %dma_wait3A_455 = arith.constant 0 : i32
        %dma_wait3A_456 = arith.constant 0 : i32
        %dma_wait3A_457 = tpu.memref_slice %arg2[%arg0, %dma_wait3A_455, %dma_wait3A_456] : memref<2x10000x128xf32, #tpu.memory_space<hbm>> -> memref<1x10000x128xf32, #tpu.memory_space<hbm>>
        %dma_wait3A_458 = tpu.memref_squeeze %dma_wait3A_457 : memref<1x10000x128xf32, #tpu.memory_space<hbm>> -> memref<10000x128xf32, #tpu.memory_space<hbm>>
        %dma_wait3A_459 = arith.constant 0 : i32
        %dma_wait3A_460 = tpu.memref_slice %dma_wait3A_458[%add3A_69, %dma_wait3A_459] : memref<10000x128xf32, #tpu.memory_space<hbm>> -> memref<80x128xf32, #tpu.memory_space<hbm>>
        tpu.wait_dma2 semaphore(%run_scoped3A_444 : memref<!tpu.dma_semaphore, #tpu.memory_space<semaphore_mem>>) src(%dma_wait3A_460 : memref<80x128xf32, #tpu.memory_space<hbm>>) dst(%dma_wait3A_454 : memref<80x128xf32, #tpu.memory_space<vmem_shared>>)
        tpu.yield
      }) : () -> ()
    } else {
    }
    %add3A_75 = arith.constant 400 : i32
    %add3A_76 = arith.addi %mul3A_0, %add3A_75 : i32
    %lt3A_77 = arith.constant 10000 : i32
    %lt3A_78 = arith.cmpi slt, %add3A_76, %lt3A_77 : i32
    %convert_element_type3A_79 = arith.extui %lt3A_78 : i1 to i32
    %cond3A_80 = arith.constant 0 : i32
    %cond3A_81 = arith.cmpi ne, %convert_element_type3A_79, %cond3A_80 : i32
    scf.if %cond3A_81 {
      "tpu.region"() ({
        %run_scoped3A_444 = tpu.sem_alloc : memref<!tpu.dma_semaphore, #tpu.memory_space<semaphore_mem>>
        %dma_start3A_445 = arith.constant 0 : i32
        %dma_start3A_446 = tpu.memref_slice %arg9[%add3A_76, %dma_start3A_445] : memref<10008x128xf32, #tpu.memory_space<vmem_shared>> -> memref<80x128xf32, #tpu.memory_space<vmem_shared>>
        %dma_start3A_447 = arith.constant 0 : i32
        %dma_start3A_448 = arith.constant 0 : i32
        %dma_start3A_449 = tpu.memref_slice %arg2[%arg0, %dma_start3A_447, %dma_start3A_448] : memref<2x10000x128xf32, #tpu.memory_space<hbm>> -> memref<1x10000x128xf32, #tpu.memory_space<hbm>>
        %dma_start3A_450 = tpu.memref_squeeze %dma_start3A_449 : memref<1x10000x128xf32, #tpu.memory_space<hbm>> -> memref<10000x128xf32, #tpu.memory_space<hbm>>
        %dma_start3A_451 = arith.constant 0 : i32
        %dma_start3A_452 = tpu.memref_slice %dma_start3A_450[%add3A_76, %dma_start3A_451] : memref<10000x128xf32, #tpu.memory_space<hbm>> -> memref<80x128xf32, #tpu.memory_space<hbm>>
        tpu.enqueue_dma source(%dma_start3A_452 : memref<80x128xf32, #tpu.memory_space<hbm>>) target(%dma_start3A_446 : memref<80x128xf32, #tpu.memory_space<vmem_shared>>) target_semaphore(%run_scoped3A_444 : memref<!tpu.dma_semaphore, #tpu.memory_space<semaphore_mem>>)
        %dma_wait3A_453 = arith.constant 0 : i32
        %dma_wait3A_454 = tpu.memref_slice %arg9[%add3A_76, %dma_wait3A_453] : memref<10008x128xf32, #tpu.memory_space<vmem_shared>> -> memref<80x128xf32, #tpu.memory_space<vmem_shared>>
        %dma_wait3A_455 = arith.constant 0 : i32
        %dma_wait3A_456 = arith.constant 0 : i32
        %dma_wait3A_457 = tpu.memref_slice %arg2[%arg0, %dma_wait3A_455, %dma_wait3A_456] : memref<2x10000x128xf32, #tpu.memory_space<hbm>> -> memref<1x10000x128xf32, #tpu.memory_space<hbm>>
        %dma_wait3A_458 = tpu.memref_squeeze %dma_wait3A_457 : memref<1x10000x128xf32, #tpu.memory_space<hbm>> -> memref<10000x128xf32, #tpu.memory_space<hbm>>
        %dma_wait3A_459 = arith.constant 0 : i32
        %dma_wait3A_460 = tpu.memref_slice %dma_wait3A_458[%add3A_76, %dma_wait3A_459] : memref<10000x128xf32, #tpu.memory_space<hbm>> -> memref<80x128xf32, #tpu.memory_space<hbm>>
        tpu.wait_dma2 semaphore(%run_scoped3A_444 : memref<!tpu.dma_semaphore, #tpu.memory_space<semaphore_mem>>) src(%dma_wait3A_460 : memref<80x128xf32, #tpu.memory_space<hbm>>) dst(%dma_wait3A_454 : memref<80x128xf32, #tpu.memory_space<vmem_shared>>)
        tpu.yield
      }) : () -> ()
    } else {
    }
    %add3A_82 = arith.constant 480 : i32
    %add3A_83 = arith.addi %mul3A_0, %add3A_82 : i32
    %lt3A_84 = arith.constant 10000 : i32
    %lt3A_85 = arith.cmpi slt, %add3A_83, %lt3A_84 : i32
    %convert_element_type3A_86 = arith.extui %lt3A_85 : i1 to i32
    %cond3A_87 = arith.constant 0 : i32
    %cond3A_88 = arith.cmpi ne, %convert_element_type3A_86, %cond3A_87 : i32
    scf.if %cond3A_88 {
      "tpu.region"() ({
        %run_scoped3A_444 = tpu.sem_alloc : memref<!tpu.dma_semaphore, #tpu.memory_space<semaphore_mem>>
        %dma_start3A_445 = arith.constant 0 : i32
        %dma_start3A_446 = tpu.memref_slice %arg9[%add3A_83, %dma_start3A_445] : memref<10008x128xf32, #tpu.memory_space<vmem_shared>> -> memref<80x128xf32, #tpu.memory_space<vmem_shared>>
        %dma_start3A_447 = arith.constant 0 : i32
        %dma_start3A_448 = arith.constant 0 : i32
        %dma_start3A_449 = tpu.memref_slice %arg2[%arg0, %dma_start3A_447, %dma_start3A_448] : memref<2x10000x128xf32, #tpu.memory_space<hbm>> -> memref<1x10000x128xf32, #tpu.memory_space<hbm>>
        %dma_start3A_450 = tpu.memref_squeeze %dma_start3A_449 : memref<1x10000x128xf32, #tpu.memory_space<hbm>> -> memref<10000x128xf32, #tpu.memory_space<hbm>>
        %dma_start3A_451 = arith.constant 0 : i32
        %dma_start3A_452 = tpu.memref_slice %dma_start3A_450[%add3A_83, %dma_start3A_451] : memref<10000x128xf32, #tpu.memory_space<hbm>> -> memref<80x128xf32, #tpu.memory_space<hbm>>
        tpu.enqueue_dma source(%dma_start3A_452 : memref<80x128xf32, #tpu.memory_space<hbm>>) target(%dma_start3A_446 : memref<80x128xf32, #tpu.memory_space<vmem_shared>>) target_semaphore(%run_scoped3A_444 : memref<!tpu.dma_semaphore, #tpu.memory_space<semaphore_mem>>)
        %dma_wait3A_453 = arith.constant 0 : i32
        %dma_wait3A_454 = tpu.memref_slice %arg9[%add3A_83, %dma_wait3A_453] : memref<10008x128xf32, #tpu.memory_space<vmem_shared>> -> memref<80x128xf32, #tpu.memory_space<vmem_shared>>
        %dma_wait3A_455 = arith.constant 0 : i32
        %dma_wait3A_456 = arith.constant 0 : i32
        %dma_wait3A_457 = tpu.memref_slice %arg2[%arg0, %dma_wait3A_455, %dma_wait3A_456] : memref<2x10000x128xf32, #tpu.memory_space<hbm>> -> memref<1x10000x128xf32, #tpu.memory_space<hbm>>
        %dma_wait3A_458 = tpu.memref_squeeze %dma_wait3A_457 : memref<1x10000x128xf32, #tpu.memory_space<hbm>> -> memref<10000x128xf32, #tpu.memory_space<hbm>>
        %dma_wait3A_459 = arith.constant 0 : i32
        %dma_wait3A_460 = tpu.memref_slice %dma_wait3A_458[%add3A_83, %dma_wait3A_459] : memref<10000x128xf32, #tpu.memory_space<hbm>> -> memref<80x128xf32, #tpu.memory_space<hbm>>
        tpu.wait_dma2 semaphore(%run_scoped3A_444 : memref<!tpu.dma_semaphore, #tpu.memory_space<semaphore_mem>>) src(%dma_wait3A_460 : memref<80x128xf32, #tpu.memory_space<hbm>>) dst(%dma_wait3A_454 : memref<80x128xf32, #tpu.memory_space<vmem_shared>>)
        tpu.yield
      }) : () -> ()
    } else {
    }
    %add3A_89 = arith.constant 560 : i32
    %add3A_90 = arith.addi %mul3A_0, %add3A_89 : i32
    %lt3A_91 = arith.constant 10000 : i32
    %lt3A_92 = arith.cmpi slt, %add3A_90, %lt3A_91 : i32
    %convert_element_type3A_93 = arith.extui %lt3A_92 : i1 to i32
    %cond3A_94 = arith.constant 0 : i32
    %cond3A_95 = arith.cmpi ne, %convert_element_type3A_93, %cond3A_94 : i32
    scf.if %cond3A_95 {
      "tpu.region"() ({
        %run_scoped3A_444 = tpu.sem_alloc : memref<!tpu.dma_semaphore, #tpu.memory_space<semaphore_mem>>
        %dma_start3A_445 = arith.constant 0 : i32
        %dma_start3A_446 = tpu.memref_slice %arg9[%add3A_90, %dma_start3A_445] : memref<10008x128xf32, #tpu.memory_space<vmem_shared>> -> memref<80x128xf32, #tpu.memory_space<vmem_shared>>
        %dma_start3A_447 = arith.constant 0 : i32
        %dma_start3A_448 = arith.constant 0 : i32
        %dma_start3A_449 = tpu.memref_slice %arg2[%arg0, %dma_start3A_447, %dma_start3A_448] : memref<2x10000x128xf32, #tpu.memory_space<hbm>> -> memref<1x10000x128xf32, #tpu.memory_space<hbm>>
        %dma_start3A_450 = tpu.memref_squeeze %dma_start3A_449 : memref<1x10000x128xf32, #tpu.memory_space<hbm>> -> memref<10000x128xf32, #tpu.memory_space<hbm>>
        %dma_start3A_451 = arith.constant 0 : i32
        %dma_start3A_452 = tpu.memref_slice %dma_start3A_450[%add3A_90, %dma_start3A_451] : memref<10000x128xf32, #tpu.memory_space<hbm>> -> memref<80x128xf32, #tpu.memory_space<hbm>>
        tpu.enqueue_dma source(%dma_start3A_452 : memref<80x128xf32, #tpu.memory_space<hbm>>) target(%dma_start3A_446 : memref<80x128xf32, #tpu.memory_space<vmem_shared>>) target_semaphore(%run_scoped3A_444 : memref<!tpu.dma_semaphore, #tpu.memory_space<semaphore_mem>>)
        %dma_wait3A_453 = arith.constant 0 : i32
        %dma_wait3A_454 = tpu.memref_slice %arg9[%add3A_90, %dma_wait3A_453] : memref<10008x128xf32, #tpu.memory_space<vmem_shared>> -> memref<80x128xf32, #tpu.memory_space<vmem_shared>>
        %dma_wait3A_455 = arith.constant 0 : i32
        %dma_wait3A_456 = arith.constant 0 : i32
        %dma_wait3A_457 = tpu.memref_slice %arg2[%arg0, %dma_wait3A_455, %dma_wait3A_456] : memref<2x10000x128xf32, #tpu.memory_space<hbm>> -> memref<1x10000x128xf32, #tpu.memory_space<hbm>>
        %dma_wait3A_458 = tpu.memref_squeeze %dma_wait3A_457 : memref<1x10000x128xf32, #tpu.memory_space<hbm>> -> memref<10000x128xf32, #tpu.memory_space<hbm>>
        %dma_wait3A_459 = arith.constant 0 : i32
        %dma_wait3A_460 = tpu.memref_slice %dma_wait3A_458[%add3A_90, %dma_wait3A_459] : memref<10000x128xf32, #tpu.memory_space<hbm>> -> memref<80x128xf32, #tpu.memory_space<hbm>>
        tpu.wait_dma2 semaphore(%run_scoped3A_444 : memref<!tpu.dma_semaphore, #tpu.memory_space<semaphore_mem>>) src(%dma_wait3A_460 : memref<80x128xf32, #tpu.memory_space<hbm>>) dst(%dma_wait3A_454 : memref<80x128xf32, #tpu.memory_space<vmem_shared>>)
        tpu.yield
      }) : () -> ()
    } else {
    }
    %barrier3A = arith.constant 0 : index
    tpu.barrier barrier_id(%barrier3A)
    "tpu.region"() ({
      %run_scoped3A_444 = tpu.sem_alloc : memref<!tpu.dma_semaphore, #tpu.memory_space<semaphore_mem>>
      %dma_start3A_445 = arith.constant 0 : i32
      %dma_start3A_446 = arith.constant 0 : i32
      %dma_start3A_447 = tpu.memref_slice %arg4[%arg1, %dma_start3A_445, %dma_start3A_446] : memref<16x2x64xi32, #tpu.memory_space<hbm>> -> memref<1x2x64xi32, #tpu.memory_space<hbm>>
      %dma_start3A_448 = tpu.memref_squeeze %dma_start3A_447 : memref<1x2x64xi32, #tpu.memory_space<hbm>> -> memref<2x64xi32, #tpu.memory_space<hbm>>
      %dma_start3A_449 = arith.constant 0 : i32
      %dma_start3A_450 = arith.constant 0 : i32
      %dma_start3A_451 = tpu.memref_slice %arg4[%arg1, %dma_start3A_449, %dma_start3A_450] : memref<16x2x64xi32, #tpu.memory_space<hbm>> -> memref<1x2x64xi32, #tpu.memory_space<hbm>>
      %dma_start3A_452 = tpu.memref_squeeze %dma_start3A_451 : memref<1x2x64xi32, #tpu.memory_space<hbm>> -> memref<2x64xi32, #tpu.memory_space<hbm>>
      tpu.enqueue_dma source(%dma_start3A_452 : memref<2x64xi32, #tpu.memory_space<hbm>>) target(%arg10 : memref<2x64xi32, #tpu.memory_space<vmem>>) target_semaphore(%run_scoped3A_444 : memref<!tpu.dma_semaphore, #tpu.memory_space<semaphore_mem>>)
      %dma_wait3A_453 = arith.constant 0 : i32
      %dma_wait3A_454 = arith.constant 0 : i32
      %dma_wait3A_455 = tpu.memref_slice %arg4[%arg1, %dma_wait3A_453, %dma_wait3A_454] : memref<16x2x64xi32, #tpu.memory_space<hbm>> -> memref<1x2x64xi32, #tpu.memory_space<hbm>>
      %dma_wait3A_456 = tpu.memref_squeeze %dma_wait3A_455 : memref<1x2x64xi32, #tpu.memory_space<hbm>> -> memref<2x64xi32, #tpu.memory_space<hbm>>
      %dma_wait3A_457 = arith.constant 0 : i32
      %dma_wait3A_458 = arith.constant 0 : i32
      %dma_wait3A_459 = tpu.memref_slice %arg4[%arg1, %dma_wait3A_457, %dma_wait3A_458] : memref<16x2x64xi32, #tpu.memory_space<hbm>> -> memref<1x2x64xi32, #tpu.memory_space<hbm>>
      %dma_wait3A_460 = tpu.memref_squeeze %dma_wait3A_459 : memref<1x2x64xi32, #tpu.memory_space<hbm>> -> memref<2x64xi32, #tpu.memory_space<hbm>>
      tpu.wait_dma2 semaphore(%run_scoped3A_444 : memref<!tpu.dma_semaphore, #tpu.memory_space<semaphore_mem>>) src(%dma_wait3A_460 : memref<2x64xi32, #tpu.memory_space<hbm>>) dst(%arg10 : memref<2x64xi32, #tpu.memory_space<vmem>>)
      tpu.yield
    }) : () -> ()
    %dma_start3A_96 = arith.constant 0 : i32
    %dma_start3A_97 = arith.constant 0 : i32
    %dma_start3A_98 = arith.constant 0 : i32
    %dma_start3A_99 = tpu.memref_slice %arg13[%dma_start3A_97, %dma_start3A_98] : memref<80x128xf32, #tpu.memory_space<vmem>> -> memref<64x128xf32, #tpu.memory_space<vmem>>
    %dma_start3A_100 = arith.constant 0 : i32
    %dma_start3A_101 = tpu.memref_slice %arg10[%dma_start3A_96, %dma_start3A_100] : memref<2x64xi32, #tpu.memory_space<vmem>> -> memref<1x64xi32, #tpu.memory_space<vmem>>
    %dma_start3A_102 = tpu.memref_squeeze %dma_start3A_101 : memref<1x64xi32, #tpu.memory_space<vmem>> -> memref<64xi32, #tpu.memory_space<vmem>>
    %dma_start3A_103 = arith.constant 0 : i32
    %dma_start3A_104 = arith.constant 0 : i32
    %dma_start3A_105 = tpu.memref_slice %arg3[%arg0, %dma_start3A_103, %dma_start3A_104] : memref<2x10000x128xf32, #tpu.memory_space<hbm>> -> memref<1x10000x128xf32, #tpu.memory_space<hbm>>
    %dma_start3A_106 = tpu.memref_squeeze %dma_start3A_105 : memref<1x10000x128xf32, #tpu.memory_space<hbm>> -> memref<10000x128xf32, #tpu.memory_space<hbm>>
    %dma_start3A_107 = arith.constant 0 : i32
    %dma_start3A_108 = arith.constant 0 : i32
    %dma_start3A_109 = tpu.memref_slice %dma_start3A_106[%dma_start3A_107, %dma_start3A_108] : memref<10000x128xf32, #tpu.memory_space<hbm>> -> memref<10000x128xf32, #tpu.memory_space<hbm>>
    tpu.enqueue_indirect_dma source(%dma_start3A_109 : memref<10000x128xf32, #tpu.memory_space<hbm>>) target(%dma_start3A_99 : memref<64x128xf32, #tpu.memory_space<vmem>>) offsets(%dma_start3A_102 : memref<64xi32, #tpu.memory_space<vmem>>) semaphore(%arg18 : memref<!tpu.dma_semaphore, #tpu.memory_space<semaphore_mem>>)
    %dma_wait3A = arith.constant 0 : i32
    %dma_wait3A_110 = arith.constant 0 : i32
    %dma_wait3A_111 = arith.constant 0 : i32
    %dma_wait3A_112 = tpu.memref_slice %arg13[%dma_wait3A_110, %dma_wait3A_111] : memref<80x128xf32, #tpu.memory_space<vmem>> -> memref<64x128xf32, #tpu.memory_space<vmem>>
    %dma_wait3A_113 = arith.constant 0 : i32
    %dma_wait3A_114 = tpu.memref_slice %arg10[%dma_wait3A, %dma_wait3A_113] : memref<2x64xi32, #tpu.memory_space<vmem>> -> memref<1x64xi32, #tpu.memory_space<vmem>>
    %dma_wait3A_115 = tpu.memref_squeeze %dma_wait3A_114 : memref<1x64xi32, #tpu.memory_space<vmem>> -> memref<64xi32, #tpu.memory_space<vmem>>
    %dma_wait3A_116 = arith.constant 0 : i32
    %dma_wait3A_117 = arith.constant 0 : i32
    %dma_wait3A_118 = tpu.memref_slice %arg3[%arg0, %dma_wait3A_116, %dma_wait3A_117] : memref<2x10000x128xf32, #tpu.memory_space<hbm>> -> memref<1x10000x128xf32, #tpu.memory_space<hbm>>
    %dma_wait3A_119 = tpu.memref_squeeze %dma_wait3A_118 : memref<1x10000x128xf32, #tpu.memory_space<hbm>> -> memref<10000x128xf32, #tpu.memory_space<hbm>>
    %dma_wait3A_120 = arith.constant 0 : i32
    %dma_wait3A_121 = arith.constant 0 : i32
    %dma_wait3A_122 = tpu.memref_slice %dma_wait3A_119[%dma_wait3A_120, %dma_wait3A_121] : memref<10000x128xf32, #tpu.memory_space<hbm>> -> memref<10000x128xf32, #tpu.memory_space<hbm>>
    tpu.wait_indirect_dma semaphore(%arg18 : memref<!tpu.dma_semaphore, #tpu.memory_space<semaphore_mem>>) src(%dma_wait3A_122 : memref<10000x128xf32, #tpu.memory_space<hbm>>) dst(%dma_wait3A_112 : memref<64x128xf32, #tpu.memory_space<vmem>>)
    %run_scoped3A = arith.constant 0 : i32
    "tpu.region"() ({
      %run_scoped3A_444 = tpu.sem_alloc : memref<!tpu.dma_semaphore, #tpu.memory_space<semaphore_mem>>
      %dma_start3A_445 = arith.constant 0 : i32
      %dma_start3A_446 = arith.constant 0 : i32
      %dma_start3A_447 = tpu.memref_slice %arg13[%dma_start3A_445, %dma_start3A_446] : memref<80x128xf32, #tpu.memory_space<vmem>> -> memref<64x128xf32, #tpu.memory_space<vmem>>
      %dma_start3A_448 = arith.constant 0 : i32
      %dma_start3A_449 = tpu.memref_slice %arg10[%run_scoped3A, %dma_start3A_448] : memref<2x64xi32, #tpu.memory_space<vmem>> -> memref<1x64xi32, #tpu.memory_space<vmem>>
      %dma_start3A_450 = tpu.memref_squeeze %dma_start3A_449 : memref<1x64xi32, #tpu.memory_space<vmem>> -> memref<64xi32, #tpu.memory_space<vmem>>
      %dma_start3A_451 = arith.constant 0 : i32
      %dma_start3A_452 = arith.constant 0 : i32
      %dma_start3A_453 = tpu.memref_slice %arg9[%dma_start3A_451, %dma_start3A_452] : memref<10008x128xf32, #tpu.memory_space<vmem_shared>> -> memref<10008x128xf32, #tpu.memory_space<vmem_shared>>
      tpu.enqueue_indirect_dma source(%dma_start3A_447 : memref<64x128xf32, #tpu.memory_space<vmem>>) target(%dma_start3A_453 : memref<10008x128xf32, #tpu.memory_space<vmem_shared>>) offsets(%dma_start3A_450 : memref<64xi32, #tpu.memory_space<vmem>>) semaphore(%run_scoped3A_444 : memref<!tpu.dma_semaphore, #tpu.memory_space<semaphore_mem>>) {add = true}
      %dma_wait3A_454 = arith.constant 0 : i32
      %dma_wait3A_455 = arith.constant 0 : i32
      %dma_wait3A_456 = tpu.memref_slice %arg13[%dma_wait3A_454, %dma_wait3A_455] : memref<80x128xf32, #tpu.memory_space<vmem>> -> memref<64x128xf32, #tpu.memory_space<vmem>>
      %dma_wait3A_457 = arith.constant 0 : i32
      %dma_wait3A_458 = tpu.memref_slice %arg10[%run_scoped3A, %dma_wait3A_457] : memref<2x64xi32, #tpu.memory_space<vmem>> -> memref<1x64xi32, #tpu.memory_space<vmem>>
      %dma_wait3A_459 = tpu.memref_squeeze %dma_wait3A_458 : memref<1x64xi32, #tpu.memory_space<vmem>> -> memref<64xi32, #tpu.memory_space<vmem>>
      %dma_wait3A_460 = arith.constant 0 : i32
      %dma_wait3A_461 = arith.constant 0 : i32
      %dma_wait3A_462 = tpu.memref_slice %arg9[%dma_wait3A_460, %dma_wait3A_461] : memref<10008x128xf32, #tpu.memory_space<vmem_shared>> -> memref<10008x128xf32, #tpu.memory_space<vmem_shared>>
      tpu.wait_indirect_dma semaphore(%run_scoped3A_444 : memref<!tpu.dma_semaphore, #tpu.memory_space<semaphore_mem>>) src(%dma_wait3A_456 : memref<64x128xf32, #tpu.memory_space<vmem>>) dst(%dma_wait3A_462 : memref<10008x128xf32, #tpu.memory_space<vmem_shared>>)
      tpu.yield
    }) : () -> ()
    %dma_start3A_123 = arith.constant 1 : i32
    %dma_start3A_124 = arith.constant 0 : i32
    %dma_start3A_125 = arith.constant 0 : i32
    %dma_start3A_126 = tpu.memref_slice %arg13[%dma_start3A_124, %dma_start3A_125] : memref<80x128xf32, #tpu.memory_space<vmem>> -> memref<64x128xf32, #tpu.memory_space<vmem>>
    %dma_start3A_127 = arith.constant 0 : i32
    %dma_start3A_128 = tpu.memref_slice %arg10[%dma_start3A_123, %dma_start3A_127] : memref<2x64xi32, #tpu.memory_space<vmem>> -> memref<1x64xi32, #tpu.memory_space<vmem>>
    %dma_start3A_129 = tpu.memref_squeeze %dma_start3A_128 : memref<1x64xi32, #tpu.memory_space<vmem>> -> memref<64xi32, #tpu.memory_space<vmem>>
    %dma_start3A_130 = arith.constant 0 : i32
    %dma_start3A_131 = arith.constant 0 : i32
    %dma_start3A_132 = tpu.memref_slice %arg3[%arg0, %dma_start3A_130, %dma_start3A_131] : memref<2x10000x128xf32, #tpu.memory_space<hbm>> -> memref<1x10000x128xf32, #tpu.memory_space<hbm>>
    %dma_start3A_133 = tpu.memref_squeeze %dma_start3A_132 : memref<1x10000x128xf32, #tpu.memory_space<hbm>> -> memref<10000x128xf32, #tpu.memory_space<hbm>>
    %dma_start3A_134 = arith.constant 0 : i32
    %dma_start3A_135 = arith.constant 0 : i32
    %dma_start3A_136 = tpu.memref_slice %dma_start3A_133[%dma_start3A_134, %dma_start3A_135] : memref<10000x128xf32, #tpu.memory_space<hbm>> -> memref<10000x128xf32, #tpu.memory_space<hbm>>
    tpu.enqueue_indirect_dma source(%dma_start3A_136 : memref<10000x128xf32, #tpu.memory_space<hbm>>) target(%dma_start3A_126 : memref<64x128xf32, #tpu.memory_space<vmem>>) offsets(%dma_start3A_129 : memref<64xi32, #tpu.memory_space<vmem>>) semaphore(%arg18 : memref<!tpu.dma_semaphore, #tpu.memory_space<semaphore_mem>>)
    %dma_wait3A_137 = arith.constant 1 : i32
    %dma_wait3A_138 = arith.constant 0 : i32
    %dma_wait3A_139 = arith.constant 0 : i32
    %dma_wait3A_140 = tpu.memref_slice %arg13[%dma_wait3A_138, %dma_wait3A_139] : memref<80x128xf32, #tpu.memory_space<vmem>> -> memref<64x128xf32, #tpu.memory_space<vmem>>
    %dma_wait3A_141 = arith.constant 0 : i32
    %dma_wait3A_142 = tpu.memref_slice %arg10[%dma_wait3A_137, %dma_wait3A_141] : memref<2x64xi32, #tpu.memory_space<vmem>> -> memref<1x64xi32, #tpu.memory_space<vmem>>
    %dma_wait3A_143 = tpu.memref_squeeze %dma_wait3A_142 : memref<1x64xi32, #tpu.memory_space<vmem>> -> memref<64xi32, #tpu.memory_space<vmem>>
    %dma_wait3A_144 = arith.constant 0 : i32
    %dma_wait3A_145 = arith.constant 0 : i32
    %dma_wait3A_146 = tpu.memref_slice %arg3[%arg0, %dma_wait3A_144, %dma_wait3A_145] : memref<2x10000x128xf32, #tpu.memory_space<hbm>> -> memref<1x10000x128xf32, #tpu.memory_space<hbm>>
    %dma_wait3A_147 = tpu.memref_squeeze %dma_wait3A_146 : memref<1x10000x128xf32, #tpu.memory_space<hbm>> -> memref<10000x128xf32, #tpu.memory_space<hbm>>
    %dma_wait3A_148 = arith.constant 0 : i32
    %dma_wait3A_149 = arith.constant 0 : i32
    %dma_wait3A_150 = tpu.memref_slice %dma_wait3A_147[%dma_wait3A_148, %dma_wait3A_149] : memref<10000x128xf32, #tpu.memory_space<hbm>> -> memref<10000x128xf32, #tpu.memory_space<hbm>>
    tpu.wait_indirect_dma semaphore(%arg18 : memref<!tpu.dma_semaphore, #tpu.memory_space<semaphore_mem>>) src(%dma_wait3A_150 : memref<10000x128xf32, #tpu.memory_space<hbm>>) dst(%dma_wait3A_140 : memref<64x128xf32, #tpu.memory_space<vmem>>)
    %run_scoped3A_151 = arith.constant 1 : i32
    "tpu.region"() ({
      %run_scoped3A_444 = tpu.sem_alloc : memref<!tpu.dma_semaphore, #tpu.memory_space<semaphore_mem>>
      %dma_start3A_445 = arith.constant 0 : i32
      %dma_start3A_446 = arith.constant 0 : i32
      %dma_start3A_447 = tpu.memref_slice %arg13[%dma_start3A_445, %dma_start3A_446] : memref<80x128xf32, #tpu.memory_space<vmem>> -> memref<64x128xf32, #tpu.memory_space<vmem>>
      %dma_start3A_448 = arith.constant 0 : i32
      %dma_start3A_449 = tpu.memref_slice %arg10[%run_scoped3A_151, %dma_start3A_448] : memref<2x64xi32, #tpu.memory_space<vmem>> -> memref<1x64xi32, #tpu.memory_space<vmem>>
      %dma_start3A_450 = tpu.memref_squeeze %dma_start3A_449 : memref<1x64xi32, #tpu.memory_space<vmem>> -> memref<64xi32, #tpu.memory_space<vmem>>
      %dma_start3A_451 = arith.constant 0 : i32
      %dma_start3A_452 = arith.constant 0 : i32
      %dma_start3A_453 = tpu.memref_slice %arg9[%dma_start3A_451, %dma_start3A_452] : memref<10008x128xf32, #tpu.memory_space<vmem_shared>> -> memref<10008x128xf32, #tpu.memory_space<vmem_shared>>
      tpu.enqueue_indirect_dma source(%dma_start3A_447 : memref<64x128xf32, #tpu.memory_space<vmem>>) target(%dma_start3A_453 : memref<10008x128xf32, #tpu.memory_space<vmem_shared>>) offsets(%dma_start3A_450 : memref<64xi32, #tpu.memory_space<vmem>>) semaphore(%run_scoped3A_444 : memref<!tpu.dma_semaphore, #tpu.memory_space<semaphore_mem>>) {add = true}
      %dma_wait3A_454 = arith.constant 0 : i32
      %dma_wait3A_455 = arith.constant 0 : i32
      %dma_wait3A_456 = tpu.memref_slice %arg13[%dma_wait3A_454, %dma_wait3A_455] : memref<80x128xf32, #tpu.memory_space<vmem>> -> memref<64x128xf32, #tpu.memory_space<vmem>>
      %dma_wait3A_457 = arith.constant 0 : i32
      %dma_wait3A_458 = tpu.memref_slice %arg10[%run_scoped3A_151, %dma_wait3A_457] : memref<2x64xi32, #tpu.memory_space<vmem>> -> memref<1x64xi32, #tpu.memory_space<vmem>>
      %dma_wait3A_459 = tpu.memref_squeeze %dma_wait3A_458 : memref<1x64xi32, #tpu.memory_space<vmem>> -> memref<64xi32, #tpu.memory_space<vmem>>
      %dma_wait3A_460 = arith.constant 0 : i32
      %dma_wait3A_461 = arith.constant 0 : i32
      %dma_wait3A_462 = tpu.memref_slice %arg9[%dma_wait3A_460, %dma_wait3A_461] : memref<10008x128xf32, #tpu.memory_space<vmem_shared>> -> memref<10008x128xf32, #tpu.memory_space<vmem_shared>>
      tpu.wait_indirect_dma semaphore(%run_scoped3A_444 : memref<!tpu.dma_semaphore, #tpu.memory_space<semaphore_mem>>) src(%dma_wait3A_456 : memref<64x128xf32, #tpu.memory_space<vmem>>) dst(%dma_wait3A_462 : memref<10008x128xf32, #tpu.memory_space<vmem_shared>>)
      tpu.yield
    }) : () -> ()
    %barrier3A_152 = arith.constant 0 : index
    tpu.barrier barrier_id(%barrier3A_152)
    %add3A_153 = arith.constant 0 : i32
    %add3A_154 = arith.addi %mul3A_0, %add3A_153 : i32
    %lt3A_155 = arith.constant 10000 : i32
    %lt3A_156 = arith.cmpi slt, %add3A_154, %lt3A_155 : i32
    %convert_element_type3A_157 = arith.extui %lt3A_156 : i1 to i32
    %cond3A_158 = arith.constant 0 : i32
    %cond3A_159 = arith.cmpi ne, %convert_element_type3A_157, %cond3A_158 : i32
    scf.if %cond3A_159 {
      "tpu.region"() ({
        %run_scoped3A_444 = tpu.sem_alloc : memref<!tpu.dma_semaphore, #tpu.memory_space<semaphore_mem>>
        %dma_start3A_445 = arith.constant 0 : i32
        %dma_start3A_446 = arith.constant 0 : i32
        %dma_start3A_447 = tpu.memref_slice %arg8[%arg0, %dma_start3A_445, %dma_start3A_446] : memref<2x10000x128xf32, #tpu.memory_space<hbm>> -> memref<1x10000x128xf32, #tpu.memory_space<hbm>>
        %dma_start3A_448 = tpu.memref_squeeze %dma_start3A_447 : memref<1x10000x128xf32, #tpu.memory_space<hbm>> -> memref<10000x128xf32, #tpu.memory_space<hbm>>
        %dma_start3A_449 = arith.constant 0 : i32
        %dma_start3A_450 = tpu.memref_slice %dma_start3A_448[%add3A_154, %dma_start3A_449] : memref<10000x128xf32, #tpu.memory_space<hbm>> -> memref<80x128xf32, #tpu.memory_space<hbm>>
        %dma_start3A_451 = arith.constant 0 : i32
        %dma_start3A_452 = tpu.memref_slice %arg9[%add3A_154, %dma_start3A_451] : memref<10008x128xf32, #tpu.memory_space<vmem_shared>> -> memref<80x128xf32, #tpu.memory_space<vmem_shared>>
        tpu.enqueue_dma source(%dma_start3A_452 : memref<80x128xf32, #tpu.memory_space<vmem_shared>>) target(%dma_start3A_450 : memref<80x128xf32, #tpu.memory_space<hbm>>) target_semaphore(%run_scoped3A_444 : memref<!tpu.dma_semaphore, #tpu.memory_space<semaphore_mem>>)
        %dma_wait3A_453 = arith.constant 0 : i32
        %dma_wait3A_454 = arith.constant 0 : i32
        %dma_wait3A_455 = tpu.memref_slice %arg8[%arg0, %dma_wait3A_453, %dma_wait3A_454] : memref<2x10000x128xf32, #tpu.memory_space<hbm>> -> memref<1x10000x128xf32, #tpu.memory_space<hbm>>
        %dma_wait3A_456 = tpu.memref_squeeze %dma_wait3A_455 : memref<1x10000x128xf32, #tpu.memory_space<hbm>> -> memref<10000x128xf32, #tpu.memory_space<hbm>>
        %dma_wait3A_457 = arith.constant 0 : i32
        %dma_wait3A_458 = tpu.memref_slice %dma_wait3A_456[%add3A_154, %dma_wait3A_457] : memref<10000x128xf32, #tpu.memory_space<hbm>> -> memref<80x128xf32, #tpu.memory_space<hbm>>
        %dma_wait3A_459 = arith.constant 0 : i32
        %dma_wait3A_460 = tpu.memref_slice %arg9[%add3A_154, %dma_wait3A_459] : memref<10008x128xf32, #tpu.memory_space<vmem_shared>> -> memref<80x128xf32, #tpu.memory_space<vmem_shared>>
        tpu.wait_dma2 semaphore(%run_scoped3A_444 : memref<!tpu.dma_semaphore, #tpu.memory_space<semaphore_mem>>) src(%dma_wait3A_460 : memref<80x128xf32, #tpu.memory_space<vmem_shared>>) dst(%dma_wait3A_458 : memref<80x128xf32, #tpu.memory_space<hbm>>)
        tpu.yield
      }) : () -> ()
    } else {
    }
    %add3A_160 = arith.constant 80 : i32
    %add3A_161 = arith.addi %mul3A_0, %add3A_160 : i32
    %lt3A_162 = arith.constant 10000 : i32
    %lt3A_163 = arith.cmpi slt, %add3A_161, %lt3A_162 : i32
    %convert_element_type3A_164 = arith.extui %lt3A_163 : i1 to i32
    %cond3A_165 = arith.constant 0 : i32
    %cond3A_166 = arith.cmpi ne, %convert_element_type3A_164, %cond3A_165 : i32
    scf.if %cond3A_166 {
      "tpu.region"() ({
        %run_scoped3A_444 = tpu.sem_alloc : memref<!tpu.dma_semaphore, #tpu.memory_space<semaphore_mem>>
        %dma_start3A_445 = arith.constant 0 : i32
        %dma_start3A_446 = arith.constant 0 : i32
        %dma_start3A_447 = tpu.memref_slice %arg8[%arg0, %dma_start3A_445, %dma_start3A_446] : memref<2x10000x128xf32, #tpu.memory_space<hbm>> -> memref<1x10000x128xf32, #tpu.memory_space<hbm>>
        %dma_start3A_448 = tpu.memref_squeeze %dma_start3A_447 : memref<1x10000x128xf32, #tpu.memory_space<hbm>> -> memref<10000x128xf32, #tpu.memory_space<hbm>>
        %dma_start3A_449 = arith.constant 0 : i32
        %dma_start3A_450 = tpu.memref_slice %dma_start3A_448[%add3A_161, %dma_start3A_449] : memref<10000x128xf32, #tpu.memory_space<hbm>> -> memref<80x128xf32, #tpu.memory_space<hbm>>
        %dma_start3A_451 = arith.constant 0 : i32
        %dma_start3A_452 = tpu.memref_slice %arg9[%add3A_161, %dma_start3A_451] : memref<10008x128xf32, #tpu.memory_space<vmem_shared>> -> memref<80x128xf32, #tpu.memory_space<vmem_shared>>
        tpu.enqueue_dma source(%dma_start3A_452 : memref<80x128xf32, #tpu.memory_space<vmem_shared>>) target(%dma_start3A_450 : memref<80x128xf32, #tpu.memory_space<hbm>>) target_semaphore(%run_scoped3A_444 : memref<!tpu.dma_semaphore, #tpu.memory_space<semaphore_mem>>)
        %dma_wait3A_453 = arith.constant 0 : i32
        %dma_wait3A_454 = arith.constant 0 : i32
        %dma_wait3A_455 = tpu.memref_slice %arg8[%arg0, %dma_wait3A_453, %dma_wait3A_454] : memref<2x10000x128xf32, #tpu.memory_space<hbm>> -> memref<1x10000x128xf32, #tpu.memory_space<hbm>>
        %dma_wait3A_456 = tpu.memref_squeeze %dma_wait3A_455 : memref<1x10000x128xf32, #tpu.memory_space<hbm>> -> memref<10000x128xf32, #tpu.memory_space<hbm>>
        %dma_wait3A_457 = arith.constant 0 : i32
        %dma_wait3A_458 = tpu.memref_slice %dma_wait3A_456[%add3A_161, %dma_wait3A_457] : memref<10000x128xf32, #tpu.memory_space<hbm>> -> memref<80x128xf32, #tpu.memory_space<hbm>>
        %dma_wait3A_459 = arith.constant 0 : i32
        %dma_wait3A_460 = tpu.memref_slice %arg9[%add3A_161, %dma_wait3A_459] : memref<10008x128xf32, #tpu.memory_space<vmem_shared>> -> memref<80x128xf32, #tpu.memory_space<vmem_shared>>
        tpu.wait_dma2 semaphore(%run_scoped3A_444 : memref<!tpu.dma_semaphore, #tpu.memory_space<semaphore_mem>>) src(%dma_wait3A_460 : memref<80x128xf32, #tpu.memory_space<vmem_shared>>) dst(%dma_wait3A_458 : memref<80x128xf32, #tpu.memory_space<hbm>>)
        tpu.yield
      }) : () -> ()
    } else {
    }
    %add3A_167 = arith.constant 160 : i32
    %add3A_168 = arith.addi %mul3A_0, %add3A_167 : i32
    %lt3A_169 = arith.constant 10000 : i32
    %lt3A_170 = arith.cmpi slt, %add3A_168, %lt3A_169 : i32
    %convert_element_type3A_171 = arith.extui %lt3A_170 : i1 to i32
    %cond3A_172 = arith.constant 0 : i32
    %cond3A_173 = arith.cmpi ne, %convert_element_type3A_171, %cond3A_172 : i32
    scf.if %cond3A_173 {
      "tpu.region"() ({
        %run_scoped3A_444 = tpu.sem_alloc : memref<!tpu.dma_semaphore, #tpu.memory_space<semaphore_mem>>
        %dma_start3A_445 = arith.constant 0 : i32
        %dma_start3A_446 = arith.constant 0 : i32
        %dma_start3A_447 = tpu.memref_slice %arg8[%arg0, %dma_start3A_445, %dma_start3A_446] : memref<2x10000x128xf32, #tpu.memory_space<hbm>> -> memref<1x10000x128xf32, #tpu.memory_space<hbm>>
        %dma_start3A_448 = tpu.memref_squeeze %dma_start3A_447 : memref<1x10000x128xf32, #tpu.memory_space<hbm>> -> memref<10000x128xf32, #tpu.memory_space<hbm>>
        %dma_start3A_449 = arith.constant 0 : i32
        %dma_start3A_450 = tpu.memref_slice %dma_start3A_448[%add3A_168, %dma_start3A_449] : memref<10000x128xf32, #tpu.memory_space<hbm>> -> memref<80x128xf32, #tpu.memory_space<hbm>>
        %dma_start3A_451 = arith.constant 0 : i32
        %dma_start3A_452 = tpu.memref_slice %arg9[%add3A_168, %dma_start3A_451] : memref<10008x128xf32, #tpu.memory_space<vmem_shared>> -> memref<80x128xf32, #tpu.memory_space<vmem_shared>>
        tpu.enqueue_dma source(%dma_start3A_452 : memref<80x128xf32, #tpu.memory_space<vmem_shared>>) target(%dma_start3A_450 : memref<80x128xf32, #tpu.memory_space<hbm>>) target_semaphore(%run_scoped3A_444 : memref<!tpu.dma_semaphore, #tpu.memory_space<semaphore_mem>>)
        %dma_wait3A_453 = arith.constant 0 : i32
        %dma_wait3A_454 = arith.constant 0 : i32
        %dma_wait3A_455 = tpu.memref_slice %arg8[%arg0, %dma_wait3A_453, %dma_wait3A_454] : memref<2x10000x128xf32, #tpu.memory_space<hbm>> -> memref<1x10000x128xf32, #tpu.memory_space<hbm>>
        %dma_wait3A_456 = tpu.memref_squeeze %dma_wait3A_455 : memref<1x10000x128xf32, #tpu.memory_space<hbm>> -> memref<10000x128xf32, #tpu.memory_space<hbm>>
        %dma_wait3A_457 = arith.constant 0 : i32
        %dma_wait3A_458 = tpu.memref_slice %dma_wait3A_456[%add3A_168, %dma_wait3A_457] : memref<10000x128xf32, #tpu.memory_space<hbm>> -> memref<80x128xf32, #tpu.memory_space<hbm>>
        %dma_wait3A_459 = arith.constant 0 : i32
        %dma_wait3A_460 = tpu.memref_slice %arg9[%add3A_168, %dma_wait3A_459] : memref<10008x128xf32, #tpu.memory_space<vmem_shared>> -> memref<80x128xf32, #tpu.memory_space<vmem_shared>>
        tpu.wait_dma2 semaphore(%run_scoped3A_444 : memref<!tpu.dma_semaphore, #tpu.memory_space<semaphore_mem>>) src(%dma_wait3A_460 : memref<80x128xf32, #tpu.memory_space<vmem_shared>>) dst(%dma_wait3A_458 : memref<80x128xf32, #tpu.memory_space<hbm>>)
        tpu.yield
      }) : () -> ()
    } else {
    }
    %add3A_174 = arith.constant 240 : i32
    %add3A_175 = arith.addi %mul3A_0, %add3A_174 : i32
    %lt3A_176 = arith.constant 10000 : i32
    %lt3A_177 = arith.cmpi slt, %add3A_175, %lt3A_176 : i32
    %convert_element_type3A_178 = arith.extui %lt3A_177 : i1 to i32
    %cond3A_179 = arith.constant 0 : i32
    %cond3A_180 = arith.cmpi ne, %convert_element_type3A_178, %cond3A_179 : i32
    scf.if %cond3A_180 {
      "tpu.region"() ({
        %run_scoped3A_444 = tpu.sem_alloc : memref<!tpu.dma_semaphore, #tpu.memory_space<semaphore_mem>>
        %dma_start3A_445 = arith.constant 0 : i32
        %dma_start3A_446 = arith.constant 0 : i32
        %dma_start3A_447 = tpu.memref_slice %arg8[%arg0, %dma_start3A_445, %dma_start3A_446] : memref<2x10000x128xf32, #tpu.memory_space<hbm>> -> memref<1x10000x128xf32, #tpu.memory_space<hbm>>
        %dma_start3A_448 = tpu.memref_squeeze %dma_start3A_447 : memref<1x10000x128xf32, #tpu.memory_space<hbm>> -> memref<10000x128xf32, #tpu.memory_space<hbm>>
        %dma_start3A_449 = arith.constant 0 : i32
        %dma_start3A_450 = tpu.memref_slice %dma_start3A_448[%add3A_175, %dma_start3A_449] : memref<10000x128xf32, #tpu.memory_space<hbm>> -> memref<80x128xf32, #tpu.memory_space<hbm>>
        %dma_start3A_451 = arith.constant 0 : i32
        %dma_start3A_452 = tpu.memref_slice %arg9[%add3A_175, %dma_start3A_451] : memref<10008x128xf32, #tpu.memory_space<vmem_shared>> -> memref<80x128xf32, #tpu.memory_space<vmem_shared>>
        tpu.enqueue_dma source(%dma_start3A_452 : memref<80x128xf32, #tpu.memory_space<vmem_shared>>) target(%dma_start3A_450 : memref<80x128xf32, #tpu.memory_space<hbm>>) target_semaphore(%run_scoped3A_444 : memref<!tpu.dma_semaphore, #tpu.memory_space<semaphore_mem>>)
        %dma_wait3A_453 = arith.constant 0 : i32
        %dma_wait3A_454 = arith.constant 0 : i32
        %dma_wait3A_455 = tpu.memref_slice %arg8[%arg0, %dma_wait3A_453, %dma_wait3A_454] : memref<2x10000x128xf32, #tpu.memory_space<hbm>> -> memref<1x10000x128xf32, #tpu.memory_space<hbm>>
        %dma_wait3A_456 = tpu.memref_squeeze %dma_wait3A_455 : memref<1x10000x128xf32, #tpu.memory_space<hbm>> -> memref<10000x128xf32, #tpu.memory_space<hbm>>
        %dma_wait3A_457 = arith.constant 0 : i32
        %dma_wait3A_458 = tpu.memref_slice %dma_wait3A_456[%add3A_175, %dma_wait3A_457] : memref<10000x128xf32, #tpu.memory_space<hbm>> -> memref<80x128xf32, #tpu.memory_space<hbm>>
        %dma_wait3A_459 = arith.constant 0 : i32
        %dma_wait3A_460 = tpu.memref_slice %arg9[%add3A_175, %dma_wait3A_459] : memref<10008x128xf32, #tpu.memory_space<vmem_shared>> -> memref<80x128xf32, #tpu.memory_space<vmem_shared>>
        tpu.wait_dma2 semaphore(%run_scoped3A_444 : memref<!tpu.dma_semaphore, #tpu.memory_space<semaphore_mem>>) src(%dma_wait3A_460 : memref<80x128xf32, #tpu.memory_space<vmem_shared>>) dst(%dma_wait3A_458 : memref<80x128xf32, #tpu.memory_space<hbm>>)
        tpu.yield
      }) : () -> ()
    } else {
    }
    %add3A_181 = arith.constant 320 : i32
    %add3A_182 = arith.addi %mul3A_0, %add3A_181 : i32
    %lt3A_183 = arith.constant 10000 : i32
    %lt3A_184 = arith.cmpi slt, %add3A_182, %lt3A_183 : i32
    %convert_element_type3A_185 = arith.extui %lt3A_184 : i1 to i32
    %cond3A_186 = arith.constant 0 : i32
    %cond3A_187 = arith.cmpi ne, %convert_element_type3A_185, %cond3A_186 : i32
    scf.if %cond3A_187 {
      "tpu.region"() ({
        %run_scoped3A_444 = tpu.sem_alloc : memref<!tpu.dma_semaphore, #tpu.memory_space<semaphore_mem>>
        %dma_start3A_445 = arith.constant 0 : i32
        %dma_start3A_446 = arith.constant 0 : i32
        %dma_start3A_447 = tpu.memref_slice %arg8[%arg0, %dma_start3A_445, %dma_start3A_446] : memref<2x10000x128xf32, #tpu.memory_space<hbm>> -> memref<1x10000x128xf32, #tpu.memory_space<hbm>>
        %dma_start3A_448 = tpu.memref_squeeze %dma_start3A_447 : memref<1x10000x128xf32, #tpu.memory_space<hbm>> -> memref<10000x128xf32, #tpu.memory_space<hbm>>
        %dma_start3A_449 = arith.constant 0 : i32
        %dma_start3A_450 = tpu.memref_slice %dma_start3A_448[%add3A_182, %dma_start3A_449] : memref<10000x128xf32, #tpu.memory_space<hbm>> -> memref<80x128xf32, #tpu.memory_space<hbm>>
        %dma_start3A_451 = arith.constant 0 : i32
        %dma_start3A_452 = tpu.memref_slice %arg9[%add3A_182, %dma_start3A_451] : memref<10008x128xf32, #tpu.memory_space<vmem_shared>> -> memref<80x128xf32, #tpu.memory_space<vmem_shared>>
        tpu.enqueue_dma source(%dma_start3A_452 : memref<80x128xf32, #tpu.memory_space<vmem_shared>>) target(%dma_start3A_450 : memref<80x128xf32, #tpu.memory_space<hbm>>) target_semaphore(%run_scoped3A_444 : memref<!tpu.dma_semaphore, #tpu.memory_space<semaphore_mem>>)
        %dma_wait3A_453 = arith.constant 0 : i32
        %dma_wait3A_454 = arith.constant 0 : i32
        %dma_wait3A_455 = tpu.memref_slice %arg8[%arg0, %dma_wait3A_453, %dma_wait3A_454] : memref<2x10000x128xf32, #tpu.memory_space<hbm>> -> memref<1x10000x128xf32, #tpu.memory_space<hbm>>
        %dma_wait3A_456 = tpu.memref_squeeze %dma_wait3A_455 : memref<1x10000x128xf32, #tpu.memory_space<hbm>> -> memref<10000x128xf32, #tpu.memory_space<hbm>>
        %dma_wait3A_457 = arith.constant 0 : i32
        %dma_wait3A_458 = tpu.memref_slice %dma_wait3A_456[%add3A_182, %dma_wait3A_457] : memref<10000x128xf32, #tpu.memory_space<hbm>> -> memref<80x128xf32, #tpu.memory_space<hbm>>
        %dma_wait3A_459 = arith.constant 0 : i32
        %dma_wait3A_460 = tpu.memref_slice %arg9[%add3A_182, %dma_wait3A_459] : memref<10008x128xf32, #tpu.memory_space<vmem_shared>> -> memref<80x128xf32, #tpu.memory_space<vmem_shared>>
        tpu.wait_dma2 semaphore(%run_scoped3A_444 : memref<!tpu.dma_semaphore, #tpu.memory_space<semaphore_mem>>) src(%dma_wait3A_460 : memref<80x128xf32, #tpu.memory_space<vmem_shared>>) dst(%dma_wait3A_458 : memref<80x128xf32, #tpu.memory_space<hbm>>)
        tpu.yield
      }) : () -> ()
    } else {
    }
    %add3A_188 = arith.constant 400 : i32
    %add3A_189 = arith.addi %mul3A_0, %add3A_188 : i32
    %lt3A_190 = arith.constant 10000 : i32
    %lt3A_191 = arith.cmpi slt, %add3A_189, %lt3A_190 : i32
    %convert_element_type3A_192 = arith.extui %lt3A_191 : i1 to i32
    %cond3A_193 = arith.constant 0 : i32
    %cond3A_194 = arith.cmpi ne, %convert_element_type3A_192, %cond3A_193 : i32
    scf.if %cond3A_194 {
      "tpu.region"() ({
        %run_scoped3A_444 = tpu.sem_alloc : memref<!tpu.dma_semaphore, #tpu.memory_space<semaphore_mem>>
        %dma_start3A_445 = arith.constant 0 : i32
        %dma_start3A_446 = arith.constant 0 : i32
        %dma_start3A_447 = tpu.memref_slice %arg8[%arg0, %dma_start3A_445, %dma_start3A_446] : memref<2x10000x128xf32, #tpu.memory_space<hbm>> -> memref<1x10000x128xf32, #tpu.memory_space<hbm>>
        %dma_start3A_448 = tpu.memref_squeeze %dma_start3A_447 : memref<1x10000x128xf32, #tpu.memory_space<hbm>> -> memref<10000x128xf32, #tpu.memory_space<hbm>>
        %dma_start3A_449 = arith.constant 0 : i32
        %dma_start3A_450 = tpu.memref_slice %dma_start3A_448[%add3A_189, %dma_start3A_449] : memref<10000x128xf32, #tpu.memory_space<hbm>> -> memref<80x128xf32, #tpu.memory_space<hbm>>
        %dma_start3A_451 = arith.constant 0 : i32
        %dma_start3A_452 = tpu.memref_slice %arg9[%add3A_189, %dma_start3A_451] : memref<10008x128xf32, #tpu.memory_space<vmem_shared>> -> memref<80x128xf32, #tpu.memory_space<vmem_shared>>
        tpu.enqueue_dma source(%dma_start3A_452 : memref<80x128xf32, #tpu.memory_space<vmem_shared>>) target(%dma_start3A_450 : memref<80x128xf32, #tpu.memory_space<hbm>>) target_semaphore(%run_scoped3A_444 : memref<!tpu.dma_semaphore, #tpu.memory_space<semaphore_mem>>)
        %dma_wait3A_453 = arith.constant 0 : i32
        %dma_wait3A_454 = arith.constant 0 : i32
        %dma_wait3A_455 = tpu.memref_slice %arg8[%arg0, %dma_wait3A_453, %dma_wait3A_454] : memref<2x10000x128xf32, #tpu.memory_space<hbm>> -> memref<1x10000x128xf32, #tpu.memory_space<hbm>>
        %dma_wait3A_456 = tpu.memref_squeeze %dma_wait3A_455 : memref<1x10000x128xf32, #tpu.memory_space<hbm>> -> memref<10000x128xf32, #tpu.memory_space<hbm>>
        %dma_wait3A_457 = arith.constant 0 : i32
        %dma_wait3A_458 = tpu.memref_slice %dma_wait3A_456[%add3A_189, %dma_wait3A_457] : memref<10000x128xf32, #tpu.memory_space<hbm>> -> memref<80x128xf32, #tpu.memory_space<hbm>>
        %dma_wait3A_459 = arith.constant 0 : i32
        %dma_wait3A_460 = tpu.memref_slice %arg9[%add3A_189, %dma_wait3A_459] : memref<10008x128xf32, #tpu.memory_space<vmem_shared>> -> memref<80x128xf32, #tpu.memory_space<vmem_shared>>
        tpu.wait_dma2 semaphore(%run_scoped3A_444 : memref<!tpu.dma_semaphore, #tpu.memory_space<semaphore_mem>>) src(%dma_wait3A_460 : memref<80x128xf32, #tpu.memory_space<vmem_shared>>) dst(%dma_wait3A_458 : memref<80x128xf32, #tpu.memory_space<hbm>>)
        tpu.yield
      }) : () -> ()
    } else {
    }
    %add3A_195 = arith.constant 480 : i32
    %add3A_196 = arith.addi %mul3A_0, %add3A_195 : i32
    %lt3A_197 = arith.constant 10000 : i32
    %lt3A_198 = arith.cmpi slt, %add3A_196, %lt3A_197 : i32
    %convert_element_type3A_199 = arith.extui %lt3A_198 : i1 to i32
    %cond3A_200 = arith.constant 0 : i32
    %cond3A_201 = arith.cmpi ne, %convert_element_type3A_199, %cond3A_200 : i32
    scf.if %cond3A_201 {
      "tpu.region"() ({
        %run_scoped3A_444 = tpu.sem_alloc : memref<!tpu.dma_semaphore, #tpu.memory_space<semaphore_mem>>
        %dma_start3A_445 = arith.constant 0 : i32
        %dma_start3A_446 = arith.constant 0 : i32
        %dma_start3A_447 = tpu.memref_slice %arg8[%arg0, %dma_start3A_445, %dma_start3A_446] : memref<2x10000x128xf32, #tpu.memory_space<hbm>> -> memref<1x10000x128xf32, #tpu.memory_space<hbm>>
        %dma_start3A_448 = tpu.memref_squeeze %dma_start3A_447 : memref<1x10000x128xf32, #tpu.memory_space<hbm>> -> memref<10000x128xf32, #tpu.memory_space<hbm>>
        %dma_start3A_449 = arith.constant 0 : i32
        %dma_start3A_450 = tpu.memref_slice %dma_start3A_448[%add3A_196, %dma_start3A_449] : memref<10000x128xf32, #tpu.memory_space<hbm>> -> memref<80x128xf32, #tpu.memory_space<hbm>>
        %dma_start3A_451 = arith.constant 0 : i32
        %dma_start3A_452 = tpu.memref_slice %arg9[%add3A_196, %dma_start3A_451] : memref<10008x128xf32, #tpu.memory_space<vmem_shared>> -> memref<80x128xf32, #tpu.memory_space<vmem_shared>>
        tpu.enqueue_dma source(%dma_start3A_452 : memref<80x128xf32, #tpu.memory_space<vmem_shared>>) target(%dma_start3A_450 : memref<80x128xf32, #tpu.memory_space<hbm>>) target_semaphore(%run_scoped3A_444 : memref<!tpu.dma_semaphore, #tpu.memory_space<semaphore_mem>>)
        %dma_wait3A_453 = arith.constant 0 : i32
        %dma_wait3A_454 = arith.constant 0 : i32
        %dma_wait3A_455 = tpu.memref_slice %arg8[%arg0, %dma_wait3A_453, %dma_wait3A_454] : memref<2x10000x128xf32, #tpu.memory_space<hbm>> -> memref<1x10000x128xf32, #tpu.memory_space<hbm>>
        %dma_wait3A_456 = tpu.memref_squeeze %dma_wait3A_455 : memref<1x10000x128xf32, #tpu.memory_space<hbm>> -> memref<10000x128xf32, #tpu.memory_space<hbm>>
        %dma_wait3A_457 = arith.constant 0 : i32
        %dma_wait3A_458 = tpu.memref_slice %dma_wait3A_456[%add3A_196, %dma_wait3A_457] : memref<10000x128xf32, #tpu.memory_space<hbm>> -> memref<80x128xf32, #tpu.memory_space<hbm>>
        %dma_wait3A_459 = arith.constant 0 : i32
        %dma_wait3A_460 = tpu.memref_slice %arg9[%add3A_196, %dma_wait3A_459] : memref<10008x128xf32, #tpu.memory_space<vmem_shared>> -> memref<80x128xf32, #tpu.memory_space<vmem_shared>>
        tpu.wait_dma2 semaphore(%run_scoped3A_444 : memref<!tpu.dma_semaphore, #tpu.memory_space<semaphore_mem>>) src(%dma_wait3A_460 : memref<80x128xf32, #tpu.memory_space<vmem_shared>>) dst(%dma_wait3A_458 : memref<80x128xf32, #tpu.memory_space<hbm>>)
        tpu.yield
      }) : () -> ()
    } else {
    }
    %add3A_202 = arith.constant 560 : i32
    %add3A_203 = arith.addi %mul3A_0, %add3A_202 : i32
    %lt3A_204 = arith.constant 10000 : i32
    %lt3A_205 = arith.cmpi slt, %add3A_203, %lt3A_204 : i32
    %convert_element_type3A_206 = arith.extui %lt3A_205 : i1 to i32
    %cond3A_207 = arith.constant 0 : i32
    %cond3A_208 = arith.cmpi ne, %convert_element_type3A_206, %cond3A_207 : i32
    scf.if %cond3A_208 {
      "tpu.region"() ({
        %run_scoped3A_444 = tpu.sem_alloc : memref<!tpu.dma_semaphore, #tpu.memory_space<semaphore_mem>>
        %dma_start3A_445 = arith.constant 0 : i32
        %dma_start3A_446 = arith.constant 0 : i32
        %dma_start3A_447 = tpu.memref_slice %arg8[%arg0, %dma_start3A_445, %dma_start3A_446] : memref<2x10000x128xf32, #tpu.memory_space<hbm>> -> memref<1x10000x128xf32, #tpu.memory_space<hbm>>
        %dma_start3A_448 = tpu.memref_squeeze %dma_start3A_447 : memref<1x10000x128xf32, #tpu.memory_space<hbm>> -> memref<10000x128xf32, #tpu.memory_space<hbm>>
        %dma_start3A_449 = arith.constant 0 : i32
        %dma_start3A_450 = tpu.memref_slice %dma_start3A_448[%add3A_203, %dma_start3A_449] : memref<10000x128xf32, #tpu.memory_space<hbm>> -> memref<80x128xf32, #tpu.memory_space<hbm>>
        %dma_start3A_451 = arith.constant 0 : i32
        %dma_start3A_452 = tpu.memref_slice %arg9[%add3A_203, %dma_start3A_451] : memref<10008x128xf32, #tpu.memory_space<vmem_shared>> -> memref<80x128xf32, #tpu.memory_space<vmem_shared>>
        tpu.enqueue_dma source(%dma_start3A_452 : memref<80x128xf32, #tpu.memory_space<vmem_shared>>) target(%dma_start3A_450 : memref<80x128xf32, #tpu.memory_space<hbm>>) target_semaphore(%run_scoped3A_444 : memref<!tpu.dma_semaphore, #tpu.memory_space<semaphore_mem>>)
        %dma_wait3A_453 = arith.constant 0 : i32
        %dma_wait3A_454 = arith.constant 0 : i32
        %dma_wait3A_455 = tpu.memref_slice %arg8[%arg0, %dma_wait3A_453, %dma_wait3A_454] : memref<2x10000x128xf32, #tpu.memory_space<hbm>> -> memref<1x10000x128xf32, #tpu.memory_space<hbm>>
        %dma_wait3A_456 = tpu.memref_squeeze %dma_wait3A_455 : memref<1x10000x128xf32, #tpu.memory_space<hbm>> -> memref<10000x128xf32, #tpu.memory_space<hbm>>
        %dma_wait3A_457 = arith.constant 0 : i32
        %dma_wait3A_458 = tpu.memref_slice %dma_wait3A_456[%add3A_203, %dma_wait3A_457] : memref<10000x128xf32, #tpu.memory_space<hbm>> -> memref<80x128xf32, #tpu.memory_space<hbm>>
        %dma_wait3A_459 = arith.constant 0 : i32
        %dma_wait3A_460 = tpu.memref_slice %arg9[%add3A_203, %dma_wait3A_459] : memref<10008x128xf32, #tpu.memory_space<vmem_shared>> -> memref<80x128xf32, #tpu.memory_space<vmem_shared>>
        tpu.wait_dma2 semaphore(%run_scoped3A_444 : memref<!tpu.dma_semaphore, #tpu.memory_space<semaphore_mem>>) src(%dma_wait3A_460 : memref<80x128xf32, #tpu.memory_space<vmem_shared>>) dst(%dma_wait3A_458 : memref<80x128xf32, #tpu.memory_space<hbm>>)
        tpu.yield
      }) : () -> ()
    } else {
    }
    %broadcast_in_dim3A = arith.constant 0.000000e+00 : f32
    %broadcast_in_dim3A_209 = vector.broadcast %broadcast_in_dim3A : f32 to vector<16xf32>
    %scan3A = arith.constant 0 : i32
    %scan3A_210 = arith.constant 80 : i32
    %scan3A_211 = arith.addi %scan3A, %scan3A_210 : i32
    %scan3A_212 = arith.constant 1 : i32
    scf.for %scan3A_444 = %scan3A to %scan3A_211 step %scan3A_212  : i32 {
      %mul3A_445 = arith.constant 1 : i32
      %mul3A_446 = arith.muli %scan3A_444, %mul3A_445 : i32
      %add3A_447 = arith.constant 0 : i32
      %add3A_448 = arith.addi %add3A_447, %mul3A_446 : i32
      %swap3A = arith.index_cast %add3A_448 : i32 to index
      %swap3A_449 = arith.constant 0 : index
      %swap3A_450 = tpu.vector_load %arg13[%swap3A, %swap3A_449] {strides = array<i32>} : memref<80x128xf32, #tpu.memory_space<vmem>>, vector<1x16xf32>,
      %swap3A_451 = vector.shape_cast %swap3A_450 : vector<1x16xf32> to vector<16xf32>
      %swap3A_452 = vector.shape_cast %broadcast_in_dim3A_209 : vector<16xf32> to vector<1x16xf32>
      tpu.vector_store %arg13[%swap3A, %swap3A_449], %swap3A_452 {strides = array<i32>} : memref<80x128xf32, #tpu.memory_space<vmem>>, vector<1x16xf32>,
      %swap3A_453 = arith.index_cast %add3A_448 : i32 to index
      %swap3A_454 = arith.constant 16 : index
      %swap3A_455 = tpu.vector_load %arg13[%swap3A_453, %swap3A_454] {strides = array<i32>} : memref<80x128xf32, #tpu.memory_space<vmem>>, vector<1x16xf32>,
      %swap3A_456 = vector.shape_cast %swap3A_455 : vector<1x16xf32> to vector<16xf32>
      %swap3A_457 = vector.shape_cast %broadcast_in_dim3A_209 : vector<16xf32> to vector<1x16xf32>
      tpu.vector_store %arg13[%swap3A_453, %swap3A_454], %swap3A_457 {strides = array<i32>} : memref<80x128xf32, #tpu.memory_space<vmem>>, vector<1x16xf32>,
      %swap3A_458 = arith.index_cast %add3A_448 : i32 to index
      %swap3A_459 = arith.constant 32 : index
      %swap3A_460 = tpu.vector_load %arg13[%swap3A_458, %swap3A_459] {strides = array<i32>} : memref<80x128xf32, #tpu.memory_space<vmem>>, vector<1x16xf32>,
      %swap3A_461 = vector.shape_cast %swap3A_460 : vector<1x16xf32> to vector<16xf32>
      %swap3A_462 = vector.shape_cast %broadcast_in_dim3A_209 : vector<16xf32> to vector<1x16xf32>
      tpu.vector_store %arg13[%swap3A_458, %swap3A_459], %swap3A_462 {strides = array<i32>} : memref<80x128xf32, #tpu.memory_space<vmem>>, vector<1x16xf32>,
      %swap3A_463 = arith.index_cast %add3A_448 : i32 to index
      %swap3A_464 = arith.constant 48 : index
      %swap3A_465 = tpu.vector_load %arg13[%swap3A_463, %swap3A_464] {strides = array<i32>} : memref<80x128xf32, #tpu.memory_space<vmem>>, vector<1x16xf32>,
      %swap3A_466 = vector.shape_cast %swap3A_465 : vector<1x16xf32> to vector<16xf32>
      %swap3A_467 = vector.shape_cast %broadcast_in_dim3A_209 : vector<16xf32> to vector<1x16xf32>
      tpu.vector_store %arg13[%swap3A_463, %swap3A_464], %swap3A_467 {strides = array<i32>} : memref<80x128xf32, #tpu.memory_space<vmem>>, vector<1x16xf32>,
      %swap3A_468 = arith.index_cast %add3A_448 : i32 to index
      %swap3A_469 = arith.constant 64 : index
      %swap3A_470 = tpu.vector_load %arg13[%swap3A_468, %swap3A_469] {strides = array<i32>} : memref<80x128xf32, #tpu.memory_space<vmem>>, vector<1x16xf32>,
      %swap3A_471 = vector.shape_cast %swap3A_470 : vector<1x16xf32> to vector<16xf32>
      %swap3A_472 = vector.shape_cast %broadcast_in_dim3A_209 : vector<16xf32> to vector<1x16xf32>
      tpu.vector_store %arg13[%swap3A_468, %swap3A_469], %swap3A_472 {strides = array<i32>} : memref<80x128xf32, #tpu.memory_space<vmem>>, vector<1x16xf32>,
      %swap3A_473 = arith.index_cast %add3A_448 : i32 to index
      %swap3A_474 = arith.constant 80 : index
      %swap3A_475 = tpu.vector_load %arg13[%swap3A_473, %swap3A_474] {strides = array<i32>} : memref<80x128xf32, #tpu.memory_space<vmem>>, vector<1x16xf32>,
      %swap3A_476 = vector.shape_cast %swap3A_475 : vector<1x16xf32> to vector<16xf32>
      %swap3A_477 = vector.shape_cast %broadcast_in_dim3A_209 : vector<16xf32> to vector<1x16xf32>
      tpu.vector_store %arg13[%swap3A_473, %swap3A_474], %swap3A_477 {strides = array<i32>} : memref<80x128xf32, #tpu.memory_space<vmem>>, vector<1x16xf32>,
      %swap3A_478 = arith.index_cast %add3A_448 : i32 to index
      %swap3A_479 = arith.constant 96 : index
      %swap3A_480 = tpu.vector_load %arg13[%swap3A_478, %swap3A_479] {strides = array<i32>} : memref<80x128xf32, #tpu.memory_space<vmem>>, vector<1x16xf32>,
      %swap3A_481 = vector.shape_cast %swap3A_480 : vector<1x16xf32> to vector<16xf32>
      %swap3A_482 = vector.shape_cast %broadcast_in_dim3A_209 : vector<16xf32> to vector<1x16xf32>
      tpu.vector_store %arg13[%swap3A_478, %swap3A_479], %swap3A_482 {strides = array<i32>} : memref<80x128xf32, #tpu.memory_space<vmem>>, vector<1x16xf32>,
      %swap3A_483 = arith.index_cast %add3A_448 : i32 to index
      %swap3A_484 = arith.constant 112 : index
      %swap3A_485 = tpu.vector_load %arg13[%swap3A_483, %swap3A_484] {strides = array<i32>} : memref<80x128xf32, #tpu.memory_space<vmem>>, vector<1x16xf32>,
      %swap3A_486 = vector.shape_cast %swap3A_485 : vector<1x16xf32> to vector<16xf32>
      %swap3A_487 = vector.shape_cast %broadcast_in_dim3A_209 : vector<16xf32> to vector<1x16xf32>
      tpu.vector_store %arg13[%swap3A_483, %swap3A_484], %swap3A_487 {strides = array<i32>} : memref<80x128xf32, #tpu.memory_space<vmem>>, vector<1x16xf32>,
    }
    %scan3A_213 = arith.constant 80 : i32
    %add3A_214 = arith.constant 0 : i32
    %add3A_215 = arith.addi %mul3A_0, %add3A_214 : i32
    %lt3A_216 = arith.constant 10000 : i32
    %lt3A_217 = arith.cmpi slt, %add3A_215, %lt3A_216 : i32
    %convert_element_type3A_218 = arith.extui %lt3A_217 : i1 to i32
    %cond3A_219 = arith.constant 0 : i32
    %cond3A_220 = arith.cmpi ne, %convert_element_type3A_218, %cond3A_219 : i32
    scf.if %cond3A_220 {
      "tpu.region"() ({
        %run_scoped3A_444 = tpu.sem_alloc : memref<!tpu.dma_semaphore, #tpu.memory_space<semaphore_mem>>
        %dma_start3A_445 = arith.constant 0 : i32
        %dma_start3A_446 = arith.constant 0 : i32
        %dma_start3A_447 = tpu.memref_slice %arg13[%dma_start3A_445, %dma_start3A_446] : memref<80x128xf32, #tpu.memory_space<vmem>> -> memref<80x128xf32, #tpu.memory_space<vmem>>
        %dma_start3A_448 = arith.constant 0 : i32
        %dma_start3A_449 = tpu.memref_slice %arg9[%add3A_215, %dma_start3A_448] : memref<10008x128xf32, #tpu.memory_space<vmem_shared>> -> memref<80x128xf32, #tpu.memory_space<vmem_shared>>
        %dma_start3A_450 = arith.constant 0 : i32
        %dma_start3A_451 = tpu.memref_slice %arg9[%add3A_215, %dma_start3A_450] : memref<10008x128xf32, #tpu.memory_space<vmem_shared>> -> memref<80x128xf32, #tpu.memory_space<vmem_shared>>
        %dma_start3A_452 = arith.constant 0 : i32
        %dma_start3A_453 = arith.constant 0 : i32
        %dma_start3A_454 = tpu.memref_slice %arg13[%dma_start3A_452, %dma_start3A_453] : memref<80x128xf32, #tpu.memory_space<vmem>> -> memref<80x128xf32, #tpu.memory_space<vmem>>
        tpu.enqueue_dma source(%dma_start3A_454 : memref<80x128xf32, #tpu.memory_space<vmem>>) target(%dma_start3A_451 : memref<80x128xf32, #tpu.memory_space<vmem_shared>>) target_semaphore(%run_scoped3A_444 : memref<!tpu.dma_semaphore, #tpu.memory_space<semaphore_mem>>)
        %dma_wait3A_455 = arith.constant 0 : i32
        %dma_wait3A_456 = arith.constant 0 : i32
        %dma_wait3A_457 = tpu.memref_slice %arg13[%dma_wait3A_455, %dma_wait3A_456] : memref<80x128xf32, #tpu.memory_space<vmem>> -> memref<80x128xf32, #tpu.memory_space<vmem>>
        %dma_wait3A_458 = arith.constant 0 : i32
        %dma_wait3A_459 = tpu.memref_slice %arg9[%add3A_215, %dma_wait3A_458] : memref<10008x128xf32, #tpu.memory_space<vmem_shared>> -> memref<80x128xf32, #tpu.memory_space<vmem_shared>>
        %dma_wait3A_460 = arith.constant 0 : i32
        %dma_wait3A_461 = tpu.memref_slice %arg9[%add3A_215, %dma_wait3A_460] : memref<10008x128xf32, #tpu.memory_space<vmem_shared>> -> memref<80x128xf32, #tpu.memory_space<vmem_shared>>
        %dma_wait3A_462 = arith.constant 0 : i32
        %dma_wait3A_463 = arith.constant 0 : i32
        %dma_wait3A_464 = tpu.memref_slice %arg13[%dma_wait3A_462, %dma_wait3A_463] : memref<80x128xf32, #tpu.memory_space<vmem>> -> memref<80x128xf32, #tpu.memory_space<vmem>>
        tpu.wait_dma2 semaphore(%run_scoped3A_444 : memref<!tpu.dma_semaphore, #tpu.memory_space<semaphore_mem>>) src(%dma_wait3A_464 : memref<80x128xf32, #tpu.memory_space<vmem>>) dst(%dma_wait3A_461 : memref<80x128xf32, #tpu.memory_space<vmem_shared>>)
        tpu.yield
      }) : () -> ()
    } else {
    }
    %add3A_221 = arith.constant 80 : i32
    %add3A_222 = arith.addi %mul3A_0, %add3A_221 : i32
    %lt3A_223 = arith.constant 10000 : i32
    %lt3A_224 = arith.cmpi slt, %add3A_222, %lt3A_223 : i32
    %convert_element_type3A_225 = arith.extui %lt3A_224 : i1 to i32
    %cond3A_226 = arith.constant 0 : i32
    %cond3A_227 = arith.cmpi ne, %convert_element_type3A_225, %cond3A_226 : i32
    scf.if %cond3A_227 {
      "tpu.region"() ({
        %run_scoped3A_444 = tpu.sem_alloc : memref<!tpu.dma_semaphore, #tpu.memory_space<semaphore_mem>>
        %dma_start3A_445 = arith.constant 0 : i32
        %dma_start3A_446 = arith.constant 0 : i32
        %dma_start3A_447 = tpu.memref_slice %arg13[%dma_start3A_445, %dma_start3A_446] : memref<80x128xf32, #tpu.memory_space<vmem>> -> memref<80x128xf32, #tpu.memory_space<vmem>>
        %dma_start3A_448 = arith.constant 0 : i32
        %dma_start3A_449 = tpu.memref_slice %arg9[%add3A_222, %dma_start3A_448] : memref<10008x128xf32, #tpu.memory_space<vmem_shared>> -> memref<80x128xf32, #tpu.memory_space<vmem_shared>>
        %dma_start3A_450 = arith.constant 0 : i32
        %dma_start3A_451 = tpu.memref_slice %arg9[%add3A_222, %dma_start3A_450] : memref<10008x128xf32, #tpu.memory_space<vmem_shared>> -> memref<80x128xf32, #tpu.memory_space<vmem_shared>>
        %dma_start3A_452 = arith.constant 0 : i32
        %dma_start3A_453 = arith.constant 0 : i32
        %dma_start3A_454 = tpu.memref_slice %arg13[%dma_start3A_452, %dma_start3A_453] : memref<80x128xf32, #tpu.memory_space<vmem>> -> memref<80x128xf32, #tpu.memory_space<vmem>>
        tpu.enqueue_dma source(%dma_start3A_454 : memref<80x128xf32, #tpu.memory_space<vmem>>) target(%dma_start3A_451 : memref<80x128xf32, #tpu.memory_space<vmem_shared>>) target_semaphore(%run_scoped3A_444 : memref<!tpu.dma_semaphore, #tpu.memory_space<semaphore_mem>>)
        %dma_wait3A_455 = arith.constant 0 : i32
        %dma_wait3A_456 = arith.constant 0 : i32
        %dma_wait3A_457 = tpu.memref_slice %arg13[%dma_wait3A_455, %dma_wait3A_456] : memref<80x128xf32, #tpu.memory_space<vmem>> -> memref<80x128xf32, #tpu.memory_space<vmem>>
        %dma_wait3A_458 = arith.constant 0 : i32
        %dma_wait3A_459 = tpu.memref_slice %arg9[%add3A_222, %dma_wait3A_458] : memref<10008x128xf32, #tpu.memory_space<vmem_shared>> -> memref<80x128xf32, #tpu.memory_space<vmem_shared>>
        %dma_wait3A_460 = arith.constant 0 : i32
        %dma_wait3A_461 = tpu.memref_slice %arg9[%add3A_222, %dma_wait3A_460] : memref<10008x128xf32, #tpu.memory_space<vmem_shared>> -> memref<80x128xf32, #tpu.memory_space<vmem_shared>>
        %dma_wait3A_462 = arith.constant 0 : i32
        %dma_wait3A_463 = arith.constant 0 : i32
        %dma_wait3A_464 = tpu.memref_slice %arg13[%dma_wait3A_462, %dma_wait3A_463] : memref<80x128xf32, #tpu.memory_space<vmem>> -> memref<80x128xf32, #tpu.memory_space<vmem>>
        tpu.wait_dma2 semaphore(%run_scoped3A_444 : memref<!tpu.dma_semaphore, #tpu.memory_space<semaphore_mem>>) src(%dma_wait3A_464 : memref<80x128xf32, #tpu.memory_space<vmem>>) dst(%dma_wait3A_461 : memref<80x128xf32, #tpu.memory_space<vmem_shared>>)
        tpu.yield
      }) : () -> ()
    } else {
    }
    %add3A_228 = arith.constant 160 : i32
    %add3A_229 = arith.addi %mul3A_0, %add3A_228 : i32
    %lt3A_230 = arith.constant 10000 : i32
    %lt3A_231 = arith.cmpi slt, %add3A_229, %lt3A_230 : i32
    %convert_element_type3A_232 = arith.extui %lt3A_231 : i1 to i32
    %cond3A_233 = arith.constant 0 : i32
    %cond3A_234 = arith.cmpi ne, %convert_element_type3A_232, %cond3A_233 : i32
    scf.if %cond3A_234 {
      "tpu.region"() ({
        %run_scoped3A_444 = tpu.sem_alloc : memref<!tpu.dma_semaphore, #tpu.memory_space<semaphore_mem>>
        %dma_start3A_445 = arith.constant 0 : i32
        %dma_start3A_446 = arith.constant 0 : i32
        %dma_start3A_447 = tpu.memref_slice %arg13[%dma_start3A_445, %dma_start3A_446] : memref<80x128xf32, #tpu.memory_space<vmem>> -> memref<80x128xf32, #tpu.memory_space<vmem>>
        %dma_start3A_448 = arith.constant 0 : i32
        %dma_start3A_449 = tpu.memref_slice %arg9[%add3A_229, %dma_start3A_448] : memref<10008x128xf32, #tpu.memory_space<vmem_shared>> -> memref<80x128xf32, #tpu.memory_space<vmem_shared>>
        %dma_start3A_450 = arith.constant 0 : i32
        %dma_start3A_451 = tpu.memref_slice %arg9[%add3A_229, %dma_start3A_450] : memref<10008x128xf32, #tpu.memory_space<vmem_shared>> -> memref<80x128xf32, #tpu.memory_space<vmem_shared>>
        %dma_start3A_452 = arith.constant 0 : i32
        %dma_start3A_453 = arith.constant 0 : i32
        %dma_start3A_454 = tpu.memref_slice %arg13[%dma_start3A_452, %dma_start3A_453] : memref<80x128xf32, #tpu.memory_space<vmem>> -> memref<80x128xf32, #tpu.memory_space<vmem>>
        tpu.enqueue_dma source(%dma_start3A_454 : memref<80x128xf32, #tpu.memory_space<vmem>>) target(%dma_start3A_451 : memref<80x128xf32, #tpu.memory_space<vmem_shared>>) target_semaphore(%run_scoped3A_444 : memref<!tpu.dma_semaphore, #tpu.memory_space<semaphore_mem>>)
        %dma_wait3A_455 = arith.constant 0 : i32
        %dma_wait3A_456 = arith.constant 0 : i32
        %dma_wait3A_457 = tpu.memref_slice %arg13[%dma_wait3A_455, %dma_wait3A_456] : memref<80x128xf32, #tpu.memory_space<vmem>> -> memref<80x128xf32, #tpu.memory_space<vmem>>
        %dma_wait3A_458 = arith.constant 0 : i32
        %dma_wait3A_459 = tpu.memref_slice %arg9[%add3A_229, %dma_wait3A_458] : memref<10008x128xf32, #tpu.memory_space<vmem_shared>> -> memref<80x128xf32, #tpu.memory_space<vmem_shared>>
        %dma_wait3A_460 = arith.constant 0 : i32
        %dma_wait3A_461 = tpu.memref_slice %arg9[%add3A_229, %dma_wait3A_460] : memref<10008x128xf32, #tpu.memory_space<vmem_shared>> -> memref<80x128xf32, #tpu.memory_space<vmem_shared>>
        %dma_wait3A_462 = arith.constant 0 : i32
        %dma_wait3A_463 = arith.constant 0 : i32
        %dma_wait3A_464 = tpu.memref_slice %arg13[%dma_wait3A_462, %dma_wait3A_463] : memref<80x128xf32, #tpu.memory_space<vmem>> -> memref<80x128xf32, #tpu.memory_space<vmem>>
        tpu.wait_dma2 semaphore(%run_scoped3A_444 : memref<!tpu.dma_semaphore, #tpu.memory_space<semaphore_mem>>) src(%dma_wait3A_464 : memref<80x128xf32, #tpu.memory_space<vmem>>) dst(%dma_wait3A_461 : memref<80x128xf32, #tpu.memory_space<vmem_shared>>)
        tpu.yield
      }) : () -> ()
    } else {
    }
    %add3A_235 = arith.constant 240 : i32
    %add3A_236 = arith.addi %mul3A_0, %add3A_235 : i32
    %lt3A_237 = arith.constant 10000 : i32
    %lt3A_238 = arith.cmpi slt, %add3A_236, %lt3A_237 : i32
    %convert_element_type3A_239 = arith.extui %lt3A_238 : i1 to i32
    %cond3A_240 = arith.constant 0 : i32
    %cond3A_241 = arith.cmpi ne, %convert_element_type3A_239, %cond3A_240 : i32
    scf.if %cond3A_241 {
      "tpu.region"() ({
        %run_scoped3A_444 = tpu.sem_alloc : memref<!tpu.dma_semaphore, #tpu.memory_space<semaphore_mem>>
        %dma_start3A_445 = arith.constant 0 : i32
        %dma_start3A_446 = arith.constant 0 : i32
        %dma_start3A_447 = tpu.memref_slice %arg13[%dma_start3A_445, %dma_start3A_446] : memref<80x128xf32, #tpu.memory_space<vmem>> -> memref<80x128xf32, #tpu.memory_space<vmem>>
        %dma_start3A_448 = arith.constant 0 : i32
        %dma_start3A_449 = tpu.memref_slice %arg9[%add3A_236, %dma_start3A_448] : memref<10008x128xf32, #tpu.memory_space<vmem_shared>> -> memref<80x128xf32, #tpu.memory_space<vmem_shared>>
        %dma_start3A_450 = arith.constant 0 : i32
        %dma_start3A_451 = tpu.memref_slice %arg9[%add3A_236, %dma_start3A_450] : memref<10008x128xf32, #tpu.memory_space<vmem_shared>> -> memref<80x128xf32, #tpu.memory_space<vmem_shared>>
        %dma_start3A_452 = arith.constant 0 : i32
        %dma_start3A_453 = arith.constant 0 : i32
        %dma_start3A_454 = tpu.memref_slice %arg13[%dma_start3A_452, %dma_start3A_453] : memref<80x128xf32, #tpu.memory_space<vmem>> -> memref<80x128xf32, #tpu.memory_space<vmem>>
        tpu.enqueue_dma source(%dma_start3A_454 : memref<80x128xf32, #tpu.memory_space<vmem>>) target(%dma_start3A_451 : memref<80x128xf32, #tpu.memory_space<vmem_shared>>) target_semaphore(%run_scoped3A_444 : memref<!tpu.dma_semaphore, #tpu.memory_space<semaphore_mem>>)
        %dma_wait3A_455 = arith.constant 0 : i32
        %dma_wait3A_456 = arith.constant 0 : i32
        %dma_wait3A_457 = tpu.memref_slice %arg13[%dma_wait3A_455, %dma_wait3A_456] : memref<80x128xf32, #tpu.memory_space<vmem>> -> memref<80x128xf32, #tpu.memory_space<vmem>>
        %dma_wait3A_458 = arith.constant 0 : i32
        %dma_wait3A_459 = tpu.memref_slice %arg9[%add3A_236, %dma_wait3A_458] : memref<10008x128xf32, #tpu.memory_space<vmem_shared>> -> memref<80x128xf32, #tpu.memory_space<vmem_shared>>
        %dma_wait3A_460 = arith.constant 0 : i32
        %dma_wait3A_461 = tpu.memref_slice %arg9[%add3A_236, %dma_wait3A_460] : memref<10008x128xf32, #tpu.memory_space<vmem_shared>> -> memref<80x128xf32, #tpu.memory_space<vmem_shared>>
        %dma_wait3A_462 = arith.constant 0 : i32
        %dma_wait3A_463 = arith.constant 0 : i32
        %dma_wait3A_464 = tpu.memref_slice %arg13[%dma_wait3A_462, %dma_wait3A_463] : memref<80x128xf32, #tpu.memory_space<vmem>> -> memref<80x128xf32, #tpu.memory_space<vmem>>
        tpu.wait_dma2 semaphore(%run_scoped3A_444 : memref<!tpu.dma_semaphore, #tpu.memory_space<semaphore_mem>>) src(%dma_wait3A_464 : memref<80x128xf32, #tpu.memory_space<vmem>>) dst(%dma_wait3A_461 : memref<80x128xf32, #tpu.memory_space<vmem_shared>>)
        tpu.yield
      }) : () -> ()
    } else {
    }
    %add3A_242 = arith.constant 320 : i32
    %add3A_243 = arith.addi %mul3A_0, %add3A_242 : i32
    %lt3A_244 = arith.constant 10000 : i32
    %lt3A_245 = arith.cmpi slt, %add3A_243, %lt3A_244 : i32
    %convert_element_type3A_246 = arith.extui %lt3A_245 : i1 to i32
    %cond3A_247 = arith.constant 0 : i32
    %cond3A_248 = arith.cmpi ne, %convert_element_type3A_246, %cond3A_247 : i32
    scf.if %cond3A_248 {
      "tpu.region"() ({
        %run_scoped3A_444 = tpu.sem_alloc : memref<!tpu.dma_semaphore, #tpu.memory_space<semaphore_mem>>
        %dma_start3A_445 = arith.constant 0 : i32
        %dma_start3A_446 = arith.constant 0 : i32
        %dma_start3A_447 = tpu.memref_slice %arg13[%dma_start3A_445, %dma_start3A_446] : memref<80x128xf32, #tpu.memory_space<vmem>> -> memref<80x128xf32, #tpu.memory_space<vmem>>
        %dma_start3A_448 = arith.constant 0 : i32
        %dma_start3A_449 = tpu.memref_slice %arg9[%add3A_243, %dma_start3A_448] : memref<10008x128xf32, #tpu.memory_space<vmem_shared>> -> memref<80x128xf32, #tpu.memory_space<vmem_shared>>
        %dma_start3A_450 = arith.constant 0 : i32
        %dma_start3A_451 = tpu.memref_slice %arg9[%add3A_243, %dma_start3A_450] : memref<10008x128xf32, #tpu.memory_space<vmem_shared>> -> memref<80x128xf32, #tpu.memory_space<vmem_shared>>
        %dma_start3A_452 = arith.constant 0 : i32
        %dma_start3A_453 = arith.constant 0 : i32
        %dma_start3A_454 = tpu.memref_slice %arg13[%dma_start3A_452, %dma_start3A_453] : memref<80x128xf32, #tpu.memory_space<vmem>> -> memref<80x128xf32, #tpu.memory_space<vmem>>
        tpu.enqueue_dma source(%dma_start3A_454 : memref<80x128xf32, #tpu.memory_space<vmem>>) target(%dma_start3A_451 : memref<80x128xf32, #tpu.memory_space<vmem_shared>>) target_semaphore(%run_scoped3A_444 : memref<!tpu.dma_semaphore, #tpu.memory_space<semaphore_mem>>)
        %dma_wait3A_455 = arith.constant 0 : i32
        %dma_wait3A_456 = arith.constant 0 : i32
        %dma_wait3A_457 = tpu.memref_slice %arg13[%dma_wait3A_455, %dma_wait3A_456] : memref<80x128xf32, #tpu.memory_space<vmem>> -> memref<80x128xf32, #tpu.memory_space<vmem>>
        %dma_wait3A_458 = arith.constant 0 : i32
        %dma_wait3A_459 = tpu.memref_slice %arg9[%add3A_243, %dma_wait3A_458] : memref<10008x128xf32, #tpu.memory_space<vmem_shared>> -> memref<80x128xf32, #tpu.memory_space<vmem_shared>>
        %dma_wait3A_460 = arith.constant 0 : i32
        %dma_wait3A_461 = tpu.memref_slice %arg9[%add3A_243, %dma_wait3A_460] : memref<10008x128xf32, #tpu.memory_space<vmem_shared>> -> memref<80x128xf32, #tpu.memory_space<vmem_shared>>
        %dma_wait3A_462 = arith.constant 0 : i32
        %dma_wait3A_463 = arith.constant 0 : i32
        %dma_wait3A_464 = tpu.memref_slice %arg13[%dma_wait3A_462, %dma_wait3A_463] : memref<80x128xf32, #tpu.memory_space<vmem>> -> memref<80x128xf32, #tpu.memory_space<vmem>>
        tpu.wait_dma2 semaphore(%run_scoped3A_444 : memref<!tpu.dma_semaphore, #tpu.memory_space<semaphore_mem>>) src(%dma_wait3A_464 : memref<80x128xf32, #tpu.memory_space<vmem>>) dst(%dma_wait3A_461 : memref<80x128xf32, #tpu.memory_space<vmem_shared>>)
        tpu.yield
      }) : () -> ()
    } else {
    }
    %add3A_249 = arith.constant 400 : i32
    %add3A_250 = arith.addi %mul3A_0, %add3A_249 : i32
    %lt3A_251 = arith.constant 10000 : i32
    %lt3A_252 = arith.cmpi slt, %add3A_250, %lt3A_251 : i32
    %convert_element_type3A_253 = arith.extui %lt3A_252 : i1 to i32
    %cond3A_254 = arith.constant 0 : i32
    %cond3A_255 = arith.cmpi ne, %convert_element_type3A_253, %cond3A_254 : i32
    scf.if %cond3A_255 {
      "tpu.region"() ({
        %run_scoped3A_444 = tpu.sem_alloc : memref<!tpu.dma_semaphore, #tpu.memory_space<semaphore_mem>>
        %dma_start3A_445 = arith.constant 0 : i32
        %dma_start3A_446 = arith.constant 0 : i32
        %dma_start3A_447 = tpu.memref_slice %arg13[%dma_start3A_445, %dma_start3A_446] : memref<80x128xf32, #tpu.memory_space<vmem>> -> memref<80x128xf32, #tpu.memory_space<vmem>>
        %dma_start3A_448 = arith.constant 0 : i32
        %dma_start3A_449 = tpu.memref_slice %arg9[%add3A_250, %dma_start3A_448] : memref<10008x128xf32, #tpu.memory_space<vmem_shared>> -> memref<80x128xf32, #tpu.memory_space<vmem_shared>>
        %dma_start3A_450 = arith.constant 0 : i32
        %dma_start3A_451 = tpu.memref_slice %arg9[%add3A_250, %dma_start3A_450] : memref<10008x128xf32, #tpu.memory_space<vmem_shared>> -> memref<80x128xf32, #tpu.memory_space<vmem_shared>>
        %dma_start3A_452 = arith.constant 0 : i32
        %dma_start3A_453 = arith.constant 0 : i32
        %dma_start3A_454 = tpu.memref_slice %arg13[%dma_start3A_452, %dma_start3A_453] : memref<80x128xf32, #tpu.memory_space<vmem>> -> memref<80x128xf32, #tpu.memory_space<vmem>>
        tpu.enqueue_dma source(%dma_start3A_454 : memref<80x128xf32, #tpu.memory_space<vmem>>) target(%dma_start3A_451 : memref<80x128xf32, #tpu.memory_space<vmem_shared>>) target_semaphore(%run_scoped3A_444 : memref<!tpu.dma_semaphore, #tpu.memory_space<semaphore_mem>>)
        %dma_wait3A_455 = arith.constant 0 : i32
        %dma_wait3A_456 = arith.constant 0 : i32
        %dma_wait3A_457 = tpu.memref_slice %arg13[%dma_wait3A_455, %dma_wait3A_456] : memref<80x128xf32, #tpu.memory_space<vmem>> -> memref<80x128xf32, #tpu.memory_space<vmem>>
        %dma_wait3A_458 = arith.constant 0 : i32
        %dma_wait3A_459 = tpu.memref_slice %arg9[%add3A_250, %dma_wait3A_458] : memref<10008x128xf32, #tpu.memory_space<vmem_shared>> -> memref<80x128xf32, #tpu.memory_space<vmem_shared>>
        %dma_wait3A_460 = arith.constant 0 : i32
        %dma_wait3A_461 = tpu.memref_slice %arg9[%add3A_250, %dma_wait3A_460] : memref<10008x128xf32, #tpu.memory_space<vmem_shared>> -> memref<80x128xf32, #tpu.memory_space<vmem_shared>>
        %dma_wait3A_462 = arith.constant 0 : i32
        %dma_wait3A_463 = arith.constant 0 : i32
        %dma_wait3A_464 = tpu.memref_slice %arg13[%dma_wait3A_462, %dma_wait3A_463] : memref<80x128xf32, #tpu.memory_space<vmem>> -> memref<80x128xf32, #tpu.memory_space<vmem>>
        tpu.wait_dma2 semaphore(%run_scoped3A_444 : memref<!tpu.dma_semaphore, #tpu.memory_space<semaphore_mem>>) src(%dma_wait3A_464 : memref<80x128xf32, #tpu.memory_space<vmem>>) dst(%dma_wait3A_461 : memref<80x128xf32, #tpu.memory_space<vmem_shared>>)
        tpu.yield
      }) : () -> ()
    } else {
    }
    %add3A_256 = arith.constant 480 : i32
    %add3A_257 = arith.addi %mul3A_0, %add3A_256 : i32
    %lt3A_258 = arith.constant 10000 : i32
    %lt3A_259 = arith.cmpi slt, %add3A_257, %lt3A_258 : i32
    %convert_element_type3A_260 = arith.extui %lt3A_259 : i1 to i32
    %cond3A_261 = arith.constant 0 : i32
    %cond3A_262 = arith.cmpi ne, %convert_element_type3A_260, %cond3A_261 : i32
    scf.if %cond3A_262 {
      "tpu.region"() ({
        %run_scoped3A_444 = tpu.sem_alloc : memref<!tpu.dma_semaphore, #tpu.memory_space<semaphore_mem>>
        %dma_start3A_445 = arith.constant 0 : i32
        %dma_start3A_446 = arith.constant 0 : i32
        %dma_start3A_447 = tpu.memref_slice %arg13[%dma_start3A_445, %dma_start3A_446] : memref<80x128xf32, #tpu.memory_space<vmem>> -> memref<80x128xf32, #tpu.memory_space<vmem>>
        %dma_start3A_448 = arith.constant 0 : i32
        %dma_start3A_449 = tpu.memref_slice %arg9[%add3A_257, %dma_start3A_448] : memref<10008x128xf32, #tpu.memory_space<vmem_shared>> -> memref<80x128xf32, #tpu.memory_space<vmem_shared>>
        %dma_start3A_450 = arith.constant 0 : i32
        %dma_start3A_451 = tpu.memref_slice %arg9[%add3A_257, %dma_start3A_450] : memref<10008x128xf32, #tpu.memory_space<vmem_shared>> -> memref<80x128xf32, #tpu.memory_space<vmem_shared>>
        %dma_start3A_452 = arith.constant 0 : i32
        %dma_start3A_453 = arith.constant 0 : i32
        %dma_start3A_454 = tpu.memref_slice %arg13[%dma_start3A_452, %dma_start3A_453] : memref<80x128xf32, #tpu.memory_space<vmem>> -> memref<80x128xf32, #tpu.memory_space<vmem>>
        tpu.enqueue_dma source(%dma_start3A_454 : memref<80x128xf32, #tpu.memory_space<vmem>>) target(%dma_start3A_451 : memref<80x128xf32, #tpu.memory_space<vmem_shared>>) target_semaphore(%run_scoped3A_444 : memref<!tpu.dma_semaphore, #tpu.memory_space<semaphore_mem>>)
        %dma_wait3A_455 = arith.constant 0 : i32
        %dma_wait3A_456 = arith.constant 0 : i32
        %dma_wait3A_457 = tpu.memref_slice %arg13[%dma_wait3A_455, %dma_wait3A_456] : memref<80x128xf32, #tpu.memory_space<vmem>> -> memref<80x128xf32, #tpu.memory_space<vmem>>
        %dma_wait3A_458 = arith.constant 0 : i32
        %dma_wait3A_459 = tpu.memref_slice %arg9[%add3A_257, %dma_wait3A_458] : memref<10008x128xf32, #tpu.memory_space<vmem_shared>> -> memref<80x128xf32, #tpu.memory_space<vmem_shared>>
        %dma_wait3A_460 = arith.constant 0 : i32
        %dma_wait3A_461 = tpu.memref_slice %arg9[%add3A_257, %dma_wait3A_460] : memref<10008x128xf32, #tpu.memory_space<vmem_shared>> -> memref<80x128xf32, #tpu.memory_space<vmem_shared>>
        %dma_wait3A_462 = arith.constant 0 : i32
        %dma_wait3A_463 = arith.constant 0 : i32
        %dma_wait3A_464 = tpu.memref_slice %arg13[%dma_wait3A_462, %dma_wait3A_463] : memref<80x128xf32, #tpu.memory_space<vmem>> -> memref<80x128xf32, #tpu.memory_space<vmem>>
        tpu.wait_dma2 semaphore(%run_scoped3A_444 : memref<!tpu.dma_semaphore, #tpu.memory_space<semaphore_mem>>) src(%dma_wait3A_464 : memref<80x128xf32, #tpu.memory_space<vmem>>) dst(%dma_wait3A_461 : memref<80x128xf32, #tpu.memory_space<vmem_shared>>)
        tpu.yield
      }) : () -> ()
    } else {
    }
    %add3A_263 = arith.constant 560 : i32
    %add3A_264 = arith.addi %mul3A_0, %add3A_263 : i32
    %lt3A_265 = arith.constant 10000 : i32
    %lt3A_266 = arith.cmpi slt, %add3A_264, %lt3A_265 : i32
    %convert_element_type3A_267 = arith.extui %lt3A_266 : i1 to i32
    %cond3A_268 = arith.constant 0 : i32
    %cond3A_269 = arith.cmpi ne, %convert_element_type3A_267, %cond3A_268 : i32
    scf.if %cond3A_269 {
      "tpu.region"() ({
        %run_scoped3A_444 = tpu.sem_alloc : memref<!tpu.dma_semaphore, #tpu.memory_space<semaphore_mem>>
        %dma_start3A_445 = arith.constant 0 : i32
        %dma_start3A_446 = arith.constant 0 : i32
        %dma_start3A_447 = tpu.memref_slice %arg13[%dma_start3A_445, %dma_start3A_446] : memref<80x128xf32, #tpu.memory_space<vmem>> -> memref<80x128xf32, #tpu.memory_space<vmem>>
        %dma_start3A_448 = arith.constant 0 : i32
        %dma_start3A_449 = tpu.memref_slice %arg9[%add3A_264, %dma_start3A_448] : memref<10008x128xf32, #tpu.memory_space<vmem_shared>> -> memref<80x128xf32, #tpu.memory_space<vmem_shared>>
        %dma_start3A_450 = arith.constant 0 : i32
        %dma_start3A_451 = tpu.memref_slice %arg9[%add3A_264, %dma_start3A_450] : memref<10008x128xf32, #tpu.memory_space<vmem_shared>> -> memref<80x128xf32, #tpu.memory_space<vmem_shared>>
        %dma_start3A_452 = arith.constant 0 : i32
        %dma_start3A_453 = arith.constant 0 : i32
        %dma_start3A_454 = tpu.memref_slice %arg13[%dma_start3A_452, %dma_start3A_453] : memref<80x128xf32, #tpu.memory_space<vmem>> -> memref<80x128xf32, #tpu.memory_space<vmem>>
        tpu.enqueue_dma source(%dma_start3A_454 : memref<80x128xf32, #tpu.memory_space<vmem>>) target(%dma_start3A_451 : memref<80x128xf32, #tpu.memory_space<vmem_shared>>) target_semaphore(%run_scoped3A_444 : memref<!tpu.dma_semaphore, #tpu.memory_space<semaphore_mem>>)
        %dma_wait3A_455 = arith.constant 0 : i32
        %dma_wait3A_456 = arith.constant 0 : i32
        %dma_wait3A_457 = tpu.memref_slice %arg13[%dma_wait3A_455, %dma_wait3A_456] : memref<80x128xf32, #tpu.memory_space<vmem>> -> memref<80x128xf32, #tpu.memory_space<vmem>>
        %dma_wait3A_458 = arith.constant 0 : i32
        %dma_wait3A_459 = tpu.memref_slice %arg9[%add3A_264, %dma_wait3A_458] : memref<10008x128xf32, #tpu.memory_space<vmem_shared>> -> memref<80x128xf32, #tpu.memory_space<vmem_shared>>
        %dma_wait3A_460 = arith.constant 0 : i32
        %dma_wait3A_461 = tpu.memref_slice %arg9[%add3A_264, %dma_wait3A_460] : memref<10008x128xf32, #tpu.memory_space<vmem_shared>> -> memref<80x128xf32, #tpu.memory_space<vmem_shared>>
        %dma_wait3A_462 = arith.constant 0 : i32
        %dma_wait3A_463 = arith.constant 0 : i32
        %dma_wait3A_464 = tpu.memref_slice %arg13[%dma_wait3A_462, %dma_wait3A_463] : memref<80x128xf32, #tpu.memory_space<vmem>> -> memref<80x128xf32, #tpu.memory_space<vmem>>
        tpu.wait_dma2 semaphore(%run_scoped3A_444 : memref<!tpu.dma_semaphore, #tpu.memory_space<semaphore_mem>>) src(%dma_wait3A_464 : memref<80x128xf32, #tpu.memory_space<vmem>>) dst(%dma_wait3A_461 : memref<80x128xf32, #tpu.memory_space<vmem_shared>>)
        tpu.yield
      }) : () -> ()
    } else {
    }
    %dma_wait3A_270 = arith.constant 0 : i32
    %dma_wait3A_271 = arith.constant 0 : i32
    %dma_wait3A_272 = arith.constant 0 : i32
    %dma_wait3A_273 = arith.constant 0 : i32
    %dma_wait3A_274 = arith.constant 0 : i32
    %dma_wait3A_275 = tpu.memref_slice %arg5[%arg1, %dma_wait3A_272, %dma_wait3A_273, %dma_wait3A_274] : memref<16x2x63x80xi32, #tpu.memory_space<hbm>> -> memref<1x2x63x80xi32, #tpu.memory_space<hbm>>
    %dma_wait3A_276 = tpu.memref_squeeze %dma_wait3A_275 : memref<1x2x63x80xi32, #tpu.memory_space<hbm>> -> memref<2x63x80xi32, #tpu.memory_space<hbm>>
    %dma_wait3A_277 = arith.constant 0 : i32
    %dma_wait3A_278 = arith.constant 0 : i32
    %dma_wait3A_279 = tpu.memref_slice %dma_wait3A_276[%dma_wait3A_270, %dma_wait3A_277, %dma_wait3A_278] : memref<2x63x80xi32, #tpu.memory_space<hbm>> -> memref<1x63x80xi32, #tpu.memory_space<hbm>>
    %dma_wait3A_280 = tpu.memref_squeeze %dma_wait3A_279 : memref<1x63x80xi32, #tpu.memory_space<hbm>> -> memref<63x80xi32, #tpu.memory_space<hbm>>
    %dma_wait3A_281 = tpu.memref_slice %arg19[%dma_wait3A_271] : memref<2x!tpu.dma_semaphore, #tpu.memory_space<semaphore_mem>> -> memref<1x!tpu.dma_semaphore, #tpu.memory_space<semaphore_mem>>
    %dma_wait3A_282 = tpu.memref_squeeze %dma_wait3A_281 : memref<1x!tpu.dma_semaphore, #tpu.memory_space<semaphore_mem>> -> memref<!tpu.dma_semaphore, #tpu.memory_space<semaphore_mem>>
    %dma_wait3A_283 = arith.constant 0 : i32
    %dma_wait3A_284 = arith.constant 0 : i32
    %dma_wait3A_285 = arith.constant 0 : i32
    %dma_wait3A_286 = tpu.memref_slice %arg5[%arg1, %dma_wait3A_283, %dma_wait3A_284, %dma_wait3A_285] : memref<16x2x63x80xi32, #tpu.memory_space<hbm>> -> memref<1x2x63x80xi32, #tpu.memory_space<hbm>>
    %dma_wait3A_287 = tpu.memref_squeeze %dma_wait3A_286 : memref<1x2x63x80xi32, #tpu.memory_space<hbm>> -> memref<2x63x80xi32, #tpu.memory_space<hbm>>
    %dma_wait3A_288 = arith.constant 0 : i32
    %dma_wait3A_289 = arith.constant 0 : i32
    %dma_wait3A_290 = tpu.memref_slice %dma_wait3A_287[%dma_wait3A_270, %dma_wait3A_288, %dma_wait3A_289] : memref<2x63x80xi32, #tpu.memory_space<hbm>> -> memref<1x63x80xi32, #tpu.memory_space<hbm>>
    %dma_wait3A_291 = tpu.memref_squeeze %dma_wait3A_290 : memref<1x63x80xi32, #tpu.memory_space<hbm>> -> memref<63x80xi32, #tpu.memory_space<hbm>>
    tpu.wait_dma2 semaphore(%dma_wait3A_282 : memref<!tpu.dma_semaphore, #tpu.memory_space<semaphore_mem>>) src(%dma_wait3A_291 : memref<63x80xi32, #tpu.memory_space<hbm>>) dst(%arg11 : memref<63x80xi32, #tpu.memory_space<vmem>>)
    %dma_wait3A_292 = arith.constant 0 : i32
    %dma_wait3A_293 = arith.constant 1 : i32
    %dma_wait3A_294 = arith.constant 0 : i32
    %dma_wait3A_295 = arith.constant 0 : i32
    %dma_wait3A_296 = arith.constant 0 : i32
    %dma_wait3A_297 = tpu.memref_slice %arg6[%arg1, %dma_wait3A_294, %dma_wait3A_295, %dma_wait3A_296] : memref<16x2x63x80xi32, #tpu.memory_space<hbm>> -> memref<1x2x63x80xi32, #tpu.memory_space<hbm>>
    %dma_wait3A_298 = tpu.memref_squeeze %dma_wait3A_297 : memref<1x2x63x80xi32, #tpu.memory_space<hbm>> -> memref<2x63x80xi32, #tpu.memory_space<hbm>>
    %dma_wait3A_299 = arith.constant 0 : i32
    %dma_wait3A_300 = arith.constant 0 : i32
    %dma_wait3A_301 = tpu.memref_slice %dma_wait3A_298[%dma_wait3A_292, %dma_wait3A_299, %dma_wait3A_300] : memref<2x63x80xi32, #tpu.memory_space<hbm>> -> memref<1x63x80xi32, #tpu.memory_space<hbm>>
    %dma_wait3A_302 = tpu.memref_squeeze %dma_wait3A_301 : memref<1x63x80xi32, #tpu.memory_space<hbm>> -> memref<63x80xi32, #tpu.memory_space<hbm>>
    %dma_wait3A_303 = tpu.memref_slice %arg19[%dma_wait3A_293] : memref<2x!tpu.dma_semaphore, #tpu.memory_space<semaphore_mem>> -> memref<1x!tpu.dma_semaphore, #tpu.memory_space<semaphore_mem>>
    %dma_wait3A_304 = tpu.memref_squeeze %dma_wait3A_303 : memref<1x!tpu.dma_semaphore, #tpu.memory_space<semaphore_mem>> -> memref<!tpu.dma_semaphore, #tpu.memory_space<semaphore_mem>>
    %dma_wait3A_305 = arith.constant 0 : i32
    %dma_wait3A_306 = arith.constant 0 : i32
    %dma_wait3A_307 = arith.constant 0 : i32
    %dma_wait3A_308 = tpu.memref_slice %arg6[%arg1, %dma_wait3A_305, %dma_wait3A_306, %dma_wait3A_307] : memref<16x2x63x80xi32, #tpu.memory_space<hbm>> -> memref<1x2x63x80xi32, #tpu.memory_space<hbm>>
    %dma_wait3A_309 = tpu.memref_squeeze %dma_wait3A_308 : memref<1x2x63x80xi32, #tpu.memory_space<hbm>> -> memref<2x63x80xi32, #tpu.memory_space<hbm>>
    %dma_wait3A_310 = arith.constant 0 : i32
    %dma_wait3A_311 = arith.constant 0 : i32
    %dma_wait3A_312 = tpu.memref_slice %dma_wait3A_309[%dma_wait3A_292, %dma_wait3A_310, %dma_wait3A_311] : memref<2x63x80xi32, #tpu.memory_space<hbm>> -> memref<1x63x80xi32, #tpu.memory_space<hbm>>
    %dma_wait3A_313 = tpu.memref_squeeze %dma_wait3A_312 : memref<1x63x80xi32, #tpu.memory_space<hbm>> -> memref<63x80xi32, #tpu.memory_space<hbm>>
    tpu.wait_dma2 semaphore(%dma_wait3A_304 : memref<!tpu.dma_semaphore, #tpu.memory_space<semaphore_mem>>) src(%dma_wait3A_313 : memref<63x80xi32, #tpu.memory_space<hbm>>) dst(%arg12 : memref<63x80xi32, #tpu.memory_space<vmem>>)
    %barrier3A_314 = arith.constant 0 : index
    tpu.barrier barrier_id(%barrier3A_314)
    %scan3A_315 = arith.constant 0 : i32
    %scan3A_316 = arith.constant 21 : i32
    %scan3A_317 = arith.addi %scan3A_315, %scan3A_316 : i32
    %scan3A_318 = arith.constant 1 : i32
    scf.for %scan3A_444 = %scan3A_315 to %scan3A_317 step %scan3A_318  : i32 {
      %mul3A_445 = arith.constant 3 : i32
      %mul3A_446 = arith.muli %scan3A_444, %mul3A_445 : i32
      %add3A_447 = arith.constant 0 : i32
      %add3A_448 = arith.addi %add3A_447, %mul3A_446 : i32
      %gt3A = arith.constant 0 : i32
      %gt3A_449 = arith.cmpi sgt, %add3A_448, %gt3A : i32
      %convert_element_type3A_450 = arith.extui %gt3A_449 : i1 to i32
      %cond3A_451 = arith.constant 0 : i32
      %cond3A_452 = arith.cmpi ne, %convert_element_type3A_450, %cond3A_451 : i32
      scf.if %cond3A_452 {
        %add3A_712 = arith.constant 0 : i32
        %add3A_713 = arith.addi %add3A_448, %add3A_712 : i32
        %sub3A = arith.constant 3 : i32
        %sub3A_714 = arith.subi %add3A_713, %sub3A : i32
        %dma_wait3A_715 = arith.constant 0 : i32
        %dma_wait3A_716 = arith.constant 0 : i32
        %dma_wait3A_717 = tpu.memref_slice %arg12[%sub3A_714, %dma_wait3A_716] : memref<63x80xi32, #tpu.memory_space<vmem>> -> memref<1x80xi32, #tpu.memory_space<vmem>>
        %dma_wait3A_718 = tpu.memref_squeeze %dma_wait3A_717 : memref<1x80xi32, #tpu.memory_space<vmem>> -> memref<80xi32, #tpu.memory_space<vmem>>
        %dma_wait3A_719 = arith.constant 0 : i32
        %dma_wait3A_720 = arith.constant 0 : i32
        %dma_wait3A_721 = tpu.memref_slice %arg9[%dma_wait3A_719, %dma_wait3A_720] : memref<10008x128xf32, #tpu.memory_space<vmem_shared>> -> memref<10008x128xf32, #tpu.memory_space<vmem_shared>>
        %dma_wait3A_722 = tpu.memref_slice %arg17[%dma_wait3A_715] : memref<3x!tpu.dma_semaphore, #tpu.memory_space<semaphore_mem>> -> memref<1x!tpu.dma_semaphore, #tpu.memory_space<semaphore_mem>>
        %dma_wait3A_723 = tpu.memref_squeeze %dma_wait3A_722 : memref<1x!tpu.dma_semaphore, #tpu.memory_space<semaphore_mem>> -> memref<!tpu.dma_semaphore, #tpu.memory_space<semaphore_mem>>
        tpu.wait_indirect_dma semaphore(%dma_wait3A_723 : memref<!tpu.dma_semaphore, #tpu.memory_space<semaphore_mem>>) src(%arg13 : memref<80x128xf32, #tpu.memory_space<vmem>>) dst(%dma_wait3A_721 : memref<10008x128xf32, #tpu.memory_space<vmem_shared>>)
      } else {
      }
      %add3A_453 = arith.constant 0 : i32
      %add3A_454 = arith.addi %add3A_448, %add3A_453 : i32
      %dma_start3A_455 = arith.constant 0 : i32
      %dma_start3A_456 = arith.constant 0 : i32
      %dma_start3A_457 = arith.constant 0 : i32
      %dma_start3A_458 = tpu.memref_slice %arg13[%dma_start3A_456, %dma_start3A_457] : memref<80x128xf32, #tpu.memory_space<vmem>> -> memref<40x128xf32, #tpu.memory_space<vmem>>
      %dma_start3A_459 = arith.constant 0 : i32
      %dma_start3A_460 = tpu.memref_slice %arg11[%add3A_454, %dma_start3A_459] : memref<63x80xi32, #tpu.memory_space<vmem>> -> memref<1x40xi32, #tpu.memory_space<vmem>>
      %dma_start3A_461 = tpu.memref_squeeze %dma_start3A_460 : memref<1x40xi32, #tpu.memory_space<vmem>> -> memref<40xi32, #tpu.memory_space<vmem>>
      %dma_start3A_462 = arith.constant 0 : i32
      %dma_start3A_463 = arith.constant 0 : i32
      %dma_start3A_464 = tpu.memref_slice %arg8[%arg0, %dma_start3A_462, %dma_start3A_463] : memref<2x10000x128xf32, #tpu.memory_space<hbm>> -> memref<1x10000x128xf32, #tpu.memory_space<hbm>>
      %dma_start3A_465 = tpu.memref_squeeze %dma_start3A_464 : memref<1x10000x128xf32, #tpu.memory_space<hbm>> -> memref<10000x128xf32, #tpu.memory_space<hbm>>
      %dma_start3A_466 = arith.constant 0 : i32
      %dma_start3A_467 = arith.constant 0 : i32
      %dma_start3A_468 = tpu.memref_slice %dma_start3A_465[%dma_start3A_466, %dma_start3A_467] : memref<10000x128xf32, #tpu.memory_space<hbm>> -> memref<10000x128xf32, #tpu.memory_space<hbm>>
      %dma_start3A_469 = tpu.memref_slice %arg16[%dma_start3A_455] : memref<6x!tpu.dma_semaphore, #tpu.memory_space<semaphore_mem>> -> memref<1x!tpu.dma_semaphore, #tpu.memory_space<semaphore_mem>>
      %dma_start3A_470 = tpu.memref_squeeze %dma_start3A_469 : memref<1x!tpu.dma_semaphore, #tpu.memory_space<semaphore_mem>> -> memref<!tpu.dma_semaphore, #tpu.memory_space<semaphore_mem>>
      tpu.enqueue_indirect_dma source(%dma_start3A_468 : memref<10000x128xf32, #tpu.memory_space<hbm>>) target(%dma_start3A_458 : memref<40x128xf32, #tpu.memory_space<vmem>>) offsets(%dma_start3A_461 : memref<40xi32, #tpu.memory_space<vmem>>) semaphore(%dma_start3A_470 : memref<!tpu.dma_semaphore, #tpu.memory_space<semaphore_mem>>)
      %add3A_471 = arith.constant 0 : i32
      %add3A_472 = arith.addi %add3A_448, %add3A_471 : i32
      %dma_start3A_473 = arith.constant 1 : i32
      %dma_start3A_474 = arith.constant 40 : i32
      %dma_start3A_475 = arith.constant 0 : i32
      %dma_start3A_476 = tpu.memref_slice %arg13[%dma_start3A_474, %dma_start3A_475] : memref<80x128xf32, #tpu.memory_space<vmem>> -> memref<40x128xf32, #tpu.memory_space<vmem>>
      %dma_start3A_477 = arith.constant 40 : i32
      %dma_start3A_478 = tpu.memref_slice %arg11[%add3A_472, %dma_start3A_477] : memref<63x80xi32, #tpu.memory_space<vmem>> -> memref<1x40xi32, #tpu.memory_space<vmem>>
      %dma_start3A_479 = tpu.memref_squeeze %dma_start3A_478 : memref<1x40xi32, #tpu.memory_space<vmem>> -> memref<40xi32, #tpu.memory_space<vmem>>
      %dma_start3A_480 = arith.constant 0 : i32
      %dma_start3A_481 = arith.constant 0 : i32
      %dma_start3A_482 = tpu.memref_slice %arg8[%arg0, %dma_start3A_480, %dma_start3A_481] : memref<2x10000x128xf32, #tpu.memory_space<hbm>> -> memref<1x10000x128xf32, #tpu.memory_space<hbm>>
      %dma_start3A_483 = tpu.memref_squeeze %dma_start3A_482 : memref<1x10000x128xf32, #tpu.memory_space<hbm>> -> memref<10000x128xf32, #tpu.memory_space<hbm>>
      %dma_start3A_484 = arith.constant 0 : i32
      %dma_start3A_485 = arith.constant 0 : i32
      %dma_start3A_486 = tpu.memref_slice %dma_start3A_483[%dma_start3A_484, %dma_start3A_485] : memref<10000x128xf32, #tpu.memory_space<hbm>> -> memref<10000x128xf32, #tpu.memory_space<hbm>>
      %dma_start3A_487 = tpu.memref_slice %arg16[%dma_start3A_473] : memref<6x!tpu.dma_semaphore, #tpu.memory_space<semaphore_mem>> -> memref<1x!tpu.dma_semaphore, #tpu.memory_space<semaphore_mem>>
      %dma_start3A_488 = tpu.memref_squeeze %dma_start3A_487 : memref<1x!tpu.dma_semaphore, #tpu.memory_space<semaphore_mem>> -> memref<!tpu.dma_semaphore, #tpu.memory_space<semaphore_mem>>
      tpu.enqueue_indirect_dma source(%dma_start3A_486 : memref<10000x128xf32, #tpu.memory_space<hbm>>) target(%dma_start3A_476 : memref<40x128xf32, #tpu.memory_space<vmem>>) offsets(%dma_start3A_479 : memref<40xi32, #tpu.memory_space<vmem>>) semaphore(%dma_start3A_488 : memref<!tpu.dma_semaphore, #tpu.memory_space<semaphore_mem>>)
      %gt3A_489 = arith.constant 0 : i32
      %gt3A_490 = arith.cmpi sgt, %add3A_448, %gt3A_489 : i32
      %convert_element_type3A_491 = arith.extui %gt3A_490 : i1 to i32
      %cond3A_492 = arith.constant 0 : i32
      %cond3A_493 = arith.cmpi ne, %convert_element_type3A_491, %cond3A_492 : i32
      scf.if %cond3A_493 {
        %add3A_712 = arith.constant 1 : i32
        %add3A_713 = arith.addi %add3A_448, %add3A_712 : i32
        %sub3A = arith.constant 3 : i32
        %sub3A_714 = arith.subi %add3A_713, %sub3A : i32
        %dma_wait3A_715 = arith.constant 1 : i32
        %dma_wait3A_716 = arith.constant 0 : i32
        %dma_wait3A_717 = tpu.memref_slice %arg12[%sub3A_714, %dma_wait3A_716] : memref<63x80xi32, #tpu.memory_space<vmem>> -> memref<1x80xi32, #tpu.memory_space<vmem>>
        %dma_wait3A_718 = tpu.memref_squeeze %dma_wait3A_717 : memref<1x80xi32, #tpu.memory_space<vmem>> -> memref<80xi32, #tpu.memory_space<vmem>>
        %dma_wait3A_719 = arith.constant 0 : i32
        %dma_wait3A_720 = arith.constant 0 : i32
        %dma_wait3A_721 = tpu.memref_slice %arg9[%dma_wait3A_719, %dma_wait3A_720] : memref<10008x128xf32, #tpu.memory_space<vmem_shared>> -> memref<10008x128xf32, #tpu.memory_space<vmem_shared>>
        %dma_wait3A_722 = tpu.memref_slice %arg17[%dma_wait3A_715] : memref<3x!tpu.dma_semaphore, #tpu.memory_space<semaphore_mem>> -> memref<1x!tpu.dma_semaphore, #tpu.memory_space<semaphore_mem>>
        %dma_wait3A_723 = tpu.memref_squeeze %dma_wait3A_722 : memref<1x!tpu.dma_semaphore, #tpu.memory_space<semaphore_mem>> -> memref<!tpu.dma_semaphore, #tpu.memory_space<semaphore_mem>>
        tpu.wait_indirect_dma semaphore(%dma_wait3A_723 : memref<!tpu.dma_semaphore, #tpu.memory_space<semaphore_mem>>) src(%arg14 : memref<80x128xf32, #tpu.memory_space<vmem>>) dst(%dma_wait3A_721 : memref<10008x128xf32, #tpu.memory_space<vmem_shared>>)
      } else {
      }
      %add3A_494 = arith.constant 1 : i32
      %add3A_495 = arith.addi %add3A_448, %add3A_494 : i32
      %dma_start3A_496 = arith.constant 2 : i32
      %dma_start3A_497 = arith.constant 0 : i32
      %dma_start3A_498 = arith.constant 0 : i32
      %dma_start3A_499 = tpu.memref_slice %arg14[%dma_start3A_497, %dma_start3A_498] : memref<80x128xf32, #tpu.memory_space<vmem>> -> memref<40x128xf32, #tpu.memory_space<vmem>>
      %dma_start3A_500 = arith.constant 0 : i32
      %dma_start3A_501 = tpu.memref_slice %arg11[%add3A_495, %dma_start3A_500] : memref<63x80xi32, #tpu.memory_space<vmem>> -> memref<1x40xi32, #tpu.memory_space<vmem>>
      %dma_start3A_502 = tpu.memref_squeeze %dma_start3A_501 : memref<1x40xi32, #tpu.memory_space<vmem>> -> memref<40xi32, #tpu.memory_space<vmem>>
      %dma_start3A_503 = arith.constant 0 : i32
      %dma_start3A_504 = arith.constant 0 : i32
      %dma_start3A_505 = tpu.memref_slice %arg8[%arg0, %dma_start3A_503, %dma_start3A_504] : memref<2x10000x128xf32, #tpu.memory_space<hbm>> -> memref<1x10000x128xf32, #tpu.memory_space<hbm>>
      %dma_start3A_506 = tpu.memref_squeeze %dma_start3A_505 : memref<1x10000x128xf32, #tpu.memory_space<hbm>> -> memref<10000x128xf32, #tpu.memory_space<hbm>>
      %dma_start3A_507 = arith.constant 0 : i32
      %dma_start3A_508 = arith.constant 0 : i32
      %dma_start3A_509 = tpu.memref_slice %dma_start3A_506[%dma_start3A_507, %dma_start3A_508] : memref<10000x128xf32, #tpu.memory_space<hbm>> -> memref<10000x128xf32, #tpu.memory_space<hbm>>
      %dma_start3A_510 = tpu.memref_slice %arg16[%dma_start3A_496] : memref<6x!tpu.dma_semaphore, #tpu.memory_space<semaphore_mem>> -> memref<1x!tpu.dma_semaphore, #tpu.memory_space<semaphore_mem>>
      %dma_start3A_511 = tpu.memref_squeeze %dma_start3A_510 : memref<1x!tpu.dma_semaphore, #tpu.memory_space<semaphore_mem>> -> memref<!tpu.dma_semaphore, #tpu.memory_space<semaphore_mem>>
      tpu.enqueue_indirect_dma source(%dma_start3A_509 : memref<10000x128xf32, #tpu.memory_space<hbm>>) target(%dma_start3A_499 : memref<40x128xf32, #tpu.memory_space<vmem>>) offsets(%dma_start3A_502 : memref<40xi32, #tpu.memory_space<vmem>>) semaphore(%dma_start3A_511 : memref<!tpu.dma_semaphore, #tpu.memory_space<semaphore_mem>>)
      %add3A_512 = arith.constant 1 : i32
      %add3A_513 = arith.addi %add3A_448, %add3A_512 : i32
      %dma_start3A_514 = arith.constant 3 : i32
      %dma_start3A_515 = arith.constant 40 : i32
      %dma_start3A_516 = arith.constant 0 : i32
      %dma_start3A_517 = tpu.memref_slice %arg14[%dma_start3A_515, %dma_start3A_516] : memref<80x128xf32, #tpu.memory_space<vmem>> -> memref<40x128xf32, #tpu.memory_space<vmem>>
      %dma_start3A_518 = arith.constant 40 : i32
      %dma_start3A_519 = tpu.memref_slice %arg11[%add3A_513, %dma_start3A_518] : memref<63x80xi32, #tpu.memory_space<vmem>> -> memref<1x40xi32, #tpu.memory_space<vmem>>
      %dma_start3A_520 = tpu.memref_squeeze %dma_start3A_519 : memref<1x40xi32, #tpu.memory_space<vmem>> -> memref<40xi32, #tpu.memory_space<vmem>>
      %dma_start3A_521 = arith.constant 0 : i32
      %dma_start3A_522 = arith.constant 0 : i32
      %dma_start3A_523 = tpu.memref_slice %arg8[%arg0, %dma_start3A_521, %dma_start3A_522] : memref<2x10000x128xf32, #tpu.memory_space<hbm>> -> memref<1x10000x128xf32, #tpu.memory_space<hbm>>
      %dma_start3A_524 = tpu.memref_squeeze %dma_start3A_523 : memref<1x10000x128xf32, #tpu.memory_space<hbm>> -> memref<10000x128xf32, #tpu.memory_space<hbm>>
      %dma_start3A_525 = arith.constant 0 : i32
      %dma_start3A_526 = arith.constant 0 : i32
      %dma_start3A_527 = tpu.memref_slice %dma_start3A_524[%dma_start3A_525, %dma_start3A_526] : memref<10000x128xf32, #tpu.memory_space<hbm>> -> memref<10000x128xf32, #tpu.memory_space<hbm>>
      %dma_start3A_528 = tpu.memref_slice %arg16[%dma_start3A_514] : memref<6x!tpu.dma_semaphore, #tpu.memory_space<semaphore_mem>> -> memref<1x!tpu.dma_semaphore, #tpu.memory_space<semaphore_mem>>
      %dma_start3A_529 = tpu.memref_squeeze %dma_start3A_528 : memref<1x!tpu.dma_semaphore, #tpu.memory_space<semaphore_mem>> -> memref<!tpu.dma_semaphore, #tpu.memory_space<semaphore_mem>>
      tpu.enqueue_indirect_dma source(%dma_start3A_527 : memref<10000x128xf32, #tpu.memory_space<hbm>>) target(%dma_start3A_517 : memref<40x128xf32, #tpu.memory_space<vmem>>) offsets(%dma_start3A_520 : memref<40xi32, #tpu.memory_space<vmem>>) semaphore(%dma_start3A_529 : memref<!tpu.dma_semaphore, #tpu.memory_space<semaphore_mem>>)
      %gt3A_530 = arith.constant 0 : i32
      %gt3A_531 = arith.cmpi sgt, %add3A_448, %gt3A_530 : i32
      %convert_element_type3A_532 = arith.extui %gt3A_531 : i1 to i32
      %cond3A_533 = arith.constant 0 : i32
      %cond3A_534 = arith.cmpi ne, %convert_element_type3A_532, %cond3A_533 : i32
      scf.if %cond3A_534 {
        %add3A_712 = arith.constant 2 : i32
        %add3A_713 = arith.addi %add3A_448, %add3A_712 : i32
        %sub3A = arith.constant 3 : i32
        %sub3A_714 = arith.subi %add3A_713, %sub3A : i32
        %dma_wait3A_715 = arith.constant 2 : i32
        %dma_wait3A_716 = arith.constant 0 : i32
        %dma_wait3A_717 = tpu.memref_slice %arg12[%sub3A_714, %dma_wait3A_716] : memref<63x80xi32, #tpu.memory_space<vmem>> -> memref<1x80xi32, #tpu.memory_space<vmem>>
        %dma_wait3A_718 = tpu.memref_squeeze %dma_wait3A_717 : memref<1x80xi32, #tpu.memory_space<vmem>> -> memref<80xi32, #tpu.memory_space<vmem>>
        %dma_wait3A_719 = arith.constant 0 : i32
        %dma_wait3A_720 = arith.constant 0 : i32
        %dma_wait3A_721 = tpu.memref_slice %arg9[%dma_wait3A_719, %dma_wait3A_720] : memref<10008x128xf32, #tpu.memory_space<vmem_shared>> -> memref<10008x128xf32, #tpu.memory_space<vmem_shared>>
        %dma_wait3A_722 = tpu.memref_slice %arg17[%dma_wait3A_715] : memref<3x!tpu.dma_semaphore, #tpu.memory_space<semaphore_mem>> -> memref<1x!tpu.dma_semaphore, #tpu.memory_space<semaphore_mem>>
        %dma_wait3A_723 = tpu.memref_squeeze %dma_wait3A_722 : memref<1x!tpu.dma_semaphore, #tpu.memory_space<semaphore_mem>> -> memref<!tpu.dma_semaphore, #tpu.memory_space<semaphore_mem>>
        tpu.wait_indirect_dma semaphore(%dma_wait3A_723 : memref<!tpu.dma_semaphore, #tpu.memory_space<semaphore_mem>>) src(%arg15 : memref<80x128xf32, #tpu.memory_space<vmem>>) dst(%dma_wait3A_721 : memref<10008x128xf32, #tpu.memory_space<vmem_shared>>)
      } else {
      }
      %add3A_535 = arith.constant 2 : i32
      %add3A_536 = arith.addi %add3A_448, %add3A_535 : i32
      %dma_start3A_537 = arith.constant 4 : i32
      %dma_start3A_538 = arith.constant 0 : i32
      %dma_start3A_539 = arith.constant 0 : i32
      %dma_start3A_540 = tpu.memref_slice %arg15[%dma_start3A_538, %dma_start3A_539] : memref<80x128xf32, #tpu.memory_space<vmem>> -> memref<40x128xf32, #tpu.memory_space<vmem>>
      %dma_start3A_541 = arith.constant 0 : i32
      %dma_start3A_542 = tpu.memref_slice %arg11[%add3A_536, %dma_start3A_541] : memref<63x80xi32, #tpu.memory_space<vmem>> -> memref<1x40xi32, #tpu.memory_space<vmem>>
      %dma_start3A_543 = tpu.memref_squeeze %dma_start3A_542 : memref<1x40xi32, #tpu.memory_space<vmem>> -> memref<40xi32, #tpu.memory_space<vmem>>
      %dma_start3A_544 = arith.constant 0 : i32
      %dma_start3A_545 = arith.constant 0 : i32
      %dma_start3A_546 = tpu.memref_slice %arg8[%arg0, %dma_start3A_544, %dma_start3A_545] : memref<2x10000x128xf32, #tpu.memory_space<hbm>> -> memref<1x10000x128xf32, #tpu.memory_space<hbm>>
      %dma_start3A_547 = tpu.memref_squeeze %dma_start3A_546 : memref<1x10000x128xf32, #tpu.memory_space<hbm>> -> memref<10000x128xf32, #tpu.memory_space<hbm>>
      %dma_start3A_548 = arith.constant 0 : i32
      %dma_start3A_549 = arith.constant 0 : i32
      %dma_start3A_550 = tpu.memref_slice %dma_start3A_547[%dma_start3A_548, %dma_start3A_549] : memref<10000x128xf32, #tpu.memory_space<hbm>> -> memref<10000x128xf32, #tpu.memory_space<hbm>>
      %dma_start3A_551 = tpu.memref_slice %arg16[%dma_start3A_537] : memref<6x!tpu.dma_semaphore, #tpu.memory_space<semaphore_mem>> -> memref<1x!tpu.dma_semaphore, #tpu.memory_space<semaphore_mem>>
      %dma_start3A_552 = tpu.memref_squeeze %dma_start3A_551 : memref<1x!tpu.dma_semaphore, #tpu.memory_space<semaphore_mem>> -> memref<!tpu.dma_semaphore, #tpu.memory_space<semaphore_mem>>
      tpu.enqueue_indirect_dma source(%dma_start3A_550 : memref<10000x128xf32, #tpu.memory_space<hbm>>) target(%dma_start3A_540 : memref<40x128xf32, #tpu.memory_space<vmem>>) offsets(%dma_start3A_543 : memref<40xi32, #tpu.memory_space<vmem>>) semaphore(%dma_start3A_552 : memref<!tpu.dma_semaphore, #tpu.memory_space<semaphore_mem>>)
      %add3A_553 = arith.constant 2 : i32
      %add3A_554 = arith.addi %add3A_448, %add3A_553 : i32
      %dma_start3A_555 = arith.constant 5 : i32
      %dma_start3A_556 = arith.constant 40 : i32
      %dma_start3A_557 = arith.constant 0 : i32
      %dma_start3A_558 = tpu.memref_slice %arg15[%dma_start3A_556, %dma_start3A_557] : memref<80x128xf32, #tpu.memory_space<vmem>> -> memref<40x128xf32, #tpu.memory_space<vmem>>
      %dma_start3A_559 = arith.constant 40 : i32
      %dma_start3A_560 = tpu.memref_slice %arg11[%add3A_554, %dma_start3A_559] : memref<63x80xi32, #tpu.memory_space<vmem>> -> memref<1x40xi32, #tpu.memory_space<vmem>>
      %dma_start3A_561 = tpu.memref_squeeze %dma_start3A_560 : memref<1x40xi32, #tpu.memory_space<vmem>> -> memref<40xi32, #tpu.memory_space<vmem>>
      %dma_start3A_562 = arith.constant 0 : i32
      %dma_start3A_563 = arith.constant 0 : i32
      %dma_start3A_564 = tpu.memref_slice %arg8[%arg0, %dma_start3A_562, %dma_start3A_563] : memref<2x10000x128xf32, #tpu.memory_space<hbm>> -> memref<1x10000x128xf32, #tpu.memory_space<hbm>>
      %dma_start3A_565 = tpu.memref_squeeze %dma_start3A_564 : memref<1x10000x128xf32, #tpu.memory_space<hbm>> -> memref<10000x128xf32, #tpu.memory_space<hbm>>
      %dma_start3A_566 = arith.constant 0 : i32
      %dma_start3A_567 = arith.constant 0 : i32
      %dma_start3A_568 = tpu.memref_slice %dma_start3A_565[%dma_start3A_566, %dma_start3A_567] : memref<10000x128xf32, #tpu.memory_space<hbm>> -> memref<10000x128xf32, #tpu.memory_space<hbm>>
      %dma_start3A_569 = tpu.memref_slice %arg16[%dma_start3A_555] : memref<6x!tpu.dma_semaphore, #tpu.memory_space<semaphore_mem>> -> memref<1x!tpu.dma_semaphore, #tpu.memory_space<semaphore_mem>>
      %dma_start3A_570 = tpu.memref_squeeze %dma_start3A_569 : memref<1x!tpu.dma_semaphore, #tpu.memory_space<semaphore_mem>> -> memref<!tpu.dma_semaphore, #tpu.memory_space<semaphore_mem>>
      tpu.enqueue_indirect_dma source(%dma_start3A_568 : memref<10000x128xf32, #tpu.memory_space<hbm>>) target(%dma_start3A_558 : memref<40x128xf32, #tpu.memory_space<vmem>>) offsets(%dma_start3A_561 : memref<40xi32, #tpu.memory_space<vmem>>) semaphore(%dma_start3A_570 : memref<!tpu.dma_semaphore, #tpu.memory_space<semaphore_mem>>)
      %add3A_571 = arith.constant 0 : i32
      %add3A_572 = arith.addi %add3A_448, %add3A_571 : i32
      %dma_wait3A_573 = arith.constant 0 : i32
      %dma_wait3A_574 = arith.constant 0 : i32
      %dma_wait3A_575 = arith.constant 0 : i32
      %dma_wait3A_576 = tpu.memref_slice %arg13[%dma_wait3A_574, %dma_wait3A_575] : memref<80x128xf32, #tpu.memory_space<vmem>> -> memref<40x128xf32, #tpu.memory_space<vmem>>
      %dma_wait3A_577 = arith.constant 0 : i32
      %dma_wait3A_578 = tpu.memref_slice %arg11[%add3A_572, %dma_wait3A_577] : memref<63x80xi32, #tpu.memory_space<vmem>> -> memref<1x40xi32, #tpu.memory_space<vmem>>
      %dma_wait3A_579 = tpu.memref_squeeze %dma_wait3A_578 : memref<1x40xi32, #tpu.memory_space<vmem>> -> memref<40xi32, #tpu.memory_space<vmem>>
      %dma_wait3A_580 = arith.constant 0 : i32
      %dma_wait3A_581 = arith.constant 0 : i32
      %dma_wait3A_582 = tpu.memref_slice %arg8[%arg0, %dma_wait3A_580, %dma_wait3A_581] : memref<2x10000x128xf32, #tpu.memory_space<hbm>> -> memref<1x10000x128xf32, #tpu.memory_space<hbm>>
      %dma_wait3A_583 = tpu.memref_squeeze %dma_wait3A_582 : memref<1x10000x128xf32, #tpu.memory_space<hbm>> -> memref<10000x128xf32, #tpu.memory_space<hbm>>
      %dma_wait3A_584 = arith.constant 0 : i32
      %dma_wait3A_585 = arith.constant 0 : i32
      %dma_wait3A_586 = tpu.memref_slice %dma_wait3A_583[%dma_wait3A_584, %dma_wait3A_585] : memref<10000x128xf32, #tpu.memory_space<hbm>> -> memref<10000x128xf32, #tpu.memory_space<hbm>>
      %dma_wait3A_587 = tpu.memref_slice %arg16[%dma_wait3A_573] : memref<6x!tpu.dma_semaphore, #tpu.memory_space<semaphore_mem>> -> memref<1x!tpu.dma_semaphore, #tpu.memory_space<semaphore_mem>>
      %dma_wait3A_588 = tpu.memref_squeeze %dma_wait3A_587 : memref<1x!tpu.dma_semaphore, #tpu.memory_space<semaphore_mem>> -> memref<!tpu.dma_semaphore, #tpu.memory_space<semaphore_mem>>
      tpu.wait_indirect_dma semaphore(%dma_wait3A_588 : memref<!tpu.dma_semaphore, #tpu.memory_space<semaphore_mem>>) src(%dma_wait3A_586 : memref<10000x128xf32, #tpu.memory_space<hbm>>) dst(%dma_wait3A_576 : memref<40x128xf32, #tpu.memory_space<vmem>>)
      %add3A_589 = arith.constant 0 : i32
      %add3A_590 = arith.addi %add3A_448, %add3A_589 : i32
      %dma_wait3A_591 = arith.constant 1 : i32
      %dma_wait3A_592 = arith.constant 40 : i32
      %dma_wait3A_593 = arith.constant 0 : i32
      %dma_wait3A_594 = tpu.memref_slice %arg13[%dma_wait3A_592, %dma_wait3A_593] : memref<80x128xf32, #tpu.memory_space<vmem>> -> memref<40x128xf32, #tpu.memory_space<vmem>>
      %dma_wait3A_595 = arith.constant 40 : i32
      %dma_wait3A_596 = tpu.memref_slice %arg11[%add3A_590, %dma_wait3A_595] : memref<63x80xi32, #tpu.memory_space<vmem>> -> memref<1x40xi32, #tpu.memory_space<vmem>>
      %dma_wait3A_597 = tpu.memref_squeeze %dma_wait3A_596 : memref<1x40xi32, #tpu.memory_space<vmem>> -> memref<40xi32, #tpu.memory_space<vmem>>
      %dma_wait3A_598 = arith.constant 0 : i32
      %dma_wait3A_599 = arith.constant 0 : i32
      %dma_wait3A_600 = tpu.memref_slice %arg8[%arg0, %dma_wait3A_598, %dma_wait3A_599] : memref<2x10000x128xf32, #tpu.memory_space<hbm>> -> memref<1x10000x128xf32, #tpu.memory_space<hbm>>
      %dma_wait3A_601 = tpu.memref_squeeze %dma_wait3A_600 : memref<1x10000x128xf32, #tpu.memory_space<hbm>> -> memref<10000x128xf32, #tpu.memory_space<hbm>>
      %dma_wait3A_602 = arith.constant 0 : i32
      %dma_wait3A_603 = arith.constant 0 : i32
      %dma_wait3A_604 = tpu.memref_slice %dma_wait3A_601[%dma_wait3A_602, %dma_wait3A_603] : memref<10000x128xf32, #tpu.memory_space<hbm>> -> memref<10000x128xf32, #tpu.memory_space<hbm>>
      %dma_wait3A_605 = tpu.memref_slice %arg16[%dma_wait3A_591] : memref<6x!tpu.dma_semaphore, #tpu.memory_space<semaphore_mem>> -> memref<1x!tpu.dma_semaphore, #tpu.memory_space<semaphore_mem>>
      %dma_wait3A_606 = tpu.memref_squeeze %dma_wait3A_605 : memref<1x!tpu.dma_semaphore, #tpu.memory_space<semaphore_mem>> -> memref<!tpu.dma_semaphore, #tpu.memory_space<semaphore_mem>>
      tpu.wait_indirect_dma semaphore(%dma_wait3A_606 : memref<!tpu.dma_semaphore, #tpu.memory_space<semaphore_mem>>) src(%dma_wait3A_604 : memref<10000x128xf32, #tpu.memory_space<hbm>>) dst(%dma_wait3A_594 : memref<40x128xf32, #tpu.memory_space<vmem>>)
      %add3A_607 = arith.constant 0 : i32
      %add3A_608 = arith.addi %add3A_448, %add3A_607 : i32
      %dma_start3A_609 = arith.constant 0 : i32
      %dma_start3A_610 = arith.constant 0 : i32
      %dma_start3A_611 = tpu.memref_slice %arg12[%add3A_608, %dma_start3A_610] : memref<63x80xi32, #tpu.memory_space<vmem>> -> memref<1x80xi32, #tpu.memory_space<vmem>>
      %dma_start3A_612 = tpu.memref_squeeze %dma_start3A_611 : memref<1x80xi32, #tpu.memory_space<vmem>> -> memref<80xi32, #tpu.memory_space<vmem>>
      %dma_start3A_613 = arith.constant 0 : i32
      %dma_start3A_614 = arith.constant 0 : i32
      %dma_start3A_615 = tpu.memref_slice %arg9[%dma_start3A_613, %dma_start3A_614] : memref<10008x128xf32, #tpu.memory_space<vmem_shared>> -> memref<10008x128xf32, #tpu.memory_space<vmem_shared>>
      %dma_start3A_616 = tpu.memref_slice %arg17[%dma_start3A_609] : memref<3x!tpu.dma_semaphore, #tpu.memory_space<semaphore_mem>> -> memref<1x!tpu.dma_semaphore, #tpu.memory_space<semaphore_mem>>
      %dma_start3A_617 = tpu.memref_squeeze %dma_start3A_616 : memref<1x!tpu.dma_semaphore, #tpu.memory_space<semaphore_mem>> -> memref<!tpu.dma_semaphore, #tpu.memory_space<semaphore_mem>>
      tpu.enqueue_indirect_dma source(%arg13 : memref<80x128xf32, #tpu.memory_space<vmem>>) target(%dma_start3A_615 : memref<10008x128xf32, #tpu.memory_space<vmem_shared>>) offsets(%dma_start3A_612 : memref<80xi32, #tpu.memory_space<vmem>>) semaphore(%dma_start3A_617 : memref<!tpu.dma_semaphore, #tpu.memory_space<semaphore_mem>>) {add = true}
      %add3A_618 = arith.constant 1 : i32
      %add3A_619 = arith.addi %add3A_448, %add3A_618 : i32
      %dma_wait3A_620 = arith.constant 2 : i32
      %dma_wait3A_621 = arith.constant 0 : i32
      %dma_wait3A_622 = arith.constant 0 : i32
      %dma_wait3A_623 = tpu.memref_slice %arg14[%dma_wait3A_621, %dma_wait3A_622] : memref<80x128xf32, #tpu.memory_space<vmem>> -> memref<40x128xf32, #tpu.memory_space<vmem>>
      %dma_wait3A_624 = arith.constant 0 : i32
      %dma_wait3A_625 = tpu.memref_slice %arg11[%add3A_619, %dma_wait3A_624] : memref<63x80xi32, #tpu.memory_space<vmem>> -> memref<1x40xi32, #tpu.memory_space<vmem>>
      %dma_wait3A_626 = tpu.memref_squeeze %dma_wait3A_625 : memref<1x40xi32, #tpu.memory_space<vmem>> -> memref<40xi32, #tpu.memory_space<vmem>>
      %dma_wait3A_627 = arith.constant 0 : i32
      %dma_wait3A_628 = arith.constant 0 : i32
      %dma_wait3A_629 = tpu.memref_slice %arg8[%arg0, %dma_wait3A_627, %dma_wait3A_628] : memref<2x10000x128xf32, #tpu.memory_space<hbm>> -> memref<1x10000x128xf32, #tpu.memory_space<hbm>>
      %dma_wait3A_630 = tpu.memref_squeeze %dma_wait3A_629 : memref<1x10000x128xf32, #tpu.memory_space<hbm>> -> memref<10000x128xf32, #tpu.memory_space<hbm>>
      %dma_wait3A_631 = arith.constant 0 : i32
      %dma_wait3A_632 = arith.constant 0 : i32
      %dma_wait3A_633 = tpu.memref_slice %dma_wait3A_630[%dma_wait3A_631, %dma_wait3A_632] : memref<10000x128xf32, #tpu.memory_space<hbm>> -> memref<10000x128xf32, #tpu.memory_space<hbm>>
      %dma_wait3A_634 = tpu.memref_slice %arg16[%dma_wait3A_620] : memref<6x!tpu.dma_semaphore, #tpu.memory_space<semaphore_mem>> -> memref<1x!tpu.dma_semaphore, #tpu.memory_space<semaphore_mem>>
      %dma_wait3A_635 = tpu.memref_squeeze %dma_wait3A_634 : memref<1x!tpu.dma_semaphore, #tpu.memory_space<semaphore_mem>> -> memref<!tpu.dma_semaphore, #tpu.memory_space<semaphore_mem>>
      tpu.wait_indirect_dma semaphore(%dma_wait3A_635 : memref<!tpu.dma_semaphore, #tpu.memory_space<semaphore_mem>>) src(%dma_wait3A_633 : memref<10000x128xf32, #tpu.memory_space<hbm>>) dst(%dma_wait3A_623 : memref<40x128xf32, #tpu.memory_space<vmem>>)
      %add3A_636 = arith.constant 1 : i32
      %add3A_637 = arith.addi %add3A_448, %add3A_636 : i32
      %dma_wait3A_638 = arith.constant 3 : i32
      %dma_wait3A_639 = arith.constant 40 : i32
      %dma_wait3A_640 = arith.constant 0 : i32
      %dma_wait3A_641 = tpu.memref_slice %arg14[%dma_wait3A_639, %dma_wait3A_640] : memref<80x128xf32, #tpu.memory_space<vmem>> -> memref<40x128xf32, #tpu.memory_space<vmem>>
      %dma_wait3A_642 = arith.constant 40 : i32
      %dma_wait3A_643 = tpu.memref_slice %arg11[%add3A_637, %dma_wait3A_642] : memref<63x80xi32, #tpu.memory_space<vmem>> -> memref<1x40xi32, #tpu.memory_space<vmem>>
      %dma_wait3A_644 = tpu.memref_squeeze %dma_wait3A_643 : memref<1x40xi32, #tpu.memory_space<vmem>> -> memref<40xi32, #tpu.memory_space<vmem>>
      %dma_wait3A_645 = arith.constant 0 : i32
      %dma_wait3A_646 = arith.constant 0 : i32
      %dma_wait3A_647 = tpu.memref_slice %arg8[%arg0, %dma_wait3A_645, %dma_wait3A_646] : memref<2x10000x128xf32, #tpu.memory_space<hbm>> -> memref<1x10000x128xf32, #tpu.memory_space<hbm>>
      %dma_wait3A_648 = tpu.memref_squeeze %dma_wait3A_647 : memref<1x10000x128xf32, #tpu.memory_space<hbm>> -> memref<10000x128xf32, #tpu.memory_space<hbm>>
      %dma_wait3A_649 = arith.constant 0 : i32
      %dma_wait3A_650 = arith.constant 0 : i32
      %dma_wait3A_651 = tpu.memref_slice %dma_wait3A_648[%dma_wait3A_649, %dma_wait3A_650] : memref<10000x128xf32, #tpu.memory_space<hbm>> -> memref<10000x128xf32, #tpu.memory_space<hbm>>
      %dma_wait3A_652 = tpu.memref_slice %arg16[%dma_wait3A_638] : memref<6x!tpu.dma_semaphore, #tpu.memory_space<semaphore_mem>> -> memref<1x!tpu.dma_semaphore, #tpu.memory_space<semaphore_mem>>
      %dma_wait3A_653 = tpu.memref_squeeze %dma_wait3A_652 : memref<1x!tpu.dma_semaphore, #tpu.memory_space<semaphore_mem>> -> memref<!tpu.dma_semaphore, #tpu.memory_space<semaphore_mem>>
      tpu.wait_indirect_dma semaphore(%dma_wait3A_653 : memref<!tpu.dma_semaphore, #tpu.memory_space<semaphore_mem>>) src(%dma_wait3A_651 : memref<10000x128xf32, #tpu.memory_space<hbm>>) dst(%dma_wait3A_641 : memref<40x128xf32, #tpu.memory_space<vmem>>)
      %add3A_654 = arith.constant 1 : i32
      %add3A_655 = arith.addi %add3A_448, %add3A_654 : i32
      %dma_start3A_656 = arith.constant 1 : i32
      %dma_start3A_657 = arith.constant 0 : i32
      %dma_start3A_658 = tpu.memref_slice %arg12[%add3A_655, %dma_start3A_657] : memref<63x80xi32, #tpu.memory_space<vmem>> -> memref<1x80xi32, #tpu.memory_space<vmem>>
      %dma_start3A_659 = tpu.memref_squeeze %dma_start3A_658 : memref<1x80xi32, #tpu.memory_space<vmem>> -> memref<80xi32, #tpu.memory_space<vmem>>
      %dma_start3A_660 = arith.constant 0 : i32
      %dma_start3A_661 = arith.constant 0 : i32
      %dma_start3A_662 = tpu.memref_slice %arg9[%dma_start3A_660, %dma_start3A_661] : memref<10008x128xf32, #tpu.memory_space<vmem_shared>> -> memref<10008x128xf32, #tpu.memory_space<vmem_shared>>
      %dma_start3A_663 = tpu.memref_slice %arg17[%dma_start3A_656] : memref<3x!tpu.dma_semaphore, #tpu.memory_space<semaphore_mem>> -> memref<1x!tpu.dma_semaphore, #tpu.memory_space<semaphore_mem>>
      %dma_start3A_664 = tpu.memref_squeeze %dma_start3A_663 : memref<1x!tpu.dma_semaphore, #tpu.memory_space<semaphore_mem>> -> memref<!tpu.dma_semaphore, #tpu.memory_space<semaphore_mem>>
      tpu.enqueue_indirect_dma source(%arg14 : memref<80x128xf32, #tpu.memory_space<vmem>>) target(%dma_start3A_662 : memref<10008x128xf32, #tpu.memory_space<vmem_shared>>) offsets(%dma_start3A_659 : memref<80xi32, #tpu.memory_space<vmem>>) semaphore(%dma_start3A_664 : memref<!tpu.dma_semaphore, #tpu.memory_space<semaphore_mem>>) {add = true}
      %add3A_665 = arith.constant 2 : i32
      %add3A_666 = arith.addi %add3A_448, %add3A_665 : i32
      %dma_wait3A_667 = arith.constant 4 : i32
      %dma_wait3A_668 = arith.constant 0 : i32
      %dma_wait3A_669 = arith.constant 0 : i32
      %dma_wait3A_670 = tpu.memref_slice %arg15[%dma_wait3A_668, %dma_wait3A_669] : memref<80x128xf32, #tpu.memory_space<vmem>> -> memref<40x128xf32, #tpu.memory_space<vmem>>
      %dma_wait3A_671 = arith.constant 0 : i32
      %dma_wait3A_672 = tpu.memref_slice %arg11[%add3A_666, %dma_wait3A_671] : memref<63x80xi32, #tpu.memory_space<vmem>> -> memref<1x40xi32, #tpu.memory_space<vmem>>
      %dma_wait3A_673 = tpu.memref_squeeze %dma_wait3A_672 : memref<1x40xi32, #tpu.memory_space<vmem>> -> memref<40xi32, #tpu.memory_space<vmem>>
      %dma_wait3A_674 = arith.constant 0 : i32
      %dma_wait3A_675 = arith.constant 0 : i32
      %dma_wait3A_676 = tpu.memref_slice %arg8[%arg0, %dma_wait3A_674, %dma_wait3A_675] : memref<2x10000x128xf32, #tpu.memory_space<hbm>> -> memref<1x10000x128xf32, #tpu.memory_space<hbm>>
      %dma_wait3A_677 = tpu.memref_squeeze %dma_wait3A_676 : memref<1x10000x128xf32, #tpu.memory_space<hbm>> -> memref<10000x128xf32, #tpu.memory_space<hbm>>
      %dma_wait3A_678 = arith.constant 0 : i32
      %dma_wait3A_679 = arith.constant 0 : i32
      %dma_wait3A_680 = tpu.memref_slice %dma_wait3A_677[%dma_wait3A_678, %dma_wait3A_679] : memref<10000x128xf32, #tpu.memory_space<hbm>> -> memref<10000x128xf32, #tpu.memory_space<hbm>>
      %dma_wait3A_681 = tpu.memref_slice %arg16[%dma_wait3A_667] : memref<6x!tpu.dma_semaphore, #tpu.memory_space<semaphore_mem>> -> memref<1x!tpu.dma_semaphore, #tpu.memory_space<semaphore_mem>>
      %dma_wait3A_682 = tpu.memref_squeeze %dma_wait3A_681 : memref<1x!tpu.dma_semaphore, #tpu.memory_space<semaphore_mem>> -> memref<!tpu.dma_semaphore, #tpu.memory_space<semaphore_mem>>
      tpu.wait_indirect_dma semaphore(%dma_wait3A_682 : memref<!tpu.dma_semaphore, #tpu.memory_space<semaphore_mem>>) src(%dma_wait3A_680 : memref<10000x128xf32, #tpu.memory_space<hbm>>) dst(%dma_wait3A_670 : memref<40x128xf32, #tpu.memory_space<vmem>>)
      %add3A_683 = arith.constant 2 : i32
      %add3A_684 = arith.addi %add3A_448, %add3A_683 : i32
      %dma_wait3A_685 = arith.constant 5 : i32
      %dma_wait3A_686 = arith.constant 40 : i32
      %dma_wait3A_687 = arith.constant 0 : i32
      %dma_wait3A_688 = tpu.memref_slice %arg15[%dma_wait3A_686, %dma_wait3A_687] : memref<80x128xf32, #tpu.memory_space<vmem>> -> memref<40x128xf32, #tpu.memory_space<vmem>>
      %dma_wait3A_689 = arith.constant 40 : i32
      %dma_wait3A_690 = tpu.memref_slice %arg11[%add3A_684, %dma_wait3A_689] : memref<63x80xi32, #tpu.memory_space<vmem>> -> memref<1x40xi32, #tpu.memory_space<vmem>>
      %dma_wait3A_691 = tpu.memref_squeeze %dma_wait3A_690 : memref<1x40xi32, #tpu.memory_space<vmem>> -> memref<40xi32, #tpu.memory_space<vmem>>
      %dma_wait3A_692 = arith.constant 0 : i32
      %dma_wait3A_693 = arith.constant 0 : i32
      %dma_wait3A_694 = tpu.memref_slice %arg8[%arg0, %dma_wait3A_692, %dma_wait3A_693] : memref<2x10000x128xf32, #tpu.memory_space<hbm>> -> memref<1x10000x128xf32, #tpu.memory_space<hbm>>
      %dma_wait3A_695 = tpu.memref_squeeze %dma_wait3A_694 : memref<1x10000x128xf32, #tpu.memory_space<hbm>> -> memref<10000x128xf32, #tpu.memory_space<hbm>>
      %dma_wait3A_696 = arith.constant 0 : i32
      %dma_wait3A_697 = arith.constant 0 : i32
      %dma_wait3A_698 = tpu.memref_slice %dma_wait3A_695[%dma_wait3A_696, %dma_wait3A_697] : memref<10000x128xf32, #tpu.memory_space<hbm>> -> memref<10000x128xf32, #tpu.memory_space<hbm>>
      %dma_wait3A_699 = tpu.memref_slice %arg16[%dma_wait3A_685] : memref<6x!tpu.dma_semaphore, #tpu.memory_space<semaphore_mem>> -> memref<1x!tpu.dma_semaphore, #tpu.memory_space<semaphore_mem>>
      %dma_wait3A_700 = tpu.memref_squeeze %dma_wait3A_699 : memref<1x!tpu.dma_semaphore, #tpu.memory_space<semaphore_mem>> -> memref<!tpu.dma_semaphore, #tpu.memory_space<semaphore_mem>>
      tpu.wait_indirect_dma semaphore(%dma_wait3A_700 : memref<!tpu.dma_semaphore, #tpu.memory_space<semaphore_mem>>) src(%dma_wait3A_698 : memref<10000x128xf32, #tpu.memory_space<hbm>>) dst(%dma_wait3A_688 : memref<40x128xf32, #tpu.memory_space<vmem>>)
      %add3A_701 = arith.constant 2 : i32
      %add3A_702 = arith.addi %add3A_448, %add3A_701 : i32
      %dma_start3A_703 = arith.constant 2 : i32
      %dma_start3A_704 = arith.constant 0 : i32
      %dma_start3A_705 = tpu.memref_slice %arg12[%add3A_702, %dma_start3A_704] : memref<63x80xi32, #tpu.memory_space<vmem>> -> memref<1x80xi32, #tpu.memory_space<vmem>>
      %dma_start3A_706 = tpu.memref_squeeze %dma_start3A_705 : memref<1x80xi32, #tpu.memory_space<vmem>> -> memref<80xi32, #tpu.memory_space<vmem>>
      %dma_start3A_707 = arith.constant 0 : i32
      %dma_start3A_708 = arith.constant 0 : i32
      %dma_start3A_709 = tpu.memref_slice %arg9[%dma_start3A_707, %dma_start3A_708] : memref<10008x128xf32, #tpu.memory_space<vmem_shared>> -> memref<10008x128xf32, #tpu.memory_space<vmem_shared>>
      %dma_start3A_710 = tpu.memref_slice %arg17[%dma_start3A_703] : memref<3x!tpu.dma_semaphore, #tpu.memory_space<semaphore_mem>> -> memref<1x!tpu.dma_semaphore, #tpu.memory_space<semaphore_mem>>
      %dma_start3A_711 = tpu.memref_squeeze %dma_start3A_710 : memref<1x!tpu.dma_semaphore, #tpu.memory_space<semaphore_mem>> -> memref<!tpu.dma_semaphore, #tpu.memory_space<semaphore_mem>>
      tpu.enqueue_indirect_dma source(%arg15 : memref<80x128xf32, #tpu.memory_space<vmem>>) target(%dma_start3A_709 : memref<10008x128xf32, #tpu.memory_space<vmem_shared>>) offsets(%dma_start3A_706 : memref<80xi32, #tpu.memory_space<vmem>>) semaphore(%dma_start3A_711 : memref<!tpu.dma_semaphore, #tpu.memory_space<semaphore_mem>>) {add = true}
    }
    %scan3A_319 = arith.constant 21 : i32
    %dma_wait3A_320 = arith.constant 60 : i32
    %dma_wait3A_321 = arith.constant 0 : i32
    %dma_wait3A_322 = arith.constant 0 : i32
    %dma_wait3A_323 = tpu.memref_slice %arg12[%dma_wait3A_320, %dma_wait3A_322] : memref<63x80xi32, #tpu.memory_space<vmem>> -> memref<1x80xi32, #tpu.memory_space<vmem>>
    %dma_wait3A_324 = tpu.memref_squeeze %dma_wait3A_323 : memref<1x80xi32, #tpu.memory_space<vmem>> -> memref<80xi32, #tpu.memory_space<vmem>>
    %dma_wait3A_325 = arith.constant 0 : i32
    %dma_wait3A_326 = arith.constant 0 : i32
    %dma_wait3A_327 = tpu.memref_slice %arg9[%dma_wait3A_325, %dma_wait3A_326] : memref<10008x128xf32, #tpu.memory_space<vmem_shared>> -> memref<10008x128xf32, #tpu.memory_space<vmem_shared>>
    %dma_wait3A_328 = tpu.memref_slice %arg17[%dma_wait3A_321] : memref<3x!tpu.dma_semaphore, #tpu.memory_space<semaphore_mem>> -> memref<1x!tpu.dma_semaphore, #tpu.memory_space<semaphore_mem>>
    %dma_wait3A_329 = tpu.memref_squeeze %dma_wait3A_328 : memref<1x!tpu.dma_semaphore, #tpu.memory_space<semaphore_mem>> -> memref<!tpu.dma_semaphore, #tpu.memory_space<semaphore_mem>>
    tpu.wait_indirect_dma semaphore(%dma_wait3A_329 : memref<!tpu.dma_semaphore, #tpu.memory_space<semaphore_mem>>) src(%arg13 : memref<80x128xf32, #tpu.memory_space<vmem>>) dst(%dma_wait3A_327 : memref<10008x128xf32, #tpu.memory_space<vmem_shared>>)
    %dma_wait3A_330 = arith.constant 61 : i32
    %dma_wait3A_331 = arith.constant 1 : i32
    %dma_wait3A_332 = arith.constant 0 : i32
    %dma_wait3A_333 = tpu.memref_slice %arg12[%dma_wait3A_330, %dma_wait3A_332] : memref<63x80xi32, #tpu.memory_space<vmem>> -> memref<1x80xi32, #tpu.memory_space<vmem>>
    %dma_wait3A_334 = tpu.memref_squeeze %dma_wait3A_333 : memref<1x80xi32, #tpu.memory_space<vmem>> -> memref<80xi32, #tpu.memory_space<vmem>>
    %dma_wait3A_335 = arith.constant 0 : i32
    %dma_wait3A_336 = arith.constant 0 : i32
    %dma_wait3A_337 = tpu.memref_slice %arg9[%dma_wait3A_335, %dma_wait3A_336] : memref<10008x128xf32, #tpu.memory_space<vmem_shared>> -> memref<10008x128xf32, #tpu.memory_space<vmem_shared>>
    %dma_wait3A_338 = tpu.memref_slice %arg17[%dma_wait3A_331] : memref<3x!tpu.dma_semaphore, #tpu.memory_space<semaphore_mem>> -> memref<1x!tpu.dma_semaphore, #tpu.memory_space<semaphore_mem>>
    %dma_wait3A_339 = tpu.memref_squeeze %dma_wait3A_338 : memref<1x!tpu.dma_semaphore, #tpu.memory_space<semaphore_mem>> -> memref<!tpu.dma_semaphore, #tpu.memory_space<semaphore_mem>>
    tpu.wait_indirect_dma semaphore(%dma_wait3A_339 : memref<!tpu.dma_semaphore, #tpu.memory_space<semaphore_mem>>) src(%arg14 : memref<80x128xf32, #tpu.memory_space<vmem>>) dst(%dma_wait3A_337 : memref<10008x128xf32, #tpu.memory_space<vmem_shared>>)
    %dma_wait3A_340 = arith.constant 62 : i32
    %dma_wait3A_341 = arith.constant 2 : i32
    %dma_wait3A_342 = arith.constant 0 : i32
    %dma_wait3A_343 = tpu.memref_slice %arg12[%dma_wait3A_340, %dma_wait3A_342] : memref<63x80xi32, #tpu.memory_space<vmem>> -> memref<1x80xi32, #tpu.memory_space<vmem>>
    %dma_wait3A_344 = tpu.memref_squeeze %dma_wait3A_343 : memref<1x80xi32, #tpu.memory_space<vmem>> -> memref<80xi32, #tpu.memory_space<vmem>>
    %dma_wait3A_345 = arith.constant 0 : i32
    %dma_wait3A_346 = arith.constant 0 : i32
    %dma_wait3A_347 = tpu.memref_slice %arg9[%dma_wait3A_345, %dma_wait3A_346] : memref<10008x128xf32, #tpu.memory_space<vmem_shared>> -> memref<10008x128xf32, #tpu.memory_space<vmem_shared>>
    %dma_wait3A_348 = tpu.memref_slice %arg17[%dma_wait3A_341] : memref<3x!tpu.dma_semaphore, #tpu.memory_space<semaphore_mem>> -> memref<1x!tpu.dma_semaphore, #tpu.memory_space<semaphore_mem>>
    %dma_wait3A_349 = tpu.memref_squeeze %dma_wait3A_348 : memref<1x!tpu.dma_semaphore, #tpu.memory_space<semaphore_mem>> -> memref<!tpu.dma_semaphore, #tpu.memory_space<semaphore_mem>>
    tpu.wait_indirect_dma semaphore(%dma_wait3A_349 : memref<!tpu.dma_semaphore, #tpu.memory_space<semaphore_mem>>) src(%arg15 : memref<80x128xf32, #tpu.memory_space<vmem>>) dst(%dma_wait3A_347 : memref<10008x128xf32, #tpu.memory_space<vmem_shared>>)
    %run_scoped3A_350 = arith.constant 1 : i32
    "tpu.region"() ({
      %run_scoped3A_444 = tpu.sem_alloc : memref<!tpu.dma_semaphore, #tpu.memory_space<semaphore_mem>>
      %dma_start3A_445 = arith.constant 0 : i32
      %dma_start3A_446 = arith.constant 0 : i32
      %dma_start3A_447 = arith.constant 0 : i32
      %dma_start3A_448 = tpu.memref_slice %arg5[%arg1, %dma_start3A_445, %dma_start3A_446, %dma_start3A_447] : memref<16x2x63x80xi32, #tpu.memory_space<hbm>> -> memref<1x2x63x80xi32, #tpu.memory_space<hbm>>
      %dma_start3A_449 = tpu.memref_squeeze %dma_start3A_448 : memref<1x2x63x80xi32, #tpu.memory_space<hbm>> -> memref<2x63x80xi32, #tpu.memory_space<hbm>>
      %dma_start3A_450 = arith.constant 0 : i32
      %dma_start3A_451 = arith.constant 0 : i32
      %dma_start3A_452 = tpu.memref_slice %dma_start3A_449[%run_scoped3A_350, %dma_start3A_450, %dma_start3A_451] : memref<2x63x80xi32, #tpu.memory_space<hbm>> -> memref<1x63x80xi32, #tpu.memory_space<hbm>>
      %dma_start3A_453 = tpu.memref_squeeze %dma_start3A_452 : memref<1x63x80xi32, #tpu.memory_space<hbm>> -> memref<63x80xi32, #tpu.memory_space<hbm>>
      %dma_start3A_454 = arith.constant 0 : i32
      %dma_start3A_455 = arith.constant 0 : i32
      %dma_start3A_456 = arith.constant 0 : i32
      %dma_start3A_457 = tpu.memref_slice %arg5[%arg1, %dma_start3A_454, %dma_start3A_455, %dma_start3A_456] : memref<16x2x63x80xi32, #tpu.memory_space<hbm>> -> memref<1x2x63x80xi32, #tpu.memory_space<hbm>>
      %dma_start3A_458 = tpu.memref_squeeze %dma_start3A_457 : memref<1x2x63x80xi32, #tpu.memory_space<hbm>> -> memref<2x63x80xi32, #tpu.memory_space<hbm>>
      %dma_start3A_459 = arith.constant 0 : i32
      %dma_start3A_460 = arith.constant 0 : i32
      %dma_start3A_461 = tpu.memref_slice %dma_start3A_458[%run_scoped3A_350, %dma_start3A_459, %dma_start3A_460] : memref<2x63x80xi32, #tpu.memory_space<hbm>> -> memref<1x63x80xi32, #tpu.memory_space<hbm>>
      %dma_start3A_462 = tpu.memref_squeeze %dma_start3A_461 : memref<1x63x80xi32, #tpu.memory_space<hbm>> -> memref<63x80xi32, #tpu.memory_space<hbm>>
      tpu.enqueue_dma source(%dma_start3A_462 : memref<63x80xi32, #tpu.memory_space<hbm>>) target(%arg11 : memref<63x80xi32, #tpu.memory_space<vmem>>) target_semaphore(%run_scoped3A_444 : memref<!tpu.dma_semaphore, #tpu.memory_space<semaphore_mem>>)
      %dma_wait3A_463 = arith.constant 0 : i32
      %dma_wait3A_464 = arith.constant 0 : i32
      %dma_wait3A_465 = arith.constant 0 : i32
      %dma_wait3A_466 = tpu.memref_slice %arg5[%arg1, %dma_wait3A_463, %dma_wait3A_464, %dma_wait3A_465] : memref<16x2x63x80xi32, #tpu.memory_space<hbm>> -> memref<1x2x63x80xi32, #tpu.memory_space<hbm>>
      %dma_wait3A_467 = tpu.memref_squeeze %dma_wait3A_466 : memref<1x2x63x80xi32, #tpu.memory_space<hbm>> -> memref<2x63x80xi32, #tpu.memory_space<hbm>>
      %dma_wait3A_468 = arith.constant 0 : i32
      %dma_wait3A_469 = arith.constant 0 : i32
      %dma_wait3A_470 = tpu.memref_slice %dma_wait3A_467[%run_scoped3A_350, %dma_wait3A_468, %dma_wait3A_469] : memref<2x63x80xi32, #tpu.memory_space<hbm>> -> memref<1x63x80xi32, #tpu.memory_space<hbm>>
      %dma_wait3A_471 = tpu.memref_squeeze %dma_wait3A_470 : memref<1x63x80xi32, #tpu.memory_space<hbm>> -> memref<63x80xi32, #tpu.memory_space<hbm>>
      %dma_wait3A_472 = arith.constant 0 : i32
      %dma_wait3A_473 = arith.constant 0 : i32
      %dma_wait3A_474 = arith.constant 0 : i32
      %dma_wait3A_475 = tpu.memref_slice %arg5[%arg1, %dma_wait3A_472, %dma_wait3A_473, %dma_wait3A_474] : memref<16x2x63x80xi32, #tpu.memory_space<hbm>> -> memref<1x2x63x80xi32, #tpu.memory_space<hbm>>
      %dma_wait3A_476 = tpu.memref_squeeze %dma_wait3A_475 : memref<1x2x63x80xi32, #tpu.memory_space<hbm>> -> memref<2x63x80xi32, #tpu.memory_space<hbm>>
      %dma_wait3A_477 = arith.constant 0 : i32
      %dma_wait3A_478 = arith.constant 0 : i32
      %dma_wait3A_479 = tpu.memref_slice %dma_wait3A_476[%run_scoped3A_350, %dma_wait3A_477, %dma_wait3A_478] : memref<2x63x80xi32, #tpu.memory_space<hbm>> -> memref<1x63x80xi32, #tpu.memory_space<hbm>>
      %dma_wait3A_480 = tpu.memref_squeeze %dma_wait3A_479 : memref<1x63x80xi32, #tpu.memory_space<hbm>> -> memref<63x80xi32, #tpu.memory_space<hbm>>
      tpu.wait_dma2 semaphore(%run_scoped3A_444 : memref<!tpu.dma_semaphore, #tpu.memory_space<semaphore_mem>>) src(%dma_wait3A_480 : memref<63x80xi32, #tpu.memory_space<hbm>>) dst(%arg11 : memref<63x80xi32, #tpu.memory_space<vmem>>)
      tpu.yield
    }) : () -> ()
    %run_scoped3A_351 = arith.constant 1 : i32
    "tpu.region"() ({
      %run_scoped3A_444 = tpu.sem_alloc : memref<!tpu.dma_semaphore, #tpu.memory_space<semaphore_mem>>
      %dma_start3A_445 = arith.constant 0 : i32
      %dma_start3A_446 = arith.constant 0 : i32
      %dma_start3A_447 = arith.constant 0 : i32
      %dma_start3A_448 = tpu.memref_slice %arg6[%arg1, %dma_start3A_445, %dma_start3A_446, %dma_start3A_447] : memref<16x2x63x80xi32, #tpu.memory_space<hbm>> -> memref<1x2x63x80xi32, #tpu.memory_space<hbm>>
      %dma_start3A_449 = tpu.memref_squeeze %dma_start3A_448 : memref<1x2x63x80xi32, #tpu.memory_space<hbm>> -> memref<2x63x80xi32, #tpu.memory_space<hbm>>
      %dma_start3A_450 = arith.constant 0 : i32
      %dma_start3A_451 = arith.constant 0 : i32
      %dma_start3A_452 = tpu.memref_slice %dma_start3A_449[%run_scoped3A_351, %dma_start3A_450, %dma_start3A_451] : memref<2x63x80xi32, #tpu.memory_space<hbm>> -> memref<1x63x80xi32, #tpu.memory_space<hbm>>
      %dma_start3A_453 = tpu.memref_squeeze %dma_start3A_452 : memref<1x63x80xi32, #tpu.memory_space<hbm>> -> memref<63x80xi32, #tpu.memory_space<hbm>>
      %dma_start3A_454 = arith.constant 0 : i32
      %dma_start3A_455 = arith.constant 0 : i32
      %dma_start3A_456 = arith.constant 0 : i32
      %dma_start3A_457 = tpu.memref_slice %arg6[%arg1, %dma_start3A_454, %dma_start3A_455, %dma_start3A_456] : memref<16x2x63x80xi32, #tpu.memory_space<hbm>> -> memref<1x2x63x80xi32, #tpu.memory_space<hbm>>
      %dma_start3A_458 = tpu.memref_squeeze %dma_start3A_457 : memref<1x2x63x80xi32, #tpu.memory_space<hbm>> -> memref<2x63x80xi32, #tpu.memory_space<hbm>>
      %dma_start3A_459 = arith.constant 0 : i32
      %dma_start3A_460 = arith.constant 0 : i32
      %dma_start3A_461 = tpu.memref_slice %dma_start3A_458[%run_scoped3A_351, %dma_start3A_459, %dma_start3A_460] : memref<2x63x80xi32, #tpu.memory_space<hbm>> -> memref<1x63x80xi32, #tpu.memory_space<hbm>>
      %dma_start3A_462 = tpu.memref_squeeze %dma_start3A_461 : memref<1x63x80xi32, #tpu.memory_space<hbm>> -> memref<63x80xi32, #tpu.memory_space<hbm>>
      tpu.enqueue_dma source(%dma_start3A_462 : memref<63x80xi32, #tpu.memory_space<hbm>>) target(%arg12 : memref<63x80xi32, #tpu.memory_space<vmem>>) target_semaphore(%run_scoped3A_444 : memref<!tpu.dma_semaphore, #tpu.memory_space<semaphore_mem>>)
      %dma_wait3A_463 = arith.constant 0 : i32
      %dma_wait3A_464 = arith.constant 0 : i32
      %dma_wait3A_465 = arith.constant 0 : i32
      %dma_wait3A_466 = tpu.memref_slice %arg6[%arg1, %dma_wait3A_463, %dma_wait3A_464, %dma_wait3A_465] : memref<16x2x63x80xi32, #tpu.memory_space<hbm>> -> memref<1x2x63x80xi32, #tpu.memory_space<hbm>>
      %dma_wait3A_467 = tpu.memref_squeeze %dma_wait3A_466 : memref<1x2x63x80xi32, #tpu.memory_space<hbm>> -> memref<2x63x80xi32, #tpu.memory_space<hbm>>
      %dma_wait3A_468 = arith.constant 0 : i32
      %dma_wait3A_469 = arith.constant 0 : i32
      %dma_wait3A_470 = tpu.memref_slice %dma_wait3A_467[%run_scoped3A_351, %dma_wait3A_468, %dma_wait3A_469] : memref<2x63x80xi32, #tpu.memory_space<hbm>> -> memref<1x63x80xi32, #tpu.memory_space<hbm>>
      %dma_wait3A_471 = tpu.memref_squeeze %dma_wait3A_470 : memref<1x63x80xi32, #tpu.memory_space<hbm>> -> memref<63x80xi32, #tpu.memory_space<hbm>>
      %dma_wait3A_472 = arith.constant 0 : i32
      %dma_wait3A_473 = arith.constant 0 : i32
      %dma_wait3A_474 = arith.constant 0 : i32
      %dma_wait3A_475 = tpu.memref_slice %arg6[%arg1, %dma_wait3A_472, %dma_wait3A_473, %dma_wait3A_474] : memref<16x2x63x80xi32, #tpu.memory_space<hbm>> -> memref<1x2x63x80xi32, #tpu.memory_space<hbm>>
      %dma_wait3A_476 = tpu.memref_squeeze %dma_wait3A_475 : memref<1x2x63x80xi32, #tpu.memory_space<hbm>> -> memref<2x63x80xi32, #tpu.memory_space<hbm>>
      %dma_wait3A_477 = arith.constant 0 : i32
      %dma_wait3A_478 = arith.constant 0 : i32
      %dma_wait3A_479 = tpu.memref_slice %dma_wait3A_476[%run_scoped3A_351, %dma_wait3A_477, %dma_wait3A_478] : memref<2x63x80xi32, #tpu.memory_space<hbm>> -> memref<1x63x80xi32, #tpu.memory_space<hbm>>
      %dma_wait3A_480 = tpu.memref_squeeze %dma_wait3A_479 : memref<1x63x80xi32, #tpu.memory_space<hbm>> -> memref<63x80xi32, #tpu.memory_space<hbm>>
      tpu.wait_dma2 semaphore(%run_scoped3A_444 : memref<!tpu.dma_semaphore, #tpu.memory_space<semaphore_mem>>) src(%dma_wait3A_480 : memref<63x80xi32, #tpu.memory_space<hbm>>) dst(%arg12 : memref<63x80xi32, #tpu.memory_space<vmem>>)
      tpu.yield
    }) : () -> ()
    %scan3A_352 = arith.constant 0 : i32
    %scan3A_353 = arith.constant 21 : i32
    %scan3A_354 = arith.addi %scan3A_352, %scan3A_353 : i32
    %scan3A_355 = arith.constant 1 : i32
    scf.for %scan3A_444 = %scan3A_352 to %scan3A_354 step %scan3A_355  : i32 {
      %mul3A_445 = arith.constant 3 : i32
      %mul3A_446 = arith.muli %scan3A_444, %mul3A_445 : i32
      %add3A_447 = arith.constant 0 : i32
      %add3A_448 = arith.addi %add3A_447, %mul3A_446 : i32
      %gt3A = arith.constant 0 : i32
      %gt3A_449 = arith.cmpi sgt, %add3A_448, %gt3A : i32
      %convert_element_type3A_450 = arith.extui %gt3A_449 : i1 to i32
      %cond3A_451 = arith.constant 0 : i32
      %cond3A_452 = arith.cmpi ne, %convert_element_type3A_450, %cond3A_451 : i32
      scf.if %cond3A_452 {
        %add3A_712 = arith.constant 0 : i32
        %add3A_713 = arith.addi %add3A_448, %add3A_712 : i32
        %sub3A = arith.constant 3 : i32
        %sub3A_714 = arith.subi %add3A_713, %sub3A : i32
        %dma_wait3A_715 = arith.constant 0 : i32
        %dma_wait3A_716 = arith.constant 0 : i32
        %dma_wait3A_717 = tpu.memref_slice %arg12[%sub3A_714, %dma_wait3A_716] : memref<63x80xi32, #tpu.memory_space<vmem>> -> memref<1x80xi32, #tpu.memory_space<vmem>>
        %dma_wait3A_718 = tpu.memref_squeeze %dma_wait3A_717 : memref<1x80xi32, #tpu.memory_space<vmem>> -> memref<80xi32, #tpu.memory_space<vmem>>
        %dma_wait3A_719 = arith.constant 0 : i32
        %dma_wait3A_720 = arith.constant 0 : i32
        %dma_wait3A_721 = tpu.memref_slice %arg9[%dma_wait3A_719, %dma_wait3A_720] : memref<10008x128xf32, #tpu.memory_space<vmem_shared>> -> memref<10008x128xf32, #tpu.memory_space<vmem_shared>>
        %dma_wait3A_722 = tpu.memref_slice %arg17[%dma_wait3A_715] : memref<3x!tpu.dma_semaphore, #tpu.memory_space<semaphore_mem>> -> memref<1x!tpu.dma_semaphore, #tpu.memory_space<semaphore_mem>>
        %dma_wait3A_723 = tpu.memref_squeeze %dma_wait3A_722 : memref<1x!tpu.dma_semaphore, #tpu.memory_space<semaphore_mem>> -> memref<!tpu.dma_semaphore, #tpu.memory_space<semaphore_mem>>
        tpu.wait_indirect_dma semaphore(%dma_wait3A_723 : memref<!tpu.dma_semaphore, #tpu.memory_space<semaphore_mem>>) src(%arg13 : memref<80x128xf32, #tpu.memory_space<vmem>>) dst(%dma_wait3A_721 : memref<10008x128xf32, #tpu.memory_space<vmem_shared>>)
      } else {
      }
      %add3A_453 = arith.constant 0 : i32
      %add3A_454 = arith.addi %add3A_448, %add3A_453 : i32
      %dma_start3A_455 = arith.constant 0 : i32
      %dma_start3A_456 = arith.constant 0 : i32
      %dma_start3A_457 = arith.constant 0 : i32
      %dma_start3A_458 = tpu.memref_slice %arg13[%dma_start3A_456, %dma_start3A_457] : memref<80x128xf32, #tpu.memory_space<vmem>> -> memref<40x128xf32, #tpu.memory_space<vmem>>
      %dma_start3A_459 = arith.constant 0 : i32
      %dma_start3A_460 = tpu.memref_slice %arg11[%add3A_454, %dma_start3A_459] : memref<63x80xi32, #tpu.memory_space<vmem>> -> memref<1x40xi32, #tpu.memory_space<vmem>>
      %dma_start3A_461 = tpu.memref_squeeze %dma_start3A_460 : memref<1x40xi32, #tpu.memory_space<vmem>> -> memref<40xi32, #tpu.memory_space<vmem>>
      %dma_start3A_462 = arith.constant 0 : i32
      %dma_start3A_463 = arith.constant 0 : i32
      %dma_start3A_464 = tpu.memref_slice %arg8[%arg0, %dma_start3A_462, %dma_start3A_463] : memref<2x10000x128xf32, #tpu.memory_space<hbm>> -> memref<1x10000x128xf32, #tpu.memory_space<hbm>>
      %dma_start3A_465 = tpu.memref_squeeze %dma_start3A_464 : memref<1x10000x128xf32, #tpu.memory_space<hbm>> -> memref<10000x128xf32, #tpu.memory_space<hbm>>
      %dma_start3A_466 = arith.constant 0 : i32
      %dma_start3A_467 = arith.constant 0 : i32
      %dma_start3A_468 = tpu.memref_slice %dma_start3A_465[%dma_start3A_466, %dma_start3A_467] : memref<10000x128xf32, #tpu.memory_space<hbm>> -> memref<10000x128xf32, #tpu.memory_space<hbm>>
      %dma_start3A_469 = tpu.memref_slice %arg16[%dma_start3A_455] : memref<6x!tpu.dma_semaphore, #tpu.memory_space<semaphore_mem>> -> memref<1x!tpu.dma_semaphore, #tpu.memory_space<semaphore_mem>>
      %dma_start3A_470 = tpu.memref_squeeze %dma_start3A_469 : memref<1x!tpu.dma_semaphore, #tpu.memory_space<semaphore_mem>> -> memref<!tpu.dma_semaphore, #tpu.memory_space<semaphore_mem>>
      tpu.enqueue_indirect_dma source(%dma_start3A_468 : memref<10000x128xf32, #tpu.memory_space<hbm>>) target(%dma_start3A_458 : memref<40x128xf32, #tpu.memory_space<vmem>>) offsets(%dma_start3A_461 : memref<40xi32, #tpu.memory_space<vmem>>) semaphore(%dma_start3A_470 : memref<!tpu.dma_semaphore, #tpu.memory_space<semaphore_mem>>)
      %add3A_471 = arith.constant 0 : i32
      %add3A_472 = arith.addi %add3A_448, %add3A_471 : i32
      %dma_start3A_473 = arith.constant 1 : i32
      %dma_start3A_474 = arith.constant 40 : i32
      %dma_start3A_475 = arith.constant 0 : i32
      %dma_start3A_476 = tpu.memref_slice %arg13[%dma_start3A_474, %dma_start3A_475] : memref<80x128xf32, #tpu.memory_space<vmem>> -> memref<40x128xf32, #tpu.memory_space<vmem>>
      %dma_start3A_477 = arith.constant 40 : i32
      %dma_start3A_478 = tpu.memref_slice %arg11[%add3A_472, %dma_start3A_477] : memref<63x80xi32, #tpu.memory_space<vmem>> -> memref<1x40xi32, #tpu.memory_space<vmem>>
      %dma_start3A_479 = tpu.memref_squeeze %dma_start3A_478 : memref<1x40xi32, #tpu.memory_space<vmem>> -> memref<40xi32, #tpu.memory_space<vmem>>
      %dma_start3A_480 = arith.constant 0 : i32
      %dma_start3A_481 = arith.constant 0 : i32
      %dma_start3A_482 = tpu.memref_slice %arg8[%arg0, %dma_start3A_480, %dma_start3A_481] : memref<2x10000x128xf32, #tpu.memory_space<hbm>> -> memref<1x10000x128xf32, #tpu.memory_space<hbm>>
      %dma_start3A_483 = tpu.memref_squeeze %dma_start3A_482 : memref<1x10000x128xf32, #tpu.memory_space<hbm>> -> memref<10000x128xf32, #tpu.memory_space<hbm>>
      %dma_start3A_484 = arith.constant 0 : i32
      %dma_start3A_485 = arith.constant 0 : i32
      %dma_start3A_486 = tpu.memref_slice %dma_start3A_483[%dma_start3A_484, %dma_start3A_485] : memref<10000x128xf32, #tpu.memory_space<hbm>> -> memref<10000x128xf32, #tpu.memory_space<hbm>>
      %dma_start3A_487 = tpu.memref_slice %arg16[%dma_start3A_473] : memref<6x!tpu.dma_semaphore, #tpu.memory_space<semaphore_mem>> -> memref<1x!tpu.dma_semaphore, #tpu.memory_space<semaphore_mem>>
      %dma_start3A_488 = tpu.memref_squeeze %dma_start3A_487 : memref<1x!tpu.dma_semaphore, #tpu.memory_space<semaphore_mem>> -> memref<!tpu.dma_semaphore, #tpu.memory_space<semaphore_mem>>
      tpu.enqueue_indirect_dma source(%dma_start3A_486 : memref<10000x128xf32, #tpu.memory_space<hbm>>) target(%dma_start3A_476 : memref<40x128xf32, #tpu.memory_space<vmem>>) offsets(%dma_start3A_479 : memref<40xi32, #tpu.memory_space<vmem>>) semaphore(%dma_start3A_488 : memref<!tpu.dma_semaphore, #tpu.memory_space<semaphore_mem>>)
      %gt3A_489 = arith.constant 0 : i32
      %gt3A_490 = arith.cmpi sgt, %add3A_448, %gt3A_489 : i32
      %convert_element_type3A_491 = arith.extui %gt3A_490 : i1 to i32
      %cond3A_492 = arith.constant 0 : i32
      %cond3A_493 = arith.cmpi ne, %convert_element_type3A_491, %cond3A_492 : i32
      scf.if %cond3A_493 {
        %add3A_712 = arith.constant 1 : i32
        %add3A_713 = arith.addi %add3A_448, %add3A_712 : i32
        %sub3A = arith.constant 3 : i32
        %sub3A_714 = arith.subi %add3A_713, %sub3A : i32
        %dma_wait3A_715 = arith.constant 1 : i32
        %dma_wait3A_716 = arith.constant 0 : i32
        %dma_wait3A_717 = tpu.memref_slice %arg12[%sub3A_714, %dma_wait3A_716] : memref<63x80xi32, #tpu.memory_space<vmem>> -> memref<1x80xi32, #tpu.memory_space<vmem>>
        %dma_wait3A_718 = tpu.memref_squeeze %dma_wait3A_717 : memref<1x80xi32, #tpu.memory_space<vmem>> -> memref<80xi32, #tpu.memory_space<vmem>>
        %dma_wait3A_719 = arith.constant 0 : i32
        %dma_wait3A_720 = arith.constant 0 : i32
        %dma_wait3A_721 = tpu.memref_slice %arg9[%dma_wait3A_719, %dma_wait3A_720] : memref<10008x128xf32, #tpu.memory_space<vmem_shared>> -> memref<10008x128xf32, #tpu.memory_space<vmem_shared>>
        %dma_wait3A_722 = tpu.memref_slice %arg17[%dma_wait3A_715] : memref<3x!tpu.dma_semaphore, #tpu.memory_space<semaphore_mem>> -> memref<1x!tpu.dma_semaphore, #tpu.memory_space<semaphore_mem>>
        %dma_wait3A_723 = tpu.memref_squeeze %dma_wait3A_722 : memref<1x!tpu.dma_semaphore, #tpu.memory_space<semaphore_mem>> -> memref<!tpu.dma_semaphore, #tpu.memory_space<semaphore_mem>>
        tpu.wait_indirect_dma semaphore(%dma_wait3A_723 : memref<!tpu.dma_semaphore, #tpu.memory_space<semaphore_mem>>) src(%arg14 : memref<80x128xf32, #tpu.memory_space<vmem>>) dst(%dma_wait3A_721 : memref<10008x128xf32, #tpu.memory_space<vmem_shared>>)
      } else {
      }
      %add3A_494 = arith.constant 1 : i32
      %add3A_495 = arith.addi %add3A_448, %add3A_494 : i32
      %dma_start3A_496 = arith.constant 2 : i32
      %dma_start3A_497 = arith.constant 0 : i32
      %dma_start3A_498 = arith.constant 0 : i32
      %dma_start3A_499 = tpu.memref_slice %arg14[%dma_start3A_497, %dma_start3A_498] : memref<80x128xf32, #tpu.memory_space<vmem>> -> memref<40x128xf32, #tpu.memory_space<vmem>>
      %dma_start3A_500 = arith.constant 0 : i32
      %dma_start3A_501 = tpu.memref_slice %arg11[%add3A_495, %dma_start3A_500] : memref<63x80xi32, #tpu.memory_space<vmem>> -> memref<1x40xi32, #tpu.memory_space<vmem>>
      %dma_start3A_502 = tpu.memref_squeeze %dma_start3A_501 : memref<1x40xi32, #tpu.memory_space<vmem>> -> memref<40xi32, #tpu.memory_space<vmem>>
      %dma_start3A_503 = arith.constant 0 : i32
      %dma_start3A_504 = arith.constant 0 : i32
      %dma_start3A_505 = tpu.memref_slice %arg8[%arg0, %dma_start3A_503, %dma_start3A_504] : memref<2x10000x128xf32, #tpu.memory_space<hbm>> -> memref<1x10000x128xf32, #tpu.memory_space<hbm>>
      %dma_start3A_506 = tpu.memref_squeeze %dma_start3A_505 : memref<1x10000x128xf32, #tpu.memory_space<hbm>> -> memref<10000x128xf32, #tpu.memory_space<hbm>>
      %dma_start3A_507 = arith.constant 0 : i32
      %dma_start3A_508 = arith.constant 0 : i32
      %dma_start3A_509 = tpu.memref_slice %dma_start3A_506[%dma_start3A_507, %dma_start3A_508] : memref<10000x128xf32, #tpu.memory_space<hbm>> -> memref<10000x128xf32, #tpu.memory_space<hbm>>
      %dma_start3A_510 = tpu.memref_slice %arg16[%dma_start3A_496] : memref<6x!tpu.dma_semaphore, #tpu.memory_space<semaphore_mem>> -> memref<1x!tpu.dma_semaphore, #tpu.memory_space<semaphore_mem>>
      %dma_start3A_511 = tpu.memref_squeeze %dma_start3A_510 : memref<1x!tpu.dma_semaphore, #tpu.memory_space<semaphore_mem>> -> memref<!tpu.dma_semaphore, #tpu.memory_space<semaphore_mem>>
      tpu.enqueue_indirect_dma source(%dma_start3A_509 : memref<10000x128xf32, #tpu.memory_space<hbm>>) target(%dma_start3A_499 : memref<40x128xf32, #tpu.memory_space<vmem>>) offsets(%dma_start3A_502 : memref<40xi32, #tpu.memory_space<vmem>>) semaphore(%dma_start3A_511 : memref<!tpu.dma_semaphore, #tpu.memory_space<semaphore_mem>>)
      %add3A_512 = arith.constant 1 : i32
      %add3A_513 = arith.addi %add3A_448, %add3A_512 : i32
      %dma_start3A_514 = arith.constant 3 : i32
      %dma_start3A_515 = arith.constant 40 : i32
      %dma_start3A_516 = arith.constant 0 : i32
      %dma_start3A_517 = tpu.memref_slice %arg14[%dma_start3A_515, %dma_start3A_516] : memref<80x128xf32, #tpu.memory_space<vmem>> -> memref<40x128xf32, #tpu.memory_space<vmem>>
      %dma_start3A_518 = arith.constant 40 : i32
      %dma_start3A_519 = tpu.memref_slice %arg11[%add3A_513, %dma_start3A_518] : memref<63x80xi32, #tpu.memory_space<vmem>> -> memref<1x40xi32, #tpu.memory_space<vmem>>
      %dma_start3A_520 = tpu.memref_squeeze %dma_start3A_519 : memref<1x40xi32, #tpu.memory_space<vmem>> -> memref<40xi32, #tpu.memory_space<vmem>>
      %dma_start3A_521 = arith.constant 0 : i32
      %dma_start3A_522 = arith.constant 0 : i32
      %dma_start3A_523 = tpu.memref_slice %arg8[%arg0, %dma_start3A_521, %dma_start3A_522] : memref<2x10000x128xf32, #tpu.memory_space<hbm>> -> memref<1x10000x128xf32, #tpu.memory_space<hbm>>
      %dma_start3A_524 = tpu.memref_squeeze %dma_start3A_523 : memref<1x10000x128xf32, #tpu.memory_space<hbm>> -> memref<10000x128xf32, #tpu.memory_space<hbm>>
      %dma_start3A_525 = arith.constant 0 : i32
      %dma_start3A_526 = arith.constant 0 : i32
      %dma_start3A_527 = tpu.memref_slice %dma_start3A_524[%dma_start3A_525, %dma_start3A_526] : memref<10000x128xf32, #tpu.memory_space<hbm>> -> memref<10000x128xf32, #tpu.memory_space<hbm>>
      %dma_start3A_528 = tpu.memref_slice %arg16[%dma_start3A_514] : memref<6x!tpu.dma_semaphore, #tpu.memory_space<semaphore_mem>> -> memref<1x!tpu.dma_semaphore, #tpu.memory_space<semaphore_mem>>
      %dma_start3A_529 = tpu.memref_squeeze %dma_start3A_528 : memref<1x!tpu.dma_semaphore, #tpu.memory_space<semaphore_mem>> -> memref<!tpu.dma_semaphore, #tpu.memory_space<semaphore_mem>>
      tpu.enqueue_indirect_dma source(%dma_start3A_527 : memref<10000x128xf32, #tpu.memory_space<hbm>>) target(%dma_start3A_517 : memref<40x128xf32, #tpu.memory_space<vmem>>) offsets(%dma_start3A_520 : memref<40xi32, #tpu.memory_space<vmem>>) semaphore(%dma_start3A_529 : memref<!tpu.dma_semaphore, #tpu.memory_space<semaphore_mem>>)
      %gt3A_530 = arith.constant 0 : i32
      %gt3A_531 = arith.cmpi sgt, %add3A_448, %gt3A_530 : i32
      %convert_element_type3A_532 = arith.extui %gt3A_531 : i1 to i32
      %cond3A_533 = arith.constant 0 : i32
      %cond3A_534 = arith.cmpi ne, %convert_element_type3A_532, %cond3A_533 : i32
      scf.if %cond3A_534 {
        %add3A_712 = arith.constant 2 : i32
        %add3A_713 = arith.addi %add3A_448, %add3A_712 : i32
        %sub3A = arith.constant 3 : i32
        %sub3A_714 = arith.subi %add3A_713, %sub3A : i32
        %dma_wait3A_715 = arith.constant 2 : i32
        %dma_wait3A_716 = arith.constant 0 : i32
        %dma_wait3A_717 = tpu.memref_slice %arg12[%sub3A_714, %dma_wait3A_716] : memref<63x80xi32, #tpu.memory_space<vmem>> -> memref<1x80xi32, #tpu.memory_space<vmem>>
        %dma_wait3A_718 = tpu.memref_squeeze %dma_wait3A_717 : memref<1x80xi32, #tpu.memory_space<vmem>> -> memref<80xi32, #tpu.memory_space<vmem>>
        %dma_wait3A_719 = arith.constant 0 : i32
        %dma_wait3A_720 = arith.constant 0 : i32
        %dma_wait3A_721 = tpu.memref_slice %arg9[%dma_wait3A_719, %dma_wait3A_720] : memref<10008x128xf32, #tpu.memory_space<vmem_shared>> -> memref<10008x128xf32, #tpu.memory_space<vmem_shared>>
        %dma_wait3A_722 = tpu.memref_slice %arg17[%dma_wait3A_715] : memref<3x!tpu.dma_semaphore, #tpu.memory_space<semaphore_mem>> -> memref<1x!tpu.dma_semaphore, #tpu.memory_space<semaphore_mem>>
        %dma_wait3A_723 = tpu.memref_squeeze %dma_wait3A_722 : memref<1x!tpu.dma_semaphore, #tpu.memory_space<semaphore_mem>> -> memref<!tpu.dma_semaphore, #tpu.memory_space<semaphore_mem>>
        tpu.wait_indirect_dma semaphore(%dma_wait3A_723 : memref<!tpu.dma_semaphore, #tpu.memory_space<semaphore_mem>>) src(%arg15 : memref<80x128xf32, #tpu.memory_space<vmem>>) dst(%dma_wait3A_721 : memref<10008x128xf32, #tpu.memory_space<vmem_shared>>)
      } else {
      }
      %add3A_535 = arith.constant 2 : i32
      %add3A_536 = arith.addi %add3A_448, %add3A_535 : i32
      %dma_start3A_537 = arith.constant 4 : i32
      %dma_start3A_538 = arith.constant 0 : i32
      %dma_start3A_539 = arith.constant 0 : i32
      %dma_start3A_540 = tpu.memref_slice %arg15[%dma_start3A_538, %dma_start3A_539] : memref<80x128xf32, #tpu.memory_space<vmem>> -> memref<40x128xf32, #tpu.memory_space<vmem>>
      %dma_start3A_541 = arith.constant 0 : i32
      %dma_start3A_542 = tpu.memref_slice %arg11[%add3A_536, %dma_start3A_541] : memref<63x80xi32, #tpu.memory_space<vmem>> -> memref<1x40xi32, #tpu.memory_space<vmem>>
      %dma_start3A_543 = tpu.memref_squeeze %dma_start3A_542 : memref<1x40xi32, #tpu.memory_space<vmem>> -> memref<40xi32, #tpu.memory_space<vmem>>
      %dma_start3A_544 = arith.constant 0 : i32
      %dma_start3A_545 = arith.constant 0 : i32
      %dma_start3A_546 = tpu.memref_slice %arg8[%arg0, %dma_start3A_544, %dma_start3A_545] : memref<2x10000x128xf32, #tpu.memory_space<hbm>> -> memref<1x10000x128xf32, #tpu.memory_space<hbm>>
      %dma_start3A_547 = tpu.memref_squeeze %dma_start3A_546 : memref<1x10000x128xf32, #tpu.memory_space<hbm>> -> memref<10000x128xf32, #tpu.memory_space<hbm>>
      %dma_start3A_548 = arith.constant 0 : i32
      %dma_start3A_549 = arith.constant 0 : i32
      %dma_start3A_550 = tpu.memref_slice %dma_start3A_547[%dma_start3A_548, %dma_start3A_549] : memref<10000x128xf32, #tpu.memory_space<hbm>> -> memref<10000x128xf32, #tpu.memory_space<hbm>>
      %dma_start3A_551 = tpu.memref_slice %arg16[%dma_start3A_537] : memref<6x!tpu.dma_semaphore, #tpu.memory_space<semaphore_mem>> -> memref<1x!tpu.dma_semaphore, #tpu.memory_space<semaphore_mem>>
      %dma_start3A_552 = tpu.memref_squeeze %dma_start3A_551 : memref<1x!tpu.dma_semaphore, #tpu.memory_space<semaphore_mem>> -> memref<!tpu.dma_semaphore, #tpu.memory_space<semaphore_mem>>
      tpu.enqueue_indirect_dma source(%dma_start3A_550 : memref<10000x128xf32, #tpu.memory_space<hbm>>) target(%dma_start3A_540 : memref<40x128xf32, #tpu.memory_space<vmem>>) offsets(%dma_start3A_543 : memref<40xi32, #tpu.memory_space<vmem>>) semaphore(%dma_start3A_552 : memref<!tpu.dma_semaphore, #tpu.memory_space<semaphore_mem>>)
      %add3A_553 = arith.constant 2 : i32
      %add3A_554 = arith.addi %add3A_448, %add3A_553 : i32
      %dma_start3A_555 = arith.constant 5 : i32
      %dma_start3A_556 = arith.constant 40 : i32
      %dma_start3A_557 = arith.constant 0 : i32
      %dma_start3A_558 = tpu.memref_slice %arg15[%dma_start3A_556, %dma_start3A_557] : memref<80x128xf32, #tpu.memory_space<vmem>> -> memref<40x128xf32, #tpu.memory_space<vmem>>
      %dma_start3A_559 = arith.constant 40 : i32
      %dma_start3A_560 = tpu.memref_slice %arg11[%add3A_554, %dma_start3A_559] : memref<63x80xi32, #tpu.memory_space<vmem>> -> memref<1x40xi32, #tpu.memory_space<vmem>>
      %dma_start3A_561 = tpu.memref_squeeze %dma_start3A_560 : memref<1x40xi32, #tpu.memory_space<vmem>> -> memref<40xi32, #tpu.memory_space<vmem>>
      %dma_start3A_562 = arith.constant 0 : i32
      %dma_start3A_563 = arith.constant 0 : i32
      %dma_start3A_564 = tpu.memref_slice %arg8[%arg0, %dma_start3A_562, %dma_start3A_563] : memref<2x10000x128xf32, #tpu.memory_space<hbm>> -> memref<1x10000x128xf32, #tpu.memory_space<hbm>>
      %dma_start3A_565 = tpu.memref_squeeze %dma_start3A_564 : memref<1x10000x128xf32, #tpu.memory_space<hbm>> -> memref<10000x128xf32, #tpu.memory_space<hbm>>
      %dma_start3A_566 = arith.constant 0 : i32
      %dma_start3A_567 = arith.constant 0 : i32
      %dma_start3A_568 = tpu.memref_slice %dma_start3A_565[%dma_start3A_566, %dma_start3A_567] : memref<10000x128xf32, #tpu.memory_space<hbm>> -> memref<10000x128xf32, #tpu.memory_space<hbm>>
      %dma_start3A_569 = tpu.memref_slice %arg16[%dma_start3A_555] : memref<6x!tpu.dma_semaphore, #tpu.memory_space<semaphore_mem>> -> memref<1x!tpu.dma_semaphore, #tpu.memory_space<semaphore_mem>>
      %dma_start3A_570 = tpu.memref_squeeze %dma_start3A_569 : memref<1x!tpu.dma_semaphore, #tpu.memory_space<semaphore_mem>> -> memref<!tpu.dma_semaphore, #tpu.memory_space<semaphore_mem>>
      tpu.enqueue_indirect_dma source(%dma_start3A_568 : memref<10000x128xf32, #tpu.memory_space<hbm>>) target(%dma_start3A_558 : memref<40x128xf32, #tpu.memory_space<vmem>>) offsets(%dma_start3A_561 : memref<40xi32, #tpu.memory_space<vmem>>) semaphore(%dma_start3A_570 : memref<!tpu.dma_semaphore, #tpu.memory_space<semaphore_mem>>)
      %add3A_571 = arith.constant 0 : i32
      %add3A_572 = arith.addi %add3A_448, %add3A_571 : i32
      %dma_wait3A_573 = arith.constant 0 : i32
      %dma_wait3A_574 = arith.constant 0 : i32
      %dma_wait3A_575 = arith.constant 0 : i32
      %dma_wait3A_576 = tpu.memref_slice %arg13[%dma_wait3A_574, %dma_wait3A_575] : memref<80x128xf32, #tpu.memory_space<vmem>> -> memref<40x128xf32, #tpu.memory_space<vmem>>
      %dma_wait3A_577 = arith.constant 0 : i32
      %dma_wait3A_578 = tpu.memref_slice %arg11[%add3A_572, %dma_wait3A_577] : memref<63x80xi32, #tpu.memory_space<vmem>> -> memref<1x40xi32, #tpu.memory_space<vmem>>
      %dma_wait3A_579 = tpu.memref_squeeze %dma_wait3A_578 : memref<1x40xi32, #tpu.memory_space<vmem>> -> memref<40xi32, #tpu.memory_space<vmem>>
      %dma_wait3A_580 = arith.constant 0 : i32
      %dma_wait3A_581 = arith.constant 0 : i32
      %dma_wait3A_582 = tpu.memref_slice %arg8[%arg0, %dma_wait3A_580, %dma_wait3A_581] : memref<2x10000x128xf32, #tpu.memory_space<hbm>> -> memref<1x10000x128xf32, #tpu.memory_space<hbm>>
      %dma_wait3A_583 = tpu.memref_squeeze %dma_wait3A_582 : memref<1x10000x128xf32, #tpu.memory_space<hbm>> -> memref<10000x128xf32, #tpu.memory_space<hbm>>
      %dma_wait3A_584 = arith.constant 0 : i32
      %dma_wait3A_585 = arith.constant 0 : i32
      %dma_wait3A_586 = tpu.memref_slice %dma_wait3A_583[%dma_wait3A_584, %dma_wait3A_585] : memref<10000x128xf32, #tpu.memory_space<hbm>> -> memref<10000x128xf32, #tpu.memory_space<hbm>>
      %dma_wait3A_587 = tpu.memref_slice %arg16[%dma_wait3A_573] : memref<6x!tpu.dma_semaphore, #tpu.memory_space<semaphore_mem>> -> memref<1x!tpu.dma_semaphore, #tpu.memory_space<semaphore_mem>>
      %dma_wait3A_588 = tpu.memref_squeeze %dma_wait3A_587 : memref<1x!tpu.dma_semaphore, #tpu.memory_space<semaphore_mem>> -> memref<!tpu.dma_semaphore, #tpu.memory_space<semaphore_mem>>
      tpu.wait_indirect_dma semaphore(%dma_wait3A_588 : memref<!tpu.dma_semaphore, #tpu.memory_space<semaphore_mem>>) src(%dma_wait3A_586 : memref<10000x128xf32, #tpu.memory_space<hbm>>) dst(%dma_wait3A_576 : memref<40x128xf32, #tpu.memory_space<vmem>>)
      %add3A_589 = arith.constant 0 : i32
      %add3A_590 = arith.addi %add3A_448, %add3A_589 : i32
      %dma_wait3A_591 = arith.constant 1 : i32
      %dma_wait3A_592 = arith.constant 40 : i32
      %dma_wait3A_593 = arith.constant 0 : i32
      %dma_wait3A_594 = tpu.memref_slice %arg13[%dma_wait3A_592, %dma_wait3A_593] : memref<80x128xf32, #tpu.memory_space<vmem>> -> memref<40x128xf32, #tpu.memory_space<vmem>>
      %dma_wait3A_595 = arith.constant 40 : i32
      %dma_wait3A_596 = tpu.memref_slice %arg11[%add3A_590, %dma_wait3A_595] : memref<63x80xi32, #tpu.memory_space<vmem>> -> memref<1x40xi32, #tpu.memory_space<vmem>>
      %dma_wait3A_597 = tpu.memref_squeeze %dma_wait3A_596 : memref<1x40xi32, #tpu.memory_space<vmem>> -> memref<40xi32, #tpu.memory_space<vmem>>
      %dma_wait3A_598 = arith.constant 0 : i32
      %dma_wait3A_599 = arith.constant 0 : i32
      %dma_wait3A_600 = tpu.memref_slice %arg8[%arg0, %dma_wait3A_598, %dma_wait3A_599] : memref<2x10000x128xf32, #tpu.memory_space<hbm>> -> memref<1x10000x128xf32, #tpu.memory_space<hbm>>
      %dma_wait3A_601 = tpu.memref_squeeze %dma_wait3A_600 : memref<1x10000x128xf32, #tpu.memory_space<hbm>> -> memref<10000x128xf32, #tpu.memory_space<hbm>>
      %dma_wait3A_602 = arith.constant 0 : i32
      %dma_wait3A_603 = arith.constant 0 : i32
      %dma_wait3A_604 = tpu.memref_slice %dma_wait3A_601[%dma_wait3A_602, %dma_wait3A_603] : memref<10000x128xf32, #tpu.memory_space<hbm>> -> memref<10000x128xf32, #tpu.memory_space<hbm>>
      %dma_wait3A_605 = tpu.memref_slice %arg16[%dma_wait3A_591] : memref<6x!tpu.dma_semaphore, #tpu.memory_space<semaphore_mem>> -> memref<1x!tpu.dma_semaphore, #tpu.memory_space<semaphore_mem>>
      %dma_wait3A_606 = tpu.memref_squeeze %dma_wait3A_605 : memref<1x!tpu.dma_semaphore, #tpu.memory_space<semaphore_mem>> -> memref<!tpu.dma_semaphore, #tpu.memory_space<semaphore_mem>>
      tpu.wait_indirect_dma semaphore(%dma_wait3A_606 : memref<!tpu.dma_semaphore, #tpu.memory_space<semaphore_mem>>) src(%dma_wait3A_604 : memref<10000x128xf32, #tpu.memory_space<hbm>>) dst(%dma_wait3A_594 : memref<40x128xf32, #tpu.memory_space<vmem>>)
      %add3A_607 = arith.constant 0 : i32
      %add3A_608 = arith.addi %add3A_448, %add3A_607 : i32
      %dma_start3A_609 = arith.constant 0 : i32
      %dma_start3A_610 = arith.constant 0 : i32
      %dma_start3A_611 = tpu.memref_slice %arg12[%add3A_608, %dma_start3A_610] : memref<63x80xi32, #tpu.memory_space<vmem>> -> memref<1x80xi32, #tpu.memory_space<vmem>>
      %dma_start3A_612 = tpu.memref_squeeze %dma_start3A_611 : memref<1x80xi32, #tpu.memory_space<vmem>> -> memref<80xi32, #tpu.memory_space<vmem>>
      %dma_start3A_613 = arith.constant 0 : i32
      %dma_start3A_614 = arith.constant 0 : i32
      %dma_start3A_615 = tpu.memref_slice %arg9[%dma_start3A_613, %dma_start3A_614] : memref<10008x128xf32, #tpu.memory_space<vmem_shared>> -> memref<10008x128xf32, #tpu.memory_space<vmem_shared>>
      %dma_start3A_616 = tpu.memref_slice %arg17[%dma_start3A_609] : memref<3x!tpu.dma_semaphore, #tpu.memory_space<semaphore_mem>> -> memref<1x!tpu.dma_semaphore, #tpu.memory_space<semaphore_mem>>
      %dma_start3A_617 = tpu.memref_squeeze %dma_start3A_616 : memref<1x!tpu.dma_semaphore, #tpu.memory_space<semaphore_mem>> -> memref<!tpu.dma_semaphore, #tpu.memory_space<semaphore_mem>>
      tpu.enqueue_indirect_dma source(%arg13 : memref<80x128xf32, #tpu.memory_space<vmem>>) target(%dma_start3A_615 : memref<10008x128xf32, #tpu.memory_space<vmem_shared>>) offsets(%dma_start3A_612 : memref<80xi32, #tpu.memory_space<vmem>>) semaphore(%dma_start3A_617 : memref<!tpu.dma_semaphore, #tpu.memory_space<semaphore_mem>>) {add = true}
      %add3A_618 = arith.constant 1 : i32
      %add3A_619 = arith.addi %add3A_448, %add3A_618 : i32
      %dma_wait3A_620 = arith.constant 2 : i32
      %dma_wait3A_621 = arith.constant 0 : i32
      %dma_wait3A_622 = arith.constant 0 : i32
      %dma_wait3A_623 = tpu.memref_slice %arg14[%dma_wait3A_621, %dma_wait3A_622] : memref<80x128xf32, #tpu.memory_space<vmem>> -> memref<40x128xf32, #tpu.memory_space<vmem>>
      %dma_wait3A_624 = arith.constant 0 : i32
      %dma_wait3A_625 = tpu.memref_slice %arg11[%add3A_619, %dma_wait3A_624] : memref<63x80xi32, #tpu.memory_space<vmem>> -> memref<1x40xi32, #tpu.memory_space<vmem>>
      %dma_wait3A_626 = tpu.memref_squeeze %dma_wait3A_625 : memref<1x40xi32, #tpu.memory_space<vmem>> -> memref<40xi32, #tpu.memory_space<vmem>>
      %dma_wait3A_627 = arith.constant 0 : i32
      %dma_wait3A_628 = arith.constant 0 : i32
      %dma_wait3A_629 = tpu.memref_slice %arg8[%arg0, %dma_wait3A_627, %dma_wait3A_628] : memref<2x10000x128xf32, #tpu.memory_space<hbm>> -> memref<1x10000x128xf32, #tpu.memory_space<hbm>>
      %dma_wait3A_630 = tpu.memref_squeeze %dma_wait3A_629 : memref<1x10000x128xf32, #tpu.memory_space<hbm>> -> memref<10000x128xf32, #tpu.memory_space<hbm>>
      %dma_wait3A_631 = arith.constant 0 : i32
      %dma_wait3A_632 = arith.constant 0 : i32
      %dma_wait3A_633 = tpu.memref_slice %dma_wait3A_630[%dma_wait3A_631, %dma_wait3A_632] : memref<10000x128xf32, #tpu.memory_space<hbm>> -> memref<10000x128xf32, #tpu.memory_space<hbm>>
      %dma_wait3A_634 = tpu.memref_slice %arg16[%dma_wait3A_620] : memref<6x!tpu.dma_semaphore, #tpu.memory_space<semaphore_mem>> -> memref<1x!tpu.dma_semaphore, #tpu.memory_space<semaphore_mem>>
      %dma_wait3A_635 = tpu.memref_squeeze %dma_wait3A_634 : memref<1x!tpu.dma_semaphore, #tpu.memory_space<semaphore_mem>> -> memref<!tpu.dma_semaphore, #tpu.memory_space<semaphore_mem>>
      tpu.wait_indirect_dma semaphore(%dma_wait3A_635 : memref<!tpu.dma_semaphore, #tpu.memory_space<semaphore_mem>>) src(%dma_wait3A_633 : memref<10000x128xf32, #tpu.memory_space<hbm>>) dst(%dma_wait3A_623 : memref<40x128xf32, #tpu.memory_space<vmem>>)
      %add3A_636 = arith.constant 1 : i32
      %add3A_637 = arith.addi %add3A_448, %add3A_636 : i32
      %dma_wait3A_638 = arith.constant 3 : i32
      %dma_wait3A_639 = arith.constant 40 : i32
      %dma_wait3A_640 = arith.constant 0 : i32
      %dma_wait3A_641 = tpu.memref_slice %arg14[%dma_wait3A_639, %dma_wait3A_640] : memref<80x128xf32, #tpu.memory_space<vmem>> -> memref<40x128xf32, #tpu.memory_space<vmem>>
      %dma_wait3A_642 = arith.constant 40 : i32
      %dma_wait3A_643 = tpu.memref_slice %arg11[%add3A_637, %dma_wait3A_642] : memref<63x80xi32, #tpu.memory_space<vmem>> -> memref<1x40xi32, #tpu.memory_space<vmem>>
      %dma_wait3A_644 = tpu.memref_squeeze %dma_wait3A_643 : memref<1x40xi32, #tpu.memory_space<vmem>> -> memref<40xi32, #tpu.memory_space<vmem>>
      %dma_wait3A_645 = arith.constant 0 : i32
      %dma_wait3A_646 = arith.constant 0 : i32
      %dma_wait3A_647 = tpu.memref_slice %arg8[%arg0, %dma_wait3A_645, %dma_wait3A_646] : memref<2x10000x128xf32, #tpu.memory_space<hbm>> -> memref<1x10000x128xf32, #tpu.memory_space<hbm>>
      %dma_wait3A_648 = tpu.memref_squeeze %dma_wait3A_647 : memref<1x10000x128xf32, #tpu.memory_space<hbm>> -> memref<10000x128xf32, #tpu.memory_space<hbm>>
      %dma_wait3A_649 = arith.constant 0 : i32
      %dma_wait3A_650 = arith.constant 0 : i32
      %dma_wait3A_651 = tpu.memref_slice %dma_wait3A_648[%dma_wait3A_649, %dma_wait3A_650] : memref<10000x128xf32, #tpu.memory_space<hbm>> -> memref<10000x128xf32, #tpu.memory_space<hbm>>
      %dma_wait3A_652 = tpu.memref_slice %arg16[%dma_wait3A_638] : memref<6x!tpu.dma_semaphore, #tpu.memory_space<semaphore_mem>> -> memref<1x!tpu.dma_semaphore, #tpu.memory_space<semaphore_mem>>
      %dma_wait3A_653 = tpu.memref_squeeze %dma_wait3A_652 : memref<1x!tpu.dma_semaphore, #tpu.memory_space<semaphore_mem>> -> memref<!tpu.dma_semaphore, #tpu.memory_space<semaphore_mem>>
      tpu.wait_indirect_dma semaphore(%dma_wait3A_653 : memref<!tpu.dma_semaphore, #tpu.memory_space<semaphore_mem>>) src(%dma_wait3A_651 : memref<10000x128xf32, #tpu.memory_space<hbm>>) dst(%dma_wait3A_641 : memref<40x128xf32, #tpu.memory_space<vmem>>)
      %add3A_654 = arith.constant 1 : i32
      %add3A_655 = arith.addi %add3A_448, %add3A_654 : i32
      %dma_start3A_656 = arith.constant 1 : i32
      %dma_start3A_657 = arith.constant 0 : i32
      %dma_start3A_658 = tpu.memref_slice %arg12[%add3A_655, %dma_start3A_657] : memref<63x80xi32, #tpu.memory_space<vmem>> -> memref<1x80xi32, #tpu.memory_space<vmem>>
      %dma_start3A_659 = tpu.memref_squeeze %dma_start3A_658 : memref<1x80xi32, #tpu.memory_space<vmem>> -> memref<80xi32, #tpu.memory_space<vmem>>
      %dma_start3A_660 = arith.constant 0 : i32
      %dma_start3A_661 = arith.constant 0 : i32
      %dma_start3A_662 = tpu.memref_slice %arg9[%dma_start3A_660, %dma_start3A_661] : memref<10008x128xf32, #tpu.memory_space<vmem_shared>> -> memref<10008x128xf32, #tpu.memory_space<vmem_shared>>
      %dma_start3A_663 = tpu.memref_slice %arg17[%dma_start3A_656] : memref<3x!tpu.dma_semaphore, #tpu.memory_space<semaphore_mem>> -> memref<1x!tpu.dma_semaphore, #tpu.memory_space<semaphore_mem>>
      %dma_start3A_664 = tpu.memref_squeeze %dma_start3A_663 : memref<1x!tpu.dma_semaphore, #tpu.memory_space<semaphore_mem>> -> memref<!tpu.dma_semaphore, #tpu.memory_space<semaphore_mem>>
      tpu.enqueue_indirect_dma source(%arg14 : memref<80x128xf32, #tpu.memory_space<vmem>>) target(%dma_start3A_662 : memref<10008x128xf32, #tpu.memory_space<vmem_shared>>) offsets(%dma_start3A_659 : memref<80xi32, #tpu.memory_space<vmem>>) semaphore(%dma_start3A_664 : memref<!tpu.dma_semaphore, #tpu.memory_space<semaphore_mem>>) {add = true}
      %add3A_665 = arith.constant 2 : i32
      %add3A_666 = arith.addi %add3A_448, %add3A_665 : i32
      %dma_wait3A_667 = arith.constant 4 : i32
      %dma_wait3A_668 = arith.constant 0 : i32
      %dma_wait3A_669 = arith.constant 0 : i32
      %dma_wait3A_670 = tpu.memref_slice %arg15[%dma_wait3A_668, %dma_wait3A_669] : memref<80x128xf32, #tpu.memory_space<vmem>> -> memref<40x128xf32, #tpu.memory_space<vmem>>
      %dma_wait3A_671 = arith.constant 0 : i32
      %dma_wait3A_672 = tpu.memref_slice %arg11[%add3A_666, %dma_wait3A_671] : memref<63x80xi32, #tpu.memory_space<vmem>> -> memref<1x40xi32, #tpu.memory_space<vmem>>
      %dma_wait3A_673 = tpu.memref_squeeze %dma_wait3A_672 : memref<1x40xi32, #tpu.memory_space<vmem>> -> memref<40xi32, #tpu.memory_space<vmem>>
      %dma_wait3A_674 = arith.constant 0 : i32
      %dma_wait3A_675 = arith.constant 0 : i32
      %dma_wait3A_676 = tpu.memref_slice %arg8[%arg0, %dma_wait3A_674, %dma_wait3A_675] : memref<2x10000x128xf32, #tpu.memory_space<hbm>> -> memref<1x10000x128xf32, #tpu.memory_space<hbm>>
      %dma_wait3A_677 = tpu.memref_squeeze %dma_wait3A_676 : memref<1x10000x128xf32, #tpu.memory_space<hbm>> -> memref<10000x128xf32, #tpu.memory_space<hbm>>
      %dma_wait3A_678 = arith.constant 0 : i32
      %dma_wait3A_679 = arith.constant 0 : i32
      %dma_wait3A_680 = tpu.memref_slice %dma_wait3A_677[%dma_wait3A_678, %dma_wait3A_679] : memref<10000x128xf32, #tpu.memory_space<hbm>> -> memref<10000x128xf32, #tpu.memory_space<hbm>>
      %dma_wait3A_681 = tpu.memref_slice %arg16[%dma_wait3A_667] : memref<6x!tpu.dma_semaphore, #tpu.memory_space<semaphore_mem>> -> memref<1x!tpu.dma_semaphore, #tpu.memory_space<semaphore_mem>>
      %dma_wait3A_682 = tpu.memref_squeeze %dma_wait3A_681 : memref<1x!tpu.dma_semaphore, #tpu.memory_space<semaphore_mem>> -> memref<!tpu.dma_semaphore, #tpu.memory_space<semaphore_mem>>
      tpu.wait_indirect_dma semaphore(%dma_wait3A_682 : memref<!tpu.dma_semaphore, #tpu.memory_space<semaphore_mem>>) src(%dma_wait3A_680 : memref<10000x128xf32, #tpu.memory_space<hbm>>) dst(%dma_wait3A_670 : memref<40x128xf32, #tpu.memory_space<vmem>>)
      %add3A_683 = arith.constant 2 : i32
      %add3A_684 = arith.addi %add3A_448, %add3A_683 : i32
      %dma_wait3A_685 = arith.constant 5 : i32
      %dma_wait3A_686 = arith.constant 40 : i32
      %dma_wait3A_687 = arith.constant 0 : i32
      %dma_wait3A_688 = tpu.memref_slice %arg15[%dma_wait3A_686, %dma_wait3A_687] : memref<80x128xf32, #tpu.memory_space<vmem>> -> memref<40x128xf32, #tpu.memory_space<vmem>>
      %dma_wait3A_689 = arith.constant 40 : i32
      %dma_wait3A_690 = tpu.memref_slice %arg11[%add3A_684, %dma_wait3A_689] : memref<63x80xi32, #tpu.memory_space<vmem>> -> memref<1x40xi32, #tpu.memory_space<vmem>>
      %dma_wait3A_691 = tpu.memref_squeeze %dma_wait3A_690 : memref<1x40xi32, #tpu.memory_space<vmem>> -> memref<40xi32, #tpu.memory_space<vmem>>
      %dma_wait3A_692 = arith.constant 0 : i32
      %dma_wait3A_693 = arith.constant 0 : i32
      %dma_wait3A_694 = tpu.memref_slice %arg8[%arg0, %dma_wait3A_692, %dma_wait3A_693] : memref<2x10000x128xf32, #tpu.memory_space<hbm>> -> memref<1x10000x128xf32, #tpu.memory_space<hbm>>
      %dma_wait3A_695 = tpu.memref_squeeze %dma_wait3A_694 : memref<1x10000x128xf32, #tpu.memory_space<hbm>> -> memref<10000x128xf32, #tpu.memory_space<hbm>>
      %dma_wait3A_696 = arith.constant 0 : i32
      %dma_wait3A_697 = arith.constant 0 : i32
      %dma_wait3A_698 = tpu.memref_slice %dma_wait3A_695[%dma_wait3A_696, %dma_wait3A_697] : memref<10000x128xf32, #tpu.memory_space<hbm>> -> memref<10000x128xf32, #tpu.memory_space<hbm>>
      %dma_wait3A_699 = tpu.memref_slice %arg16[%dma_wait3A_685] : memref<6x!tpu.dma_semaphore, #tpu.memory_space<semaphore_mem>> -> memref<1x!tpu.dma_semaphore, #tpu.memory_space<semaphore_mem>>
      %dma_wait3A_700 = tpu.memref_squeeze %dma_wait3A_699 : memref<1x!tpu.dma_semaphore, #tpu.memory_space<semaphore_mem>> -> memref<!tpu.dma_semaphore, #tpu.memory_space<semaphore_mem>>
      tpu.wait_indirect_dma semaphore(%dma_wait3A_700 : memref<!tpu.dma_semaphore, #tpu.memory_space<semaphore_mem>>) src(%dma_wait3A_698 : memref<10000x128xf32, #tpu.memory_space<hbm>>) dst(%dma_wait3A_688 : memref<40x128xf32, #tpu.memory_space<vmem>>)
      %add3A_701 = arith.constant 2 : i32
      %add3A_702 = arith.addi %add3A_448, %add3A_701 : i32
      %dma_start3A_703 = arith.constant 2 : i32
      %dma_start3A_704 = arith.constant 0 : i32
      %dma_start3A_705 = tpu.memref_slice %arg12[%add3A_702, %dma_start3A_704] : memref<63x80xi32, #tpu.memory_space<vmem>> -> memref<1x80xi32, #tpu.memory_space<vmem>>
      %dma_start3A_706 = tpu.memref_squeeze %dma_start3A_705 : memref<1x80xi32, #tpu.memory_space<vmem>> -> memref<80xi32, #tpu.memory_space<vmem>>
      %dma_start3A_707 = arith.constant 0 : i32
      %dma_start3A_708 = arith.constant 0 : i32
      %dma_start3A_709 = tpu.memref_slice %arg9[%dma_start3A_707, %dma_start3A_708] : memref<10008x128xf32, #tpu.memory_space<vmem_shared>> -> memref<10008x128xf32, #tpu.memory_space<vmem_shared>>
      %dma_start3A_710 = tpu.memref_slice %arg17[%dma_start3A_703] : memref<3x!tpu.dma_semaphore, #tpu.memory_space<semaphore_mem>> -> memref<1x!tpu.dma_semaphore, #tpu.memory_space<semaphore_mem>>
      %dma_start3A_711 = tpu.memref_squeeze %dma_start3A_710 : memref<1x!tpu.dma_semaphore, #tpu.memory_space<semaphore_mem>> -> memref<!tpu.dma_semaphore, #tpu.memory_space<semaphore_mem>>
      tpu.enqueue_indirect_dma source(%arg15 : memref<80x128xf32, #tpu.memory_space<vmem>>) target(%dma_start3A_709 : memref<10008x128xf32, #tpu.memory_space<vmem_shared>>) offsets(%dma_start3A_706 : memref<80xi32, #tpu.memory_space<vmem>>) semaphore(%dma_start3A_711 : memref<!tpu.dma_semaphore, #tpu.memory_space<semaphore_mem>>) {add = true}
    }
    %scan3A_356 = arith.constant 21 : i32
    %dma_wait3A_357 = arith.constant 60 : i32
    %dma_wait3A_358 = arith.constant 0 : i32
    %dma_wait3A_359 = arith.constant 0 : i32
    %dma_wait3A_360 = tpu.memref_slice %arg12[%dma_wait3A_357, %dma_wait3A_359] : memref<63x80xi32, #tpu.memory_space<vmem>> -> memref<1x80xi32, #tpu.memory_space<vmem>>
    %dma_wait3A_361 = tpu.memref_squeeze %dma_wait3A_360 : memref<1x80xi32, #tpu.memory_space<vmem>> -> memref<80xi32, #tpu.memory_space<vmem>>
    %dma_wait3A_362 = arith.constant 0 : i32
    %dma_wait3A_363 = arith.constant 0 : i32
    %dma_wait3A_364 = tpu.memref_slice %arg9[%dma_wait3A_362, %dma_wait3A_363] : memref<10008x128xf32, #tpu.memory_space<vmem_shared>> -> memref<10008x128xf32, #tpu.memory_space<vmem_shared>>
    %dma_wait3A_365 = tpu.memref_slice %arg17[%dma_wait3A_358] : memref<3x!tpu.dma_semaphore, #tpu.memory_space<semaphore_mem>> -> memref<1x!tpu.dma_semaphore, #tpu.memory_space<semaphore_mem>>
    %dma_wait3A_366 = tpu.memref_squeeze %dma_wait3A_365 : memref<1x!tpu.dma_semaphore, #tpu.memory_space<semaphore_mem>> -> memref<!tpu.dma_semaphore, #tpu.memory_space<semaphore_mem>>
    tpu.wait_indirect_dma semaphore(%dma_wait3A_366 : memref<!tpu.dma_semaphore, #tpu.memory_space<semaphore_mem>>) src(%arg13 : memref<80x128xf32, #tpu.memory_space<vmem>>) dst(%dma_wait3A_364 : memref<10008x128xf32, #tpu.memory_space<vmem_shared>>)
    %dma_wait3A_367 = arith.constant 61 : i32
    %dma_wait3A_368 = arith.constant 1 : i32
    %dma_wait3A_369 = arith.constant 0 : i32
    %dma_wait3A_370 = tpu.memref_slice %arg12[%dma_wait3A_367, %dma_wait3A_369] : memref<63x80xi32, #tpu.memory_space<vmem>> -> memref<1x80xi32, #tpu.memory_space<vmem>>
    %dma_wait3A_371 = tpu.memref_squeeze %dma_wait3A_370 : memref<1x80xi32, #tpu.memory_space<vmem>> -> memref<80xi32, #tpu.memory_space<vmem>>
    %dma_wait3A_372 = arith.constant 0 : i32
    %dma_wait3A_373 = arith.constant 0 : i32
    %dma_wait3A_374 = tpu.memref_slice %arg9[%dma_wait3A_372, %dma_wait3A_373] : memref<10008x128xf32, #tpu.memory_space<vmem_shared>> -> memref<10008x128xf32, #tpu.memory_space<vmem_shared>>
    %dma_wait3A_375 = tpu.memref_slice %arg17[%dma_wait3A_368] : memref<3x!tpu.dma_semaphore, #tpu.memory_space<semaphore_mem>> -> memref<1x!tpu.dma_semaphore, #tpu.memory_space<semaphore_mem>>
    %dma_wait3A_376 = tpu.memref_squeeze %dma_wait3A_375 : memref<1x!tpu.dma_semaphore, #tpu.memory_space<semaphore_mem>> -> memref<!tpu.dma_semaphore, #tpu.memory_space<semaphore_mem>>
    tpu.wait_indirect_dma semaphore(%dma_wait3A_376 : memref<!tpu.dma_semaphore, #tpu.memory_space<semaphore_mem>>) src(%arg14 : memref<80x128xf32, #tpu.memory_space<vmem>>) dst(%dma_wait3A_374 : memref<10008x128xf32, #tpu.memory_space<vmem_shared>>)
    %dma_wait3A_377 = arith.constant 62 : i32
    %dma_wait3A_378 = arith.constant 2 : i32
    %dma_wait3A_379 = arith.constant 0 : i32
    %dma_wait3A_380 = tpu.memref_slice %arg12[%dma_wait3A_377, %dma_wait3A_379] : memref<63x80xi32, #tpu.memory_space<vmem>> -> memref<1x80xi32, #tpu.memory_space<vmem>>
    %dma_wait3A_381 = tpu.memref_squeeze %dma_wait3A_380 : memref<1x80xi32, #tpu.memory_space<vmem>> -> memref<80xi32, #tpu.memory_space<vmem>>
    %dma_wait3A_382 = arith.constant 0 : i32
    %dma_wait3A_383 = arith.constant 0 : i32
    %dma_wait3A_384 = tpu.memref_slice %arg9[%dma_wait3A_382, %dma_wait3A_383] : memref<10008x128xf32, #tpu.memory_space<vmem_shared>> -> memref<10008x128xf32, #tpu.memory_space<vmem_shared>>
    %dma_wait3A_385 = tpu.memref_slice %arg17[%dma_wait3A_378] : memref<3x!tpu.dma_semaphore, #tpu.memory_space<semaphore_mem>> -> memref<1x!tpu.dma_semaphore, #tpu.memory_space<semaphore_mem>>
    %dma_wait3A_386 = tpu.memref_squeeze %dma_wait3A_385 : memref<1x!tpu.dma_semaphore, #tpu.memory_space<semaphore_mem>> -> memref<!tpu.dma_semaphore, #tpu.memory_space<semaphore_mem>>
    tpu.wait_indirect_dma semaphore(%dma_wait3A_386 : memref<!tpu.dma_semaphore, #tpu.memory_space<semaphore_mem>>) src(%arg15 : memref<80x128xf32, #tpu.memory_space<vmem>>) dst(%dma_wait3A_384 : memref<10008x128xf32, #tpu.memory_space<vmem_shared>>)
    %barrier3A_387 = arith.constant 0 : index
    tpu.barrier barrier_id(%barrier3A_387)
    %add3A_388 = arith.constant 0 : i32
    %add3A_389 = arith.addi %mul3A_0, %add3A_388 : i32
    %lt3A_390 = arith.constant 10000 : i32
    %lt3A_391 = arith.cmpi slt, %add3A_389, %lt3A_390 : i32
    %convert_element_type3A_392 = arith.extui %lt3A_391 : i1 to i32
    %cond3A_393 = arith.constant 0 : i32
    %cond3A_394 = arith.cmpi ne, %convert_element_type3A_392, %cond3A_393 : i32
    scf.if %cond3A_394 {
      %mul3A_444 = arith.constant 128 : i32
      %mul3A_445 = arith.muli %arg0, %mul3A_444 : i32
      "tpu.region"() ({
        %run_scoped3A_446 = tpu.sem_alloc : memref<!tpu.dma_semaphore, #tpu.memory_space<semaphore_mem>>
        %dma_start3A_447 = tpu.memref_slice %arg7[%add3A_389, %mul3A_445] : memref<10000x256xf32, #tpu.memory_space<hbm>> -> memref<80x128xf32, #tpu.memory_space<hbm>>
        %dma_start3A_448 = arith.constant 0 : i32
        %dma_start3A_449 = tpu.memref_slice %arg9[%add3A_389, %dma_start3A_448] : memref<10008x128xf32, #tpu.memory_space<vmem_shared>> -> memref<80x128xf32, #tpu.memory_space<vmem_shared>>
        tpu.enqueue_dma source(%dma_start3A_449 : memref<80x128xf32, #tpu.memory_space<vmem_shared>>) target(%dma_start3A_447 : memref<80x128xf32, #tpu.memory_space<hbm>>) target_semaphore(%run_scoped3A_446 : memref<!tpu.dma_semaphore, #tpu.memory_space<semaphore_mem>>)
        %dma_wait3A_450 = tpu.memref_slice %arg7[%add3A_389, %mul3A_445] : memref<10000x256xf32, #tpu.memory_space<hbm>> -> memref<80x128xf32, #tpu.memory_space<hbm>>
        %dma_wait3A_451 = arith.constant 0 : i32
        %dma_wait3A_452 = tpu.memref_slice %arg9[%add3A_389, %dma_wait3A_451] : memref<10008x128xf32, #tpu.memory_space<vmem_shared>> -> memref<80x128xf32, #tpu.memory_space<vmem_shared>>
        tpu.wait_dma2 semaphore(%run_scoped3A_446 : memref<!tpu.dma_semaphore, #tpu.memory_space<semaphore_mem>>) src(%dma_wait3A_452 : memref<80x128xf32, #tpu.memory_space<vmem_shared>>) dst(%dma_wait3A_450 : memref<80x128xf32, #tpu.memory_space<hbm>>)
        tpu.yield
      }) : () -> ()
    } else {
    }
    %add3A_395 = arith.constant 80 : i32
    %add3A_396 = arith.addi %mul3A_0, %add3A_395 : i32
    %lt3A_397 = arith.constant 10000 : i32
    %lt3A_398 = arith.cmpi slt, %add3A_396, %lt3A_397 : i32
    %convert_element_type3A_399 = arith.extui %lt3A_398 : i1 to i32
    %cond3A_400 = arith.constant 0 : i32
    %cond3A_401 = arith.cmpi ne, %convert_element_type3A_399, %cond3A_400 : i32
    scf.if %cond3A_401 {
      %mul3A_444 = arith.constant 128 : i32
      %mul3A_445 = arith.muli %arg0, %mul3A_444 : i32
      "tpu.region"() ({
        %run_scoped3A_446 = tpu.sem_alloc : memref<!tpu.dma_semaphore, #tpu.memory_space<semaphore_mem>>
        %dma_start3A_447 = tpu.memref_slice %arg7[%add3A_396, %mul3A_445] : memref<10000x256xf32, #tpu.memory_space<hbm>> -> memref<80x128xf32, #tpu.memory_space<hbm>>
        %dma_start3A_448 = arith.constant 0 : i32
        %dma_start3A_449 = tpu.memref_slice %arg9[%add3A_396, %dma_start3A_448] : memref<10008x128xf32, #tpu.memory_space<vmem_shared>> -> memref<80x128xf32, #tpu.memory_space<vmem_shared>>
        tpu.enqueue_dma source(%dma_start3A_449 : memref<80x128xf32, #tpu.memory_space<vmem_shared>>) target(%dma_start3A_447 : memref<80x128xf32, #tpu.memory_space<hbm>>) target_semaphore(%run_scoped3A_446 : memref<!tpu.dma_semaphore, #tpu.memory_space<semaphore_mem>>)
        %dma_wait3A_450 = tpu.memref_slice %arg7[%add3A_396, %mul3A_445] : memref<10000x256xf32, #tpu.memory_space<hbm>> -> memref<80x128xf32, #tpu.memory_space<hbm>>
        %dma_wait3A_451 = arith.constant 0 : i32
        %dma_wait3A_452 = tpu.memref_slice %arg9[%add3A_396, %dma_wait3A_451] : memref<10008x128xf32, #tpu.memory_space<vmem_shared>> -> memref<80x128xf32, #tpu.memory_space<vmem_shared>>
        tpu.wait_dma2 semaphore(%run_scoped3A_446 : memref<!tpu.dma_semaphore, #tpu.memory_space<semaphore_mem>>) src(%dma_wait3A_452 : memref<80x128xf32, #tpu.memory_space<vmem_shared>>) dst(%dma_wait3A_450 : memref<80x128xf32, #tpu.memory_space<hbm>>)
        tpu.yield
      }) : () -> ()
    } else {
    }
    %add3A_402 = arith.constant 160 : i32
    %add3A_403 = arith.addi %mul3A_0, %add3A_402 : i32
    %lt3A_404 = arith.constant 10000 : i32
    %lt3A_405 = arith.cmpi slt, %add3A_403, %lt3A_404 : i32
    %convert_element_type3A_406 = arith.extui %lt3A_405 : i1 to i32
    %cond3A_407 = arith.constant 0 : i32
    %cond3A_408 = arith.cmpi ne, %convert_element_type3A_406, %cond3A_407 : i32
    scf.if %cond3A_408 {
      %mul3A_444 = arith.constant 128 : i32
      %mul3A_445 = arith.muli %arg0, %mul3A_444 : i32
      "tpu.region"() ({
        %run_scoped3A_446 = tpu.sem_alloc : memref<!tpu.dma_semaphore, #tpu.memory_space<semaphore_mem>>
        %dma_start3A_447 = tpu.memref_slice %arg7[%add3A_403, %mul3A_445] : memref<10000x256xf32, #tpu.memory_space<hbm>> -> memref<80x128xf32, #tpu.memory_space<hbm>>
        %dma_start3A_448 = arith.constant 0 : i32
        %dma_start3A_449 = tpu.memref_slice %arg9[%add3A_403, %dma_start3A_448] : memref<10008x128xf32, #tpu.memory_space<vmem_shared>> -> memref<80x128xf32, #tpu.memory_space<vmem_shared>>
        tpu.enqueue_dma source(%dma_start3A_449 : memref<80x128xf32, #tpu.memory_space<vmem_shared>>) target(%dma_start3A_447 : memref<80x128xf32, #tpu.memory_space<hbm>>) target_semaphore(%run_scoped3A_446 : memref<!tpu.dma_semaphore, #tpu.memory_space<semaphore_mem>>)
        %dma_wait3A_450 = tpu.memref_slice %arg7[%add3A_403, %mul3A_445] : memref<10000x256xf32, #tpu.memory_space<hbm>> -> memref<80x128xf32, #tpu.memory_space<hbm>>
        %dma_wait3A_451 = arith.constant 0 : i32
        %dma_wait3A_452 = tpu.memref_slice %arg9[%add3A_403, %dma_wait3A_451] : memref<10008x128xf32, #tpu.memory_space<vmem_shared>> -> memref<80x128xf32, #tpu.memory_space<vmem_shared>>
        tpu.wait_dma2 semaphore(%run_scoped3A_446 : memref<!tpu.dma_semaphore, #tpu.memory_space<semaphore_mem>>) src(%dma_wait3A_452 : memref<80x128xf32, #tpu.memory_space<vmem_shared>>) dst(%dma_wait3A_450 : memref<80x128xf32, #tpu.memory_space<hbm>>)
        tpu.yield
      }) : () -> ()
    } else {
    }
    %add3A_409 = arith.constant 240 : i32
    %add3A_410 = arith.addi %mul3A_0, %add3A_409 : i32
    %lt3A_411 = arith.constant 10000 : i32
    %lt3A_412 = arith.cmpi slt, %add3A_410, %lt3A_411 : i32
    %convert_element_type3A_413 = arith.extui %lt3A_412 : i1 to i32
    %cond3A_414 = arith.constant 0 : i32
    %cond3A_415 = arith.cmpi ne, %convert_element_type3A_413, %cond3A_414 : i32
    scf.if %cond3A_415 {
      %mul3A_444 = arith.constant 128 : i32
      %mul3A_445 = arith.muli %arg0, %mul3A_444 : i32
      "tpu.region"() ({
        %run_scoped3A_446 = tpu.sem_alloc : memref<!tpu.dma_semaphore, #tpu.memory_space<semaphore_mem>>
        %dma_start3A_447 = tpu.memref_slice %arg7[%add3A_410, %mul3A_445] : memref<10000x256xf32, #tpu.memory_space<hbm>> -> memref<80x128xf32, #tpu.memory_space<hbm>>
        %dma_start3A_448 = arith.constant 0 : i32
        %dma_start3A_449 = tpu.memref_slice %arg9[%add3A_410, %dma_start3A_448] : memref<10008x128xf32, #tpu.memory_space<vmem_shared>> -> memref<80x128xf32, #tpu.memory_space<vmem_shared>>
        tpu.enqueue_dma source(%dma_start3A_449 : memref<80x128xf32, #tpu.memory_space<vmem_shared>>) target(%dma_start3A_447 : memref<80x128xf32, #tpu.memory_space<hbm>>) target_semaphore(%run_scoped3A_446 : memref<!tpu.dma_semaphore, #tpu.memory_space<semaphore_mem>>)
        %dma_wait3A_450 = tpu.memref_slice %arg7[%add3A_410, %mul3A_445] : memref<10000x256xf32, #tpu.memory_space<hbm>> -> memref<80x128xf32, #tpu.memory_space<hbm>>
        %dma_wait3A_451 = arith.constant 0 : i32
        %dma_wait3A_452 = tpu.memref_slice %arg9[%add3A_410, %dma_wait3A_451] : memref<10008x128xf32, #tpu.memory_space<vmem_shared>> -> memref<80x128xf32, #tpu.memory_space<vmem_shared>>
        tpu.wait_dma2 semaphore(%run_scoped3A_446 : memref<!tpu.dma_semaphore, #tpu.memory_space<semaphore_mem>>) src(%dma_wait3A_452 : memref<80x128xf32, #tpu.memory_space<vmem_shared>>) dst(%dma_wait3A_450 : memref<80x128xf32, #tpu.memory_space<hbm>>)
        tpu.yield
      }) : () -> ()
    } else {
    }
    %add3A_416 = arith.constant 320 : i32
    %add3A_417 = arith.addi %mul3A_0, %add3A_416 : i32
    %lt3A_418 = arith.constant 10000 : i32
    %lt3A_419 = arith.cmpi slt, %add3A_417, %lt3A_418 : i32
    %convert_element_type3A_420 = arith.extui %lt3A_419 : i1 to i32
    %cond3A_421 = arith.constant 0 : i32
    %cond3A_422 = arith.cmpi ne, %convert_element_type3A_420, %cond3A_421 : i32
    scf.if %cond3A_422 {
      %mul3A_444 = arith.constant 128 : i32
      %mul3A_445 = arith.muli %arg0, %mul3A_444 : i32
      "tpu.region"() ({
        %run_scoped3A_446 = tpu.sem_alloc : memref<!tpu.dma_semaphore, #tpu.memory_space<semaphore_mem>>
        %dma_start3A_447 = tpu.memref_slice %arg7[%add3A_417, %mul3A_445] : memref<10000x256xf32, #tpu.memory_space<hbm>> -> memref<80x128xf32, #tpu.memory_space<hbm>>
        %dma_start3A_448 = arith.constant 0 : i32
        %dma_start3A_449 = tpu.memref_slice %arg9[%add3A_417, %dma_start3A_448] : memref<10008x128xf32, #tpu.memory_space<vmem_shared>> -> memref<80x128xf32, #tpu.memory_space<vmem_shared>>
        tpu.enqueue_dma source(%dma_start3A_449 : memref<80x128xf32, #tpu.memory_space<vmem_shared>>) target(%dma_start3A_447 : memref<80x128xf32, #tpu.memory_space<hbm>>) target_semaphore(%run_scoped3A_446 : memref<!tpu.dma_semaphore, #tpu.memory_space<semaphore_mem>>)
        %dma_wait3A_450 = tpu.memref_slice %arg7[%add3A_417, %mul3A_445] : memref<10000x256xf32, #tpu.memory_space<hbm>> -> memref<80x128xf32, #tpu.memory_space<hbm>>
        %dma_wait3A_451 = arith.constant 0 : i32
        %dma_wait3A_452 = tpu.memref_slice %arg9[%add3A_417, %dma_wait3A_451] : memref<10008x128xf32, #tpu.memory_space<vmem_shared>> -> memref<80x128xf32, #tpu.memory_space<vmem_shared>>
        tpu.wait_dma2 semaphore(%run_scoped3A_446 : memref<!tpu.dma_semaphore, #tpu.memory_space<semaphore_mem>>) src(%dma_wait3A_452 : memref<80x128xf32, #tpu.memory_space<vmem_shared>>) dst(%dma_wait3A_450 : memref<80x128xf32, #tpu.memory_space<hbm>>)
        tpu.yield
      }) : () -> ()
    } else {
    }
    %add3A_423 = arith.constant 400 : i32
    %add3A_424 = arith.addi %mul3A_0, %add3A_423 : i32
    %lt3A_425 = arith.constant 10000 : i32
    %lt3A_426 = arith.cmpi slt, %add3A_424, %lt3A_425 : i32
    %convert_element_type3A_427 = arith.extui %lt3A_426 : i1 to i32
    %cond3A_428 = arith.constant 0 : i32
    %cond3A_429 = arith.cmpi ne, %convert_element_type3A_427, %cond3A_428 : i32
    scf.if %cond3A_429 {
      %mul3A_444 = arith.constant 128 : i32
      %mul3A_445 = arith.muli %arg0, %mul3A_444 : i32
      "tpu.region"() ({
        %run_scoped3A_446 = tpu.sem_alloc : memref<!tpu.dma_semaphore, #tpu.memory_space<semaphore_mem>>
        %dma_start3A_447 = tpu.memref_slice %arg7[%add3A_424, %mul3A_445] : memref<10000x256xf32, #tpu.memory_space<hbm>> -> memref<80x128xf32, #tpu.memory_space<hbm>>
        %dma_start3A_448 = arith.constant 0 : i32
        %dma_start3A_449 = tpu.memref_slice %arg9[%add3A_424, %dma_start3A_448] : memref<10008x128xf32, #tpu.memory_space<vmem_shared>> -> memref<80x128xf32, #tpu.memory_space<vmem_shared>>
        tpu.enqueue_dma source(%dma_start3A_449 : memref<80x128xf32, #tpu.memory_space<vmem_shared>>) target(%dma_start3A_447 : memref<80x128xf32, #tpu.memory_space<hbm>>) target_semaphore(%run_scoped3A_446 : memref<!tpu.dma_semaphore, #tpu.memory_space<semaphore_mem>>)
        %dma_wait3A_450 = tpu.memref_slice %arg7[%add3A_424, %mul3A_445] : memref<10000x256xf32, #tpu.memory_space<hbm>> -> memref<80x128xf32, #tpu.memory_space<hbm>>
        %dma_wait3A_451 = arith.constant 0 : i32
        %dma_wait3A_452 = tpu.memref_slice %arg9[%add3A_424, %dma_wait3A_451] : memref<10008x128xf32, #tpu.memory_space<vmem_shared>> -> memref<80x128xf32, #tpu.memory_space<vmem_shared>>
        tpu.wait_dma2 semaphore(%run_scoped3A_446 : memref<!tpu.dma_semaphore, #tpu.memory_space<semaphore_mem>>) src(%dma_wait3A_452 : memref<80x128xf32, #tpu.memory_space<vmem_shared>>) dst(%dma_wait3A_450 : memref<80x128xf32, #tpu.memory_space<hbm>>)
        tpu.yield
      }) : () -> ()
    } else {
    }
    %add3A_430 = arith.constant 480 : i32
    %add3A_431 = arith.addi %mul3A_0, %add3A_430 : i32
    %lt3A_432 = arith.constant 10000 : i32
    %lt3A_433 = arith.cmpi slt, %add3A_431, %lt3A_432 : i32
    %convert_element_type3A_434 = arith.extui %lt3A_433 : i1 to i32
    %cond3A_435 = arith.constant 0 : i32
    %cond3A_436 = arith.cmpi ne, %convert_element_type3A_434, %cond3A_435 : i32
    scf.if %cond3A_436 {
      %mul3A_444 = arith.constant 128 : i32
      %mul3A_445 = arith.muli %arg0, %mul3A_444 : i32
      "tpu.region"() ({
        %run_scoped3A_446 = tpu.sem_alloc : memref<!tpu.dma_semaphore, #tpu.memory_space<semaphore_mem>>
        %dma_start3A_447 = tpu.memref_slice %arg7[%add3A_431, %mul3A_445] : memref<10000x256xf32, #tpu.memory_space<hbm>> -> memref<80x128xf32, #tpu.memory_space<hbm>>
        %dma_start3A_448 = arith.constant 0 : i32
        %dma_start3A_449 = tpu.memref_slice %arg9[%add3A_431, %dma_start3A_448] : memref<10008x128xf32, #tpu.memory_space<vmem_shared>> -> memref<80x128xf32, #tpu.memory_space<vmem_shared>>
        tpu.enqueue_dma source(%dma_start3A_449 : memref<80x128xf32, #tpu.memory_space<vmem_shared>>) target(%dma_start3A_447 : memref<80x128xf32, #tpu.memory_space<hbm>>) target_semaphore(%run_scoped3A_446 : memref<!tpu.dma_semaphore, #tpu.memory_space<semaphore_mem>>)
        %dma_wait3A_450 = tpu.memref_slice %arg7[%add3A_431, %mul3A_445] : memref<10000x256xf32, #tpu.memory_space<hbm>> -> memref<80x128xf32, #tpu.memory_space<hbm>>
        %dma_wait3A_451 = arith.constant 0 : i32
        %dma_wait3A_452 = tpu.memref_slice %arg9[%add3A_431, %dma_wait3A_451] : memref<10008x128xf32, #tpu.memory_space<vmem_shared>> -> memref<80x128xf32, #tpu.memory_space<vmem_shared>>
        tpu.wait_dma2 semaphore(%run_scoped3A_446 : memref<!tpu.dma_semaphore, #tpu.memory_space<semaphore_mem>>) src(%dma_wait3A_452 : memref<80x128xf32, #tpu.memory_space<vmem_shared>>) dst(%dma_wait3A_450 : memref<80x128xf32, #tpu.memory_space<hbm>>)
        tpu.yield
      }) : () -> ()
    } else {
    }
    %add3A_437 = arith.constant 560 : i32
    %add3A_438 = arith.addi %mul3A_0, %add3A_437 : i32
    %lt3A_439 = arith.constant 10000 : i32
    %lt3A_440 = arith.cmpi slt, %add3A_438, %lt3A_439 : i32
    %convert_element_type3A_441 = arith.extui %lt3A_440 : i1 to i32
    %cond3A_442 = arith.constant 0 : i32
    %cond3A_443 = arith.cmpi ne, %convert_element_type3A_441, %cond3A_442 : i32
    scf.if %cond3A_443 {
      %mul3A_444 = arith.constant 128 : i32
      %mul3A_445 = arith.muli %arg0, %mul3A_444 : i32
      "tpu.region"() ({
        %run_scoped3A_446 = tpu.sem_alloc : memref<!tpu.dma_semaphore, #tpu.memory_space<semaphore_mem>>
        %dma_start3A_447 = tpu.memref_slice %arg7[%add3A_438, %mul3A_445] : memref<10000x256xf32, #tpu.memory_space<hbm>> -> memref<80x128xf32, #tpu.memory_space<hbm>>
        %dma_start3A_448 = arith.constant 0 : i32
        %dma_start3A_449 = tpu.memref_slice %arg9[%add3A_438, %dma_start3A_448] : memref<10008x128xf32, #tpu.memory_space<vmem_shared>> -> memref<80x128xf32, #tpu.memory_space<vmem_shared>>
        tpu.enqueue_dma source(%dma_start3A_449 : memref<80x128xf32, #tpu.memory_space<vmem_shared>>) target(%dma_start3A_447 : memref<80x128xf32, #tpu.memory_space<hbm>>) target_semaphore(%run_scoped3A_446 : memref<!tpu.dma_semaphore, #tpu.memory_space<semaphore_mem>>)
        %dma_wait3A_450 = tpu.memref_slice %arg7[%add3A_438, %mul3A_445] : memref<10000x256xf32, #tpu.memory_space<hbm>> -> memref<80x128xf32, #tpu.memory_space<hbm>>
        %dma_wait3A_451 = arith.constant 0 : i32
        %dma_wait3A_452 = tpu.memref_slice %arg9[%add3A_438, %dma_wait3A_451] : memref<10008x128xf32, #tpu.memory_space<vmem_shared>> -> memref<80x128xf32, #tpu.memory_space<vmem_shared>>
        tpu.wait_dma2 semaphore(%run_scoped3A_446 : memref<!tpu.dma_semaphore, #tpu.memory_space<semaphore_mem>>) src(%dma_wait3A_452 : memref<80x128xf32, #tpu.memory_space<vmem_shared>>) dst(%dma_wait3A_450 : memref<80x128xf32, #tpu.memory_space<hbm>>)
        tpu.yield
      }) : () -> ()
    } else {
    }
    return
  }
}

module attributes {stable_mosaic.version = 14 : i64} {
  func.func @_mm_body(%arg0: i32, %arg1: memref<5000x256xf32, #tpu.memory_space<vmem>>, %arg2: memref<256x512xf32, #tpu.memory_space<vmem>>, %arg3: memref<2x5000x128xf32, #tpu.memory_space<vmem>>, %arg4: memref<2x5000x128xf32, #tpu.memory_space<vmem>>) attributes {dimension_semantics = [#tpu.dimension_semantics<arbitrary>], iteration_bounds = array<i64: 2>, scalar_prefetch = 0 : i64, scratch_operands = 0 : i64, tpu.core_type = #tpu.core_type<tc>, window_params = [{transform_indices = @transform_0, window_bounds = array<i64: 5000, 256>}, {pipeline_mode = #tpu.pipeline_mode<synchronous>, transform_indices = @transform_1, window_bounds = array<i64: 256, 512>}, {transform_indices = @transform_2, window_bounds = array<i64: 2, 5000, 128>}, {transform_indices = @transform_3, window_bounds = array<i64: 2, 5000, 128>}]} {
    %get3A = arith.constant 0 : index
    %get3A_0 = arith.constant 0 : index
    %get3A_1 = vector.load %arg1[%get3A, %get3A_0] : memref<5000x256xf32, #tpu.memory_space<vmem>>, vector<5000x256xf32>
    %get3A_2 = arith.constant 0 : index
    %get3A_3 = arith.constant 0 : index
    %get3A_4 = vector.load %arg2[%get3A_2, %get3A_3] : memref<256x512xf32, #tpu.memory_space<vmem>>, vector<256x512xf32>
    %dot_general3A = arith.constant dense<0.000000e+00> : vector<5000x512xf32>
    %dot_general3A_5 = tpu.matmul %get3A_1, %get3A_4, %dot_general3A {dimension_numbers = #tpu.dot_dimension_numbers<[1], [0], [0], [1], [0, 0, 1, 1], [], []>, transpose_lhs_hint = false} : vector<5000x256xf32>, vector<256x512xf32>, vector<5000x512xf32> -> vector<5000x512xf32>
    %slice3A = vector.extract_strided_slice %dot_general3A_5 {offsets = [0, 0], sizes = [5000, 128], strides = [1, 1]} : vector<5000x512xf32> to vector<5000x128xf32>
    %swap3A = arith.constant 0 : index
    %swap3A_6 = arith.constant 0 : index
    %swap3A_7 = arith.constant 0 : index
    %swap3A_8 = vector.load %arg3[%swap3A, %swap3A_6, %swap3A_7] : memref<2x5000x128xf32, #tpu.memory_space<vmem>>, vector<1x5000x128xf32>
    %swap3A_9 = vector.shape_cast %swap3A_8 : vector<1x5000x128xf32> to vector<5000x128xf32>
    %swap3A_10 = vector.shape_cast %slice3A : vector<5000x128xf32> to vector<1x5000x128xf32>
    tpu.vector_store %arg3[%swap3A, %swap3A_6, %swap3A_7], %swap3A_10 {strides = array<i32>} : memref<2x5000x128xf32, #tpu.memory_space<vmem>>, vector<1x5000x128xf32>,
    %slice3A_11 = vector.extract_strided_slice %dot_general3A_5 {offsets = [0, 128], sizes = [5000, 128], strides = [1, 1]} : vector<5000x512xf32> to vector<5000x128xf32>
    %swap3A_12 = arith.constant 1 : index
    %swap3A_13 = arith.constant 0 : index
    %swap3A_14 = arith.constant 0 : index
    %swap3A_15 = vector.load %arg3[%swap3A_12, %swap3A_13, %swap3A_14] : memref<2x5000x128xf32, #tpu.memory_space<vmem>>, vector<1x5000x128xf32>
    %swap3A_16 = vector.shape_cast %swap3A_15 : vector<1x5000x128xf32> to vector<5000x128xf32>
    %swap3A_17 = vector.shape_cast %slice3A_11 : vector<5000x128xf32> to vector<1x5000x128xf32>
    tpu.vector_store %arg3[%swap3A_12, %swap3A_13, %swap3A_14], %swap3A_17 {strides = array<i32>} : memref<2x5000x128xf32, #tpu.memory_space<vmem>>, vector<1x5000x128xf32>,
    %slice3A_18 = vector.extract_strided_slice %dot_general3A_5 {offsets = [0, 256], sizes = [5000, 128], strides = [1, 1]} : vector<5000x512xf32> to vector<5000x128xf32>
    %swap3A_19 = arith.constant 0 : index
    %swap3A_20 = arith.constant 0 : index
    %swap3A_21 = arith.constant 0 : index
    %swap3A_22 = vector.load %arg4[%swap3A_19, %swap3A_20, %swap3A_21] : memref<2x5000x128xf32, #tpu.memory_space<vmem>>, vector<1x5000x128xf32>
    %swap3A_23 = vector.shape_cast %swap3A_22 : vector<1x5000x128xf32> to vector<5000x128xf32>
    %swap3A_24 = vector.shape_cast %slice3A_18 : vector<5000x128xf32> to vector<1x5000x128xf32>
    tpu.vector_store %arg4[%swap3A_19, %swap3A_20, %swap3A_21], %swap3A_24 {strides = array<i32>} : memref<2x5000x128xf32, #tpu.memory_space<vmem>>, vector<1x5000x128xf32>,
    %slice3A_25 = vector.extract_strided_slice %dot_general3A_5 {offsets = [0, 384], sizes = [5000, 128], strides = [1, 1]} : vector<5000x512xf32> to vector<5000x128xf32>
    %swap3A_26 = arith.constant 1 : index
    %swap3A_27 = arith.constant 0 : index
    %swap3A_28 = arith.constant 0 : index
    %swap3A_29 = vector.load %arg4[%swap3A_26, %swap3A_27, %swap3A_28] : memref<2x5000x128xf32, #tpu.memory_space<vmem>>, vector<1x5000x128xf32>
    %swap3A_30 = vector.shape_cast %swap3A_29 : vector<1x5000x128xf32> to vector<5000x128xf32>
    %swap3A_31 = vector.shape_cast %slice3A_25 : vector<5000x128xf32> to vector<1x5000x128xf32>
    tpu.vector_store %arg4[%swap3A_26, %swap3A_27, %swap3A_28], %swap3A_31 {strides = array<i32>} : memref<2x5000x128xf32, #tpu.memory_space<vmem>>, vector<1x5000x128xf32>,
    return
  }
  func.func @transform_0(%arg0: i32) -> (i32, i32) {
    %c0_i32 = arith.constant 0 : i32
    %c0_i32_0 = arith.constant 0 : i32
    return %arg0, %c0_i32 : i32, i32
  }
  func.func @transform_1(%arg0: i32) -> (i32, i32) {
    %c0_i32 = arith.constant 0 : i32
    %c0_i32_0 = arith.constant 0 : i32
    %c0_i32_1 = arith.constant 0 : i32
    return %c0_i32, %c0_i32_0 : i32, i32
  }
  func.func @transform_2(%arg0: i32) -> (i32, i32, i32) {
    %c0_i32 = arith.constant 0 : i32
    %c0_i32_0 = arith.constant 0 : i32
    %c0_i32_1 = arith.constant 0 : i32
    return %c0_i32, %arg0, %c0_i32_0 : i32, i32, i32
  }
  func.func @transform_3(%arg0: i32) -> (i32, i32, i32) {
    %c0_i32 = arith.constant 0 : i32
    %c0_i32_0 = arith.constant 0 : i32
    %c0_i32_1 = arith.constant 0 : i32
    return %c0_i32, %arg0, %c0_i32_0 : i32, i32, i32
  }
}

</mosaic_0001>

<sc_bundles>
// kernel: kernel.4.cloned.1.call-start
scs
__scs_entry_jumppad:
0x0: {  	(pc) =	sbr.rel $0x88, $3  }
0x1: {  	(tag) =	ssettag $0x0;
	lr =	simm.s32 $0x1  }
0x2: {  	[smem:$0x3F9C] =	sst lr;
	_ =	strace $0xD0000000  }
0x3: {  	_ = 	snop  }
0x4: {  	_ = 	snop  }
0x5: {  	_ = 	snop  }
0x6: {  	_ = 	snop  }
0x7: {  	_ = 	snop  }
__scs_overlays_trampoline_lowered:
0x8: {  	[smem:$0x3FAB] =	sst s0  }
0x9: {  	[smem:$0x3FAC] =	sst s1  }
0xa: {  	[smem:$0x3FAD] =	sst s2  }
0xb: {  	[smem:$0x3FAE] =	sst s3  }
0xc: {  	[smem:$0x3FAF] =	sst s4  }
0xd: {  	[smem:$0x3FB0] =	sst s5  }
0xe: {  	[smem:$0x3FB1] =	sst s6  }
0xf: {  	[smem:$0x3FB2] =	sst s7  }
0x10: {  	[smem:$0x3FB3] =	sst s8  }
0x11: {  	[smem:$0x3FB4] =	sst s9;
	s0 =	simm.s32 @!p0 $0x0  }
0x12: {  	s1 =	sld [smem:$0x3F9A];
	s0 =	simm.s32 @p0 $0x1  }
0x13: {  	[smem:$0x3FB5] =	sst s0;
	s0 =	simm.s32 @!p1 $0x0  }
0x14: {  	s2 =	sld [smem:$0x3F99];
	s0 =	simm.s32 @p1 $0x1  }
0x15: {  	[smem:$0x3FB6] =	sst s0;
	s0 =	simm.s32 @!p2 $0x0  }
0x16: {  	s3 =	sld [smem:$0x3FDB];
	s0 =	simm.s32 @p2 $0x1  }
0x17: {  	s4 =	simm.s32 $0x1BF5;
	[smem:$0x3FB8] =	sst s0  }
0x18: {  	s0 =	sld [smem:$0x3F9B];
	_ =	swait.ge [sflag:s4], $0x0  }
0x19: {  	s7 =	sld [smem:$0x3F9C]  }
0x1a: {  	s8 =	sadd.s32 $0xFFFFE003, lr  }
0x1b: {  	s9 =	sadd.s32 $0xFFFFFEF7, lr;
	s5 =	simm.s32 $0xFFFFFFFF;
	p2 =	slt.u32 s8, $0xFFFFF086  }
0x1c: {  	p1 =	slt.u32 s9, $0xF7A;
	s5 =	simm.s32 @!p2 $0x0  }
0x1d: {  	s5 =	simm.s32 @p1 $0x1;
	p0 =	seq.s32 s7, s2  }
0x1e: {  	s7 =	smul.u32 @!p0 $0xF7A, s2;
	p2 =	seq.s32 @!p0 s5, $0x0  }
0x1f: {  	s9 =	smul.u32 $0xF7A, s1;
	s8 =	simm.s32 @!p0 $0x1BF5;
	p2 =	por !p2, p0  }
0x20: {  	[sflag:s8] =	ssyncset.s32 @!p0 $0xFFFFF086;
	s6 =	sadd.s32 @!p0 s3, s7;
	s7 =	simm.s32 @!p0 $0x108  }
0x21: {  	s3 =	sadd.s32 s3, s9;
	s6 =	sadd.s32 @!p0 $0x88, s6;
	s7 =	simm.s32 @p2 $0x1082  }
0x22: {  	[simem:s7], [sflag:s8] =	dma.local @!p0 [hbm:s6], $0xF7A  }
0x23: {  	s9 =	sor.u32 $0xD0000000, s2;
	s6 =	simm.s32 $0x108;
	_ =	swait.ge @!p0 [sflag:s8], $0x0  }
0x24: {  	s3 =	sadd.s32 $0x88, s3;
	s6 =	simm.s32 @!p1 $0x1082;
	[sflag:s4] =	ssyncset.s32 $0xFFFFF086  }
0x25: {  	[simem:s6], [sflag:s4] =	dma.local [hbm:s3], $0xF7A  }
0x26: {  	[smem:$0x3F9C] =	sst s1;
	(tag) =	ssettag s2;
	_ =	strace s9  }
0x27: {  	s1 =	sld [smem:$0x3FAC]  }
0x28: {  	s2 =	sld [smem:$0x3FAD]  }
0x29: {  	s4 =	sld [smem:$0x3FAF]  }
0x2a: {  	p0 =	seq.s32 s5, $0x0;
	s5 =	sld [smem:$0x3FB0]  }
0x2b: {  	s6 =	sld [smem:$0x3FB1]  }
0x2c: {  	s7 =	sld [smem:$0x3FB2]  }
0x2d: {  	s3 =	simm.s32 $0x108;
	s8 =	sld [smem:$0x3FB3]  }
0x2e: {  	s3 =	simm.s32 @!p0 $0x1082;
	s9 =	sld [smem:$0x3FB4]  }
0x2f: {  	lr =	sadd.s32 s0, s3;
	s0 =	sld [smem:$0x3FAB]  }
0x30: {  	s3 =	sld [smem:$0x3FAE]  }
0x31: {  	[smem:$0x3FB7] =	sst s10  }
0x32: {  	s10 =	sld [smem:$0x3FB5];
	_ =	sdelay $0x3  }
0x33: {  	p0 =	seq.s32 s10, $0x1;
	s10 =	sld [smem:$0x3FB7];
	_ =	sdelay $0x3  }
0x34: {  	[smem:$0x3FB7] =	sst s10  }
0x35: {  	s10 =	sld [smem:$0x3FB6];
	_ =	sdelay $0x3  }
0x36: {  	p1 =	seq.s32 s10, $0x1;
	s10 =	sld [smem:$0x3FB7];
	_ =	sdelay $0x3  }
0x37: {  	[smem:$0x3FB7] =	sst s10  }
0x38: {  	s10 =	sld [smem:$0x3FB8]  }
0x39: {  	_ = 	snop;
	(pc) =	sbr.ind lr, $3  }
0x3a: {  	_ = 	snop  }
0x3b: {  	_ = 	snop  }
0x3c: {  	p2 =	seq.s32 s10, $0x1;
	s10 =	sld [smem:$0x3FB7]  }
0x3d: {  	_ =	shalt  }
0x3e: {  	_ =	shalt  }
0x3f: {  	_ =	shalt  }
0x40: {  	_ =	shalt  }
0x41: {  	_ =	shalt  }
0x42: {  	_ =	shalt  }
0x43: {  	_ =	shalt  }
0x44: {  	_ =	shalt  }
0x45: {  	_ =	shalt  }
0x46: {  	_ =	shalt  }
0x47: {  	_ =	shalt  }
0x48: {  	_ =	shalt  }
0x49: {  	_ =	shalt  }
0x4a: {  	_ =	shalt  }
0x4b: {  	_ =	shalt  }
0x4c: {  	_ =	shalt  }
0x4d: {  	_ =	shalt  }
0x4e: {  	_ =	shalt  }
0x4f: {  	_ =	shalt  }
0x50: {  	_ =	shalt  }
0x51: {  	_ =	shalt  }
0x52: {  	_ =	shalt  }
0x53: {  	_ =	shalt  }
0x54: {  	_ =	shalt  }
0x55: {  	_ =	shalt  }
0x56: {  	_ =	shalt  }
0x57: {  	_ =	shalt  }
0x58: {  	_ =	shalt  }
0x59: {  	_ =	shalt  }
0x5a: {  	_ =	shalt  }
0x5b: {  	_ =	shalt  }
0x5c: {  	_ =	shalt  }
0x5d: {  	_ =	shalt  }
0x5e: {  	_ =	shalt  }
0x5f: {  	_ =	shalt  }
0x60: {  	_ =	shalt  }
0x61: {  	_ =	shalt  }
0x62: {  	_ =	shalt  }
0x63: {  	_ =	shalt  }
0x64: {  	_ =	shalt  }
0x65: {  	_ =	shalt  }
0x66: {  	_ =	shalt  }
0x67: {  	_ =	shalt  }
0x68: {  	_ =	shalt  }
0x69: {  	_ =	shalt  }
0x6a: {  	_ =	shalt  }
0x6b: {  	_ =	shalt  }
0x6c: {  	_ =	shalt  }
0x6d: {  	_ =	shalt  }
0x6e: {  	_ =	shalt  }
0x6f: {  	_ =	shalt  }
0x70: {  	_ =	shalt  }
0x71: {  	_ =	shalt  }
0x72: {  	_ =	shalt  }
0x73: {  	_ =	shalt  }
0x74: {  	_ =	shalt  }
0x75: {  	_ =	shalt  }
0x76: {  	_ =	shalt  }
0x77: {  	_ =	shalt  }
0x78: {  	_ =	shalt  }
0x79: {  	_ =	shalt  }
0x7a: {  	_ =	shalt  }
0x7b: {  	_ =	shalt  }
0x7c: {  	_ =	shalt  }
0x7d: {  	_ =	shalt  }
0x7e: {  	_ =	shalt  }
0x7f: {  	_ =	shalt  }
0x80: {  	_ =	shalt  }
0x81: {  	_ =	shalt  }
0x82: {  	_ =	shalt  }
0x83: {  	_ =	shalt  }
0x84: {  	_ =	shalt  }
0x85: {  	_ =	shalt  }
0x86: {  	_ =	shalt  }
0x87: {  	_ =	shalt  }
.Lfunc_end0:
.L_simem_size_0:
called_computation_lowered:
.L_overlay_start_0:
0x88: {  	s2 =	sld [smem:$0x3FD9]  }
0x89: {  	s3 =	sld [smem:$0x3FFE];
	_ =	sdelay $0x1  }
0x8a: {  	s1 =	srdreg.scid  }
0x8b: {  	s0 =	sand.u32 $0x1, s1  }
0x8c: {  	s17 =	sshll.u32 s0, $0xA;
	s2 =	sadd.s32 s3, s2  }
0x8d: {  	s2 =	sadd.s32 s2, s17  }
0x8e: {  	[smem:$0x3FC3] =	sst s2  }
0x8f: {  	_ = 	snop  }
0x90: {  	s2 =	sld [smem:$0x3FD0];
	(tm) =	ssettm $0x1  }
0x91: {  	s18 =	sld [smem:$0x3FFB];
	_ =	sdelay $0x3  }
0x92: {  	_ =	strace s18  }
0x93: {  	s3 =	sld [smem:$0x3FFC];
	_ =	sdelay $0x3  }
0x94: {  	_ =	strace s3  }
0x95: {  	s3 =	sld [smem:$0x3FFD];
	_ =	sdelay $0x3  }
0x96: {  	_ =	strace s3  }
0x97: {  	_ =	strace $0x8FFFFFFF  }
0x98: {  	s19 =	sld [smem:$0x3FDB];
	_ =	sdelay $0x1  }
0x99: {  	s4 =	simm.s32 $_scs_section_size  }
0x9a: {  	s5 =	simm.s32 $_size__tile_overlayer_lowered;
	s6 =	simm.s32 $_tile_overlayer_lowered  }
0x9b: {  	s22 =	simm.s32 $0x1BFF;
	s21 =	sshll.u32 s6, $0x1;
	s3 =	sadd.s32 s4, s19  }
0x9c: {  	s7 =	simm.s32 $0x0;
	s20 =	sshll.u32 s5, $0x1;
	s5 =	sadd.s32 s21, s3  }
0x9d: {  	[timem:s7], [sflag:s22] =	dma.local [hbm:s5], s20  }
0x9e: {  	_ =	swait.ge [sflag:s22], s20  }
0x9f: {  	s4 =	ssub.s32 $0x0, s20;
	[sflag:s22] =	ssyncset.done $0x0  }
0xa0: {  	[sflag:s22] =	ssyncadd.s32 s4;
	_ =	sdelay $0x1  }
0xa1: {  	s23 =	simm.s32 $0x1B8B  }
0xa2: {  	_ =	swait.ge [sflag:s23], $0x1  }
0xa3: {  	[sflag:s23] =	ssyncset.done $0x0  }
0xa4: {  	s25 =	simm.s32 $0x1B8E;
	s24 =	sld [smem:$0x3FFE];
	[sflag:s23] =	ssyncadd.s32 $0xFFFFFFFF  }
0xa5: {  	s26 =	simm.s32 $execute0_lowered;
	[smem:$0x3FD2] =	sst s25  }
0xa6: {  	s5 =	sshll.u32 s26, $0x1;
	_ =	strace $0x80000046;
	[dreg:$0x1] =	wrdreg $0xFFFFFFFF  }
0xa7: {  	s28 =	simm.s32 $_size_execute0_lowered;
	s3 =	sadd.s32 s3, s5;
	[dreg:$0x0] =	wrdreg $0x0  }
0xa8: {  	s5 =	sshll.u32 s28, $0x1;
	[dreg:$0x2] =	wrdreg s3  }
0xa9: {  	[dreg:$0x3] =	wrdreg s5  }
0xaa: {  	[dreg:$0x4] =	wrdreg $0xC0  }
0xab: {  	_ =	task [dreg:s7], $0x5FFFF  }
0xac: {  	[dreg:$0x1] =	wrdreg $0xFFFFFFFF  }
0xad: {  	[dreg:$0x0] =	wrdreg $0x60  }
0xae: {  	[dreg:$0x2] =	wrdreg s24  }
0xaf: {  	[dreg:$0x3] =	wrdreg s2  }
0xb0: {  	[dreg:$0x4] =	wrdreg $0x0  }
0xb1: {  	[dreg:$0x5] =	wrdreg $0x9  }
0xb2: {  	_ =	task.clear_ibuf [dreg:s7], $0x6FFFF;
	_ =	strace $0x90000046  }
0xb3: {  	s29 =	simm.s32 $0x9;
	_ =	strace $0x80000048  }
0xb4: {  	_ =	swait.ge [sflag:s29], $0x1  }
0xb5: {  	[sflag:s29] =	ssyncadd.s32 $0xFFFFFFFF  }
0xb6: {  	_ =	strace $0x90000048  }
0xb7: {  	_ =	sfence  }
0xb8: {  	s30 =	sld [smem:$0x0];
	_ =	sdelay $0x2  }
0xb9: {  	s31 =	sshll.u32 s1, $0xD;
	s1 =	sshrl.u32 s1, $0x2  }
0xba: {  	s3 =	sand.u32 $0x4000, s31;
	s1 =	sadd.s32 s1, s30  }
0xbb: {  	s0 =	sor.u32 s3, s0;
	s1 =	sshll.u32 s1, $0x11  }
0xbc: {  	s0 =	sor.u32 s1, s0  }
0xbd: {  	s0 =	sadd.s32 $0x8F2B, s0  }
0xbe: {  	[sflag:s0] =	ssyncadd.remote.s32 $0x1  }
0xbf: {  	_ =	sfence.sel $0xFFFF  }
0xc0: {  	[dreg:$0x0] =	wrdreg $0xFFFFFFFF;
	(pc) =	sbr.abs _section_cstart, $3  }
0xc1: {  	[dreg:$0x1] =	wrdreg $0xFFFFFFFF  }
0xc2: {  	_ =	task.clear_ibuf [dreg:s7], $0x2FFFF;
	_ =	strace $0x9FFFFFFF  }
0xc3: {  	(tm) =	ssettm $0x7FFFFFFF  }
tec
execute0_lowered:
.L_overlay_start_1:
0x0: {  	(tag) =	ssettag $0x1  }
0x1: {  	s0 =	rddreg [dreg:$0x0]  }
0x2: {  	s16 =	rddreg [dreg:$0x1]  }
0x3: {  	s3 =	rddreg [dreg:$0x2];
	s1 =	simm.s32 $0x0  }
0x4: {  	s15 =	stileid.u32;
	s2 =	srdreg.scid;
	s28 =	simm.s32 $0x1A1C0  }
0x5: {  	s29 =	simm.s32 $0x1DDC0;
	[smem:$0x7FF] =	sst s1;
	s17 =	sshll.u32 s15, $0x5  }
0x6: {  	s4 =	sshll.u32 s15, $0xB;
	s2 =	sand.u32 $0x1, s2;
	s5 =	smul.u32 $0x50000, s15  }
0x7: {  	s9 =	smul.u32 $0x280, s15;
	s18 =	sshll.u32 s15, $0x6;
	p0 =	seq.s32 s15, $0xF  }
0x8: {  	_ =	strace $0x80000047;
	s1 =	sadd.s32 s17, s0;
	s6 =	smul.u32 $0x27100, s2  }
0x9: {  	s4 =	sadd.s32 s4, s0;
	s7 =	ssub.s32 $0x2, s2;
	s17 =	smul.u32 $0x2800, s15  }
0xa: {  	s8 =	sshrl.u32 s7, $0x1;
	s5 =	sshrl.u32 s5, $0x2;
	s11 =	sadd.s32 $0xF0, s9  }
0xb: {  	s1 =	sadd.s32 $0xA00, s1;
	s6 =	sadd.s32 s6, s0;
	[dreg:$0x5] =	wrdreg s17  }
0xc: {  	s0 =	ssub.s32 s7, s8;
	s5 =	sadd.s32 s5, s3;
	[dreg:$0x1a] =	wrdreg s1  }
0xd: {  	s13 =	sshll.u32 s11, $0x7;
	s30 =	sshll.u32 s11, $0x4;
	[dreg:$0x4] =	wrdreg s5  }
0xe: {  	s8 =	sor.u32 $0x50, s9;
	s19 =	sadd.s32 s13, s3;
	[dreg:$0x13] =	wrdreg s30  }
0xf: {  	s14 =	sadd.s32 $0x140, s9;
	s25 =	sshll.u32 s8, $0x4;
	[dreg:$0x8] =	wrdreg s19  }
0x10: {  	s10 =	sshll.u32 s8, $0x7;
	s0 =	smax.u32 s0, $0x1;
	[dreg:$0x10] =	wrdreg s25  }
0x11: {  	s5 =	sadd.s32 $0x10C00, s6;
	s10 =	sadd.s32 s10, s3;
	[smem:$0x7FB] =	sst s0  }
0x12: {  	s7 =	sor.u32 $0x1C0D, s18;
	s24 =	sadd.s32 s17, s5;
	[dreg:$0x6] =	wrdreg s10  }
0x13: {  	s17 =	sshll.u32 s14, $0x4;
	s10 =	sadd.s32 $0xA0, s9;
	[dreg:$0xf] =	wrdreg s24  }
0x14: {  	[dreg:$0x16] =	wrdreg s17;
	s12 =	sshll.u32 s10, $0x7;
	s26 =	sshll.u32 s10, $0x4  }
0x15: {  	s20 =	sshll.u32 s14, $0x7;
	s12 =	sadd.s32 s12, s3;
	[dreg:$0x12] =	wrdreg s26  }
0x16: {  	s18 =	sadd.s32 $0x1E0, s9;
	[dreg:$0x7] =	wrdreg s12;
	s12 =	sadd.s32 s20, s3  }
0x17: {  	s22 =	sshll.u32 s18, $0x4;
	s20 =	sadd.s32 $0x230, s9;
	[dreg:$0x9] =	wrdreg s12  }
0x18: {  	s12 =	sadd.s32 $0x190, s9;
	s9 =	sadd.s32 s22, s5;
	s23 =	sshll.u32 s20, $0x4  }
0x19: {  	s22 =	sshll.u32 s20, $0x7;
	s20 =	simm.s32 @p0 $0x27B0;
	[dreg:$0xd] =	wrdreg s9  }
0x1a: {  	s31 =	sadd.s32 $0xAD000, s6;
	s9 =	sadd.s32 s23, s5;
	[dreg:$0xb] =	wrdreg s20  }
0x1b: {  	s8 =	sshll.u32 s8, $0x8;
	s19 =	sshll.u32 s12, $0x4;
	[dreg:$0xe] =	wrdreg s9  }
0x1c: {  	s24 =	smul.u32 $0x28000, s15;
	s23 =	sadd.s32 $0x5EE00, s6;
	[dreg:$0x18] =	wrdreg s19  }
0x1d: {  	s21 =	sshll.u32 s12, $0x7;
	s6 =	sshll.u32 s2, $0xA;
	[dreg:$0x1b] =	wrdreg s23  }
0x1e: {  	s10 =	sshll.u32 s10, $0x8;
	s13 =	sadd.s32 s21, s3;
	[dreg:$0x1c] =	wrdreg s6  }
0x1f: {  	s9 =	sadd.s32 s25, s5;
	s21 =	sshll.u32 s18, $0x7;
	[dreg:$0xc] =	wrdreg s13  }
0x20: {  	s25 =	sadd.s32 $0x8C00, s4;
	s1 =	sor.u32 s6, s24;
	[dreg:$0x11] =	wrdreg s9  }
0x21: {  	s2 =	sor.u32 s6, s8;
	s18 =	simm.s32 @p0 $0x2760;
	[dreg:$0x1d] =	wrdreg s25  }
0x22: {  	s23 =	sshll.u32 s14, $0x8;
	s9 =	sadd.s32 s26, s5;
	[dreg:$0xa] =	wrdreg s18  }
0x23: {  	s24 =	sshll.u32 s12, $0x8;
	s13 =	sadd.s32 s30, s5;
	[dreg:$0x14] =	wrdreg s9  }
0x24: {  	s8 =	simm.s32 $0x7;
	s26 =	sadd.s32 $0xC00, s4;
	[dreg:$0x15] =	wrdreg s13  }
0x25: {  	s12 =	simm.s32 $0x0;
	s30 =	sadd.s32 $0x9000, s4;
	[dreg:$0x1e] =	wrdreg s26  }
0x26: {  	s4 =	sadd.s32 $0x1000, s4;
	s1 =	sshrl.u32 s1, $0x3;
	[dreg:$0x1f] =	wrdreg s30  }
0x27: {  	s9 =	sadd.s32 s17, s5;
	s5 =	sadd.s32 s19, s5;
	[smem:$0x7F4] =	sst s4  }
0x28: {  	s1 =	sadd.s32 s16, s1;
	s13 =	sshrl.u32 s2, $0x3;
	s17 =	sor.u32 s6, s10  }
0x29: {  	s2 =	sor.u32 s6, s23;
	s26 =	sor.u32 s6, s24;
	s23 =	simm.s32 $0x1C9C0  }
0x2a: {  	s4 =	simm.s32 $0x50;
	s10 =	simm.s32 $0x9;
	[dreg:$0x17] =	wrdreg s9  }
0x2b: {  	[dreg:$0x19] =	wrdreg s5;
	s5 =	sadd.s32 s21, s3;
	s9 =	sadd.s32 s22, s3  }
0x2c: {  	[smem:$0x7F5] =	sst s1;
	s1 =	sadd.s32 s16, s13;
	s19 =	sshrl.u32 s17, $0x3  }
0x2d: {  	s21 =	sshll.u32 s11, $0x8;
	s25 =	sshrl.u32 s2, $0x3;
	s30 =	sshrl.u32 s26, $0x3  }
0x2e: {  	s2 =	simm.s32 $0x18DC0;
	s17 =	simm.s32 $0x1;
	s26 =	simm.s32 $0x4  }
0x2f: {  	[smem:$0x7F6] =	sst s1;
	s1 =	sadd.s32 s16, s19;
	s22 =	sor.u32 s6, s21  }
0x30: {  	s0 =	sshrl.u32 @!p0 s5, $0x3;
	s21 =	simm.s32 $0x179C0;
	s6 =	simm.s32 $0x3  }
0x31: {  	s19 =	simm.s32 $0x5;
	s5 =	simm.s32 $0x6;
	[smem:$0x7F7] =	sst s1  }
0x32: {  	s1 =	sshrl.u32 s22, $0x3;
	[smem:$0x7FC] =	sst s0;
	s0 =	sshrl.u32 @!p0 s9, $0x3  }
0x33: {  	s22 =	simm.s32 $0x28;
	s1 =	sadd.s32 s16, s1;
	[smem:$0x7FD] =	sst s0  }
0x34: {  	s9 =	simm.s32 $0x8;
	[smem:$0x7F8] =	sst s1;
	s1 =	sadd.s32 s16, s25  }
0x35: {  	s25 =	simm.s32 $0x2;
	[smem:$0x7F9] =	sst s1;
	s1 =	sadd.s32 s16, s30  }
0x36: {  	v0 =	vimm.f32 $0.0e+00;
	s16 =	simm.s32 $0xD;
	[smem:$0x7FA] =	sst s1;
	s1 =	simm.s32 $0x1B5C0  }
.LBB2_1:
0x37: {  	[smem:$0x7EF] =	sst s12  }
0x38: {  	s0 =	rddreg [dreg:$0x1d]  }
0x39: {  	s14 =	rddreg [dreg:$0x1e]  }
0x3a: {  	s12 =	simm.s32 $0x0;
	s11 =	simm.s32 $0x139C0;
	s18 =	rddreg [dreg:$0x4]  }
0x3b: {  	[tilespmem:s11], [sflag:$0xB] =	stream.linear.gather [hbm4b:s0+s12], $0x1F80, $0x38;
	[tilespmem:$0x1F1C0] =	vst v63  }
0x3c: {  	s24 =	rddreg [dreg:$0xf];
	s20 =	sshrl.u32 s18, $0x3  }
0x3d: {  	s15 =	simm.s32 $0x159C0;
	[smem:$0x7F0] =	sst s20  }
0x3e: {  	[tilespmem:s15], [sflag:$0xC] =	stream.linear.gather [hbm4b:s14+s12], $0x1F80, $0x38;
	[tilespmem:$0x1F1C0] =	vst v63  }
0x3f: {  	[spmem:s20], [sflag:s7] =	dma.local [hbm:s24], $0x500  }
0x40: {  	_ =	swait.ge [sflag:s16], $0x500  }
0x41: {  	[sflag:s16] =	ssyncset.done $0x0;
	s13 =	rddreg [dreg:$0x6]  }
0x42: {  	s14 =	rddreg [dreg:$0x11];
	[sflag:s16] =	ssyncadd.s32 $0xFFFFFB00;
	s15 =	sshrl.u32 s13, $0x3  }
0x43: {  	[spmem:s15], [sflag:s7] =	dma.local [hbm:s14], $0x500  }
0x44: {  	_ =	swait.ge [sflag:s16], $0x500  }
0x45: {  	[sflag:s16] =	ssyncset.done $0x0;
	s18 =	rddreg [dreg:$0x7]  }
0x46: {  	s20 =	rddreg [dreg:$0x14];
	[sflag:s16] =	ssyncadd.s32 $0xFFFFFB00;
	s14 =	sshrl.u32 s18, $0x3  }
0x47: {  	[spmem:s14], [sflag:s7] =	dma.local [hbm:s20], $0x500  }
0x48: {  	_ =	swait.ge [sflag:s16], $0x500  }
0x49: {  	[sflag:s16] =	ssyncset.done $0x0;
	s24 =	rddreg [dreg:$0x8]  }
0x4a: {  	s11 =	rddreg [dreg:$0x15];
	[sflag:s16] =	ssyncadd.s32 $0xFFFFFB00;
	s30 =	sshrl.u32 s24, $0x3  }
0x4b: {  	[spmem:s30], [sflag:s7] =	dma.local [hbm:s11], $0x500  }
0x4c: {  	_ =	swait.ge [sflag:s16], $0x500  }
0x4d: {  	[sflag:s16] =	ssyncset.done $0x0;
	s13 =	rddreg [dreg:$0x9]  }
0x4e: {  	s18 =	rddreg [dreg:$0x17];
	[sflag:s16] =	ssyncadd.s32 $0xFFFFFB00;
	s13 =	sshrl.u32 s13, $0x3  }
0x4f: {  	[spmem:s13], [sflag:s7] =	dma.local [hbm:s18], $0x500  }
0x50: {  	_ =	swait.ge [sflag:s16], $0x500  }
0x51: {  	s24 =	simm.s32 @!p0 $0xD;
	[sflag:s16] =	ssyncset.done $0x0;
	s0 =	rddreg [dreg:$0xc]  }
0x52: {  	s18 =	rddreg [dreg:$0x19];
	[sflag:s16] =	ssyncadd.s32 $0xFFFFFB00;
	s11 =	sshrl.u32 @!p0 s0, $0x3  }
0x53: {  	[spmem:s11], [sflag:s7] =	dma.local @!p0 [hbm:s18], $0x500  }
0x54: {  	_ =	swait.ge @!p0 [sflag:s24], $0x500  }
0x55: {  	s0 =	sld [smem:$0x7FC]  }
0x56: {  	[sflag:s24] =	ssyncset.done @!p0 $0x0  }
0x57: {  	s18 =	rddreg [dreg:$0xd];
	[sflag:s24] =	ssyncadd.s32 @!p0 $0xFFFFFB00  }
0x58: {  	[spmem:s0], [sflag:s7] =	dma.local @!p0 [hbm:s18], $0x500  }
0x59: {  	_ =	swait.ge @!p0 [sflag:s24], $0x500  }
0x5a: {  	s0 =	sld [smem:$0x7FD]  }
0x5b: {  	[sflag:s24] =	ssyncset.done @!p0 $0x0  }
0x5c: {  	s18 =	rddreg [dreg:$0xe];
	[sflag:s24] =	ssyncadd.s32 @!p0 $0xFFFFFB00  }
0x5d: {  	[spmem:s0], [sflag:s7] =	dma.local @!p0 [hbm:s18], $0x500  }
0x5e: {  	_ =	swait.ge @!p0 [sflag:s24], $0x500  }
0x5f: {  	[sflag:s24] =	ssyncset.done @!p0 $0x0  }
0x60: {  	[sflag:s24] =	ssyncadd.s32 @!p0 $0xFFFFFB00  }
0x61: {  	[bflag:$0x0] =	sbarrier.arrive $0xFFFF  }
0x62: {  	s0 =	simm.s32 $0x138C0;
	s20 =	rddreg [dreg:$0x1a]  }
0x63: {  	[tilespmem:s0], [sflag:$0xD] =	stream.linear.gather [hbm4b:s20+s12], $0x100, $0x38;
	[tilespmem:$0x1F1C0] =	vst v63  }
0x64: {  	_ =	swait.ge [sflag:s16], $0x100  }
0x65: {  	s18 =	simm.s32 $0x40;
	[sflag:s16] =	ssyncset.done $0x0  }
0x66: {  	s20 =	simm.s32 $0xA;
	s12 =	rddreg [dreg:$0x1b];
	[sflag:s16] =	ssyncadd.s32 $0xFFFFFF00  }
0x67: {  	[tilespmem:s21], [sflag:$0xA] =	stream.indirect.gather [hbm4b:s12+s18], $0x80, s0, s18, $0xb8;
	[tilespmem:$0x1F1C0] =	vst v63  }
0x68: {  	_ =	swait.ge [sflag:s20], $0x2000  }
0x69: {  	[sflag:s20] =	ssyncset.done $0x0  }
0x6a: {  	[sflag:s20] =	ssyncadd.s32 $0xFFFFE000  }
0x6b: {  	[spmem:s3] =	stream.indirect.scatter.add.f32 [tilespmem:s21], [sflag:$0xD], $0x80, s0, s18, $0xb8;
	[tilespmem:$0x1F1C0] =	vst v63  }
0x6c: {  	_ =	swait.ge [sflag:s16], $0x2000  }
0x6d: {  	[sflag:s16] =	ssyncset.done $0x0  }
0x6e: {  	s0 =	simm.s32 $0x13940;
	[sflag:s16] =	ssyncadd.s32 $0xFFFFE000  }
0x6f: {  	[tilespmem:s21], [sflag:$0xA] =	stream.indirect.gather [hbm4b:s12+s18], $0x80, s0, s18, $0xb8;
	[tilespmem:$0x1F1C0] =	vst v63  }
0x70: {  	_ =	swait.ge [sflag:s20], $0x2000  }
0x71: {  	[sflag:s20] =	ssyncset.done $0x0  }
0x72: {  	[sflag:s20] =	ssyncadd.s32 $0xFFFFE000  }
0x73: {  	[spmem:s3] =	stream.indirect.scatter.add.f32 [tilespmem:s21], [sflag:$0xD], $0x80, s0, s18, $0xb8;
	[tilespmem:$0x1F1C0] =	vst v63  }
0x74: {  	s18 =	sld [smem:$0x7F0];
	_ =	swait.ge [sflag:s16], $0x2000  }
0x75: {  	[sflag:s16] =	ssyncset.done $0x0  }
0x76: {  	[sflag:s16] =	ssyncadd.s32 $0xFFFFE000  }
0x77: {  	[bflag:$0x0] =	sbarrier.arrive $0xFFFF  }
0x78: {  	s0 =	rddreg [dreg:$0x5]  }
0x79: {  	s12 =	sadd.s32 s0, s31  }
0x7a: {  	[hbm:s12], [sflag:s7] =	dma.local [spmem:s18], $0x500  }
0x7b: {  	_ =	swait.ge [sflag:s16], $0x500  }
0x7c: {  	[sflag:s16] =	ssyncset.done $0x0;
	s0 =	rddreg [dreg:$0x10]  }
0x7d: {  	[sflag:s16] =	ssyncadd.s32 $0xFFFFFB00;
	s12 =	sadd.s32 s0, s31  }
0x7e: {  	[hbm:s12], [sflag:s7] =	dma.local [spmem:s15], $0x500  }
0x7f: {  	s20 =	smov.u32 s11;
	_ =	swait.ge [sflag:s16], $0x500  }
0x80: {  	s11 =	smov.u32 s15;
	[sflag:s16] =	ssyncset.done $0x0;
	s15 =	rddreg [dreg:$0x12]  }
0x81: {  	[sflag:s16] =	ssyncadd.s32 $0xFFFFFB00;
	s12 =	sadd.s32 s15, s31  }
0x82: {  	[hbm:s12], [sflag:s7] =	dma.local [spmem:s14], $0x500  }
0x83: {  	_ =	swait.ge [sflag:s16], $0x500  }
0x84: {  	[sflag:s16] =	ssyncset.done $0x0;
	s0 =	rddreg [dreg:$0x13]  }
0x85: {  	[sflag:s16] =	ssyncadd.s32 $0xFFFFFB00;
	s12 =	sadd.s32 s0, s31  }
0x86: {  	[hbm:s12], [sflag:s7] =	dma.local [spmem:s30], $0x500  }
0x87: {  	_ =	swait.ge [sflag:s16], $0x500  }
0x88: {  	[sflag:s16] =	ssyncset.done $0x0;
	s15 =	rddreg [dreg:$0x16]  }
0x89: {  	[smem:$0x7F1] =	sst s13;
	[sflag:s16] =	ssyncadd.s32 $0xFFFFFB00;
	s12 =	sadd.s32 s15, s31  }
0x8a: {  	[hbm:s12], [sflag:s7] =	dma.local [spmem:s13], $0x500  }
0x8b: {  	_ =	swait.ge [sflag:s16], $0x500  }
0x8c: {  	[sflag:s16] =	ssyncset.done $0x0;
	s12 =	rddreg [dreg:$0x18]  }
0x8d: {  	[sflag:s16] =	ssyncadd.s32 $0xFFFFFB00;
	s12 =	sadd.s32 @!p0 s12, s31  }
0x8e: {  	[hbm:s12], [sflag:s7] =	dma.local @!p0 [spmem:s20], $0x500  }
0x8f: {  	_ =	swait.ge @!p0 [sflag:s24], $0x500  }
0x90: {  	s0 =	rddreg [dreg:$0xa]  }
0x91: {  	s12 =	sshll.u32 @!p0 s0, $0x7  }
0x92: {  	s12 =	sadd.s32 @!p0 s12, s3  }
0x93: {  	[sflag:s24] =	ssyncset.done @!p0 $0x0;
	s13 =	sshll.u32 @!p0 s0, $0x4;
	s0 =	sshrl.u32 @!p0 s12, $0x3  }
0x94: {  	[sflag:s24] =	ssyncadd.s32 @!p0 $0xFFFFFB00;
	s13 =	sadd.s32 @!p0 s13, s31;
	[smem:$0x7F2] =	sst s0  }
0x95: {  	[hbm:s13], [sflag:s7] =	dma.local @!p0 [spmem:s0], $0x500  }
0x96: {  	_ =	swait.ge @!p0 [sflag:s24], $0x500  }
0x97: {  	s0 =	rddreg [dreg:$0xb]  }
0x98: {  	s13 =	sshll.u32 @!p0 s0, $0x7  }
0x99: {  	s13 =	sadd.s32 @!p0 s13, s3  }
0x9a: {  	[sflag:s24] =	ssyncset.done @!p0 $0x0;
	s15 =	sshll.u32 @!p0 s0, $0x4;
	s0 =	sshrl.u32 @!p0 s13, $0x3  }
0x9b: {  	[sflag:s24] =	ssyncadd.s32 @!p0 $0xFFFFFB00;
	s15 =	sadd.s32 @!p0 s15, s31;
	[smem:$0x7F3] =	sst s0  }
0x9c: {  	[hbm:s15], [sflag:s7] =	dma.local @!p0 [spmem:s0], $0x500  }
0x9d: {  	_ =	swait.ge @!p0 [sflag:s24], $0x500  }
0x9e: {  	[sflag:s24] =	ssyncset.done @!p0 $0x0  }
0x9f: {  	s15 =	simm.s32 $0x200;
	[sflag:s24] =	ssyncadd.s32 @!p0 $0xFFFFFB00;
	s24 =	simm.s32 $0x0  }
.LBB2_2:
0xa0: {  	p1 =	sne.s32 s15, $0x9E00;
	[tilespmem:s24+$0x17A30] =	vst v0  }
0xa1: {  	[tilespmem:s24+$0x179C0] =	vst v0  }
0xa2: {  	[tilespmem:s24+$0x179D0] =	vst v0  }
.Ltmp0:
0xa3: {  	[tilespmem:s24+$0x179E0] =	vst v0;
	(pc) =	sbr.rel @p1 .LBB2_2-.Ltmp0, $4  }
0xa4: {  	[tilespmem:s24+$0x179F0] =	vst v0  }
0xa5: {  	[tilespmem:s24+$0x17A00] =	vst v0  }
0xa6: {  	[tilespmem:s24+$0x17A10] =	vst v0  }
0xa7: {  	[tilespmem:s24+$0x17A20] =	vst v0;
	s24 =	sshra.s32 s15, $0x2;
	s15 =	sadd.s32 $0x200, s15  }
0xa8: {  	[tilespmem:s24+$0x17A30] =	vst v0  }
0xa9: {  	[tilespmem:s24+$0x179C0] =	vst v0  }
0xaa: {  	[tilespmem:s24+$0x179D0] =	vst v0  }
0xab: {  	[tilespmem:s24+$0x179E0] =	vst v0  }
0xac: {  	[tilespmem:s24+$0x179F0] =	vst v0  }
0xad: {  	[tilespmem:s24+$0x17A00] =	vst v0  }
0xae: {  	[tilespmem:s24+$0x17A10] =	vst v0  }
0xaf: {  	[tilespmem:s24+$0x17A20] =	vst v0;
	s15 =	rddreg [dreg:$0x4]  }
0xb0: {  	[spmem:s15] =	stream.linear.scatter [tilespmem:s21], [sflag:$0xD], $0x2800, $0x38;
	[tilespmem:$0x1F1C0] =	vst v63  }
0xb1: {  	_ =	swait.ge [sflag:s16], $0x2800  }
0xb2: {  	[sflag:s16] =	ssyncset.done $0x0  }
0xb3: {  	s24 =	rddreg [dreg:$0x6];
	[sflag:s16] =	ssyncadd.s32 $0xFFFFD800  }
0xb4: {  	[spmem:s24] =	stream.linear.scatter [tilespmem:s21], [sflag:$0xD], $0x2800, $0x38;
	[tilespmem:$0x1F1C0] =	vst v63  }
0xb5: {  	_ =	swait.ge [sflag:s16], $0x2800  }
0xb6: {  	[sflag:s16] =	ssyncset.done $0x0  }
0xb7: {  	s0 =	rddreg [dreg:$0x7];
	[sflag:s16] =	ssyncadd.s32 $0xFFFFD800  }
0xb8: {  	[spmem:s0] =	stream.linear.scatter [tilespmem:s21], [sflag:$0xD], $0x2800, $0x38;
	[tilespmem:$0x1F1C0] =	vst v63  }
0xb9: {  	_ =	swait.ge [sflag:s16], $0x2800  }
0xba: {  	[sflag:s16] =	ssyncset.done $0x0  }
0xbb: {  	s24 =	rddreg [dreg:$0x8];
	[sflag:s16] =	ssyncadd.s32 $0xFFFFD800  }
0xbc: {  	[spmem:s24] =	stream.linear.scatter [tilespmem:s21], [sflag:$0xD], $0x2800, $0x38;
	[tilespmem:$0x1F1C0] =	vst v63  }
0xbd: {  	_ =	swait.ge [sflag:s16], $0x2800  }
0xbe: {  	[sflag:s16] =	ssyncset.done $0x0  }
0xbf: {  	s0 =	rddreg [dreg:$0x9];
	[sflag:s16] =	ssyncadd.s32 $0xFFFFD800  }
0xc0: {  	[spmem:s0] =	stream.linear.scatter [tilespmem:s21], [sflag:$0xD], $0x2800, $0x38;
	[tilespmem:$0x1F1C0] =	vst v63  }
0xc1: {  	_ =	swait.ge [sflag:s16], $0x2800  }
0xc2: {  	[sflag:s16] =	ssyncset.done $0x0  }
0xc3: {  	s15 =	simm.s32 @!p0 $0x179C0;
	s24 =	rddreg [dreg:$0xc];
	[sflag:s16] =	ssyncadd.s32 $0xFFFFD800  }
0xc4: {  	[spmem:s24] =	stream.linear.scatter @!p0 [tilespmem:s15], [sflag:$0xD], $0x2800, $0x38;
	[tilespmem:$0x1F1C0] =	vst v63  }
0xc5: {  	s24 =	simm.s32 @!p0 $0xD  }
0xc6: {  	_ =	swait.ge @!p0 [sflag:s24], $0x2800  }
0xc7: {  	[sflag:s24] =	ssyncset.done @!p0 $0x0  }
0xc8: {  	[sflag:s24] =	ssyncadd.s32 @!p0 $0xFFFFD800  }
0xc9: {  	[spmem:s12] =	stream.linear.scatter @!p0 [tilespmem:s15], [sflag:$0xD], $0x2800, $0x38;
	[tilespmem:$0x1F1C0] =	vst v63  }
0xca: {  	_ =	swait.ge @!p0 [sflag:s24], $0x2800  }
0xcb: {  	[sflag:s24] =	ssyncset.done @!p0 $0x0  }
0xcc: {  	[sflag:s24] =	ssyncadd.s32 @!p0 $0xFFFFD800  }
0xcd: {  	[spmem:s13] =	stream.linear.scatter @!p0 [tilespmem:s15], [sflag:$0xD], $0x2800, $0x38;
	[tilespmem:$0x1F1C0] =	vst v63  }
0xce: {  	_ =	swait.ge @!p0 [sflag:s24], $0x2800  }
0xcf: {  	[sflag:s24] =	ssyncset.done @!p0 $0x0  }
0xd0: {  	s0 =	simm.s32 $0xB;
	[sflag:s24] =	ssyncadd.s32 @!p0 $0xFFFFD800  }
0xd1: {  	_ =	swait.ge [sflag:s0], $0x1F80  }
0xd2: {  	[sflag:s0] =	ssyncset.done $0x0  }
0xd3: {  	s15 =	simm.s32 $0xC;
	[sflag:s0] =	ssyncadd.s32 $0xFFFFE080  }
0xd4: {  	_ =	swait.ge [sflag:s15], $0x1F80  }
0xd5: {  	[sflag:s15] =	ssyncset.done $0x0  }
0xd6: {  	[sflag:s15] =	ssyncadd.s32 $0xFFFFE080  }
0xd7: {  	s24 =	simm.s32 $0x139C0;
	[bflag:$0x0] =	sbarrier.arrive $0xFFFF  }
0xd8: {  	[tilespmem:s21], [sflag:$0x1] =	stream.indirect.gather [hbm4b:s31+s22], $0x80, s24, s22, $0xb8;
	[tilespmem:$0x1F1C0] =	vst v63  }
0xd9: {  	s12 =	simm.s32 $0x139E8  }
0xda: {  	[tilespmem:s2], [sflag:$0x2] =	stream.indirect.gather [hbm4b:s31+s22], $0x80, s12, s22, $0xb8;
	[tilespmem:$0x1F1C0] =	vst v63  }
0xdb: {  	s13 =	simm.s32 $0x13A40  }
0xdc: {  	[tilespmem:s28], [sflag:$0x3] =	stream.indirect.gather [hbm4b:s31+s22], $0x80, s13, s22, $0xb8;
	[tilespmem:$0x1F1C0] =	vst v63  }
0xdd: {  	s15 =	simm.s32 $0x13A68  }
0xde: {  	[tilespmem:s1], [sflag:$0x4] =	stream.indirect.gather [hbm4b:s31+s22], $0x80, s15, s22, $0xb8;
	[tilespmem:$0x1F1C0] =	vst v63  }
0xdf: {  	s24 =	simm.s32 $0x13AC0  }
0xe0: {  	[tilespmem:s23], [sflag:$0x5] =	stream.indirect.gather [hbm4b:s31+s22], $0x80, s24, s22, $0xb8;
	[tilespmem:$0x1F1C0] =	vst v63  }
0xe1: {  	s12 =	simm.s32 $0x13AE8  }
0xe2: {  	[tilespmem:s29], [sflag:$0x6] =	stream.indirect.gather [hbm4b:s31+s22], $0x80, s12, s22, $0xb8;
	[tilespmem:$0x1F1C0] =	vst v63  }
0xe3: {  	_ =	swait.ge [sflag:s17], $0x1400  }
0xe4: {  	[sflag:s17] =	ssyncset.done $0x0  }
0xe5: {  	[sflag:s17] =	ssyncadd.s32 $0xFFFFEC00  }
0xe6: {  	_ =	swait.ge [sflag:s25], $0x1400  }
0xe7: {  	[sflag:s25] =	ssyncset.done $0x0  }
0xe8: {  	s13 =	simm.s32 $0x159C0;
	[sflag:s25] =	ssyncadd.s32 $0xFFFFEC00  }
0xe9: {  	[spmem:s3] =	stream.indirect.scatter.add.f32 [tilespmem:s21], [sflag:$0x7], $0x80, s13, s4, $0xb8;
	[tilespmem:$0x1F1C0] =	vst v63  }
0xea: {  	_ =	swait.ge [sflag:s6], $0x1400  }
0xeb: {  	[sflag:s6] =	ssyncset.done $0x0  }
0xec: {  	[sflag:s6] =	ssyncadd.s32 $0xFFFFEC00  }
0xed: {  	_ =	swait.ge [sflag:s26], $0x1400  }
0xee: {  	[sflag:s26] =	ssyncset.done $0x0  }
0xef: {  	s15 =	simm.s32 $0x15A40;
	[sflag:s26] =	ssyncadd.s32 $0xFFFFEC00  }
0xf0: {  	[spmem:s3] =	stream.indirect.scatter.add.f32 [tilespmem:s28], [sflag:$0x8], $0x80, s15, s4, $0xb8;
	[tilespmem:$0x1F1C0] =	vst v63  }
0xf1: {  	_ =	swait.ge [sflag:s19], $0x1400  }
0xf2: {  	[sflag:s19] =	ssyncset.done $0x0  }
0xf3: {  	[sflag:s19] =	ssyncadd.s32 $0xFFFFEC00  }
0xf4: {  	_ =	swait.ge [sflag:s5], $0x1400  }
0xf5: {  	[sflag:s5] =	ssyncset.done $0x0  }
0xf6: {  	s24 =	simm.s32 $0x15AC0;
	[sflag:s5] =	ssyncadd.s32 $0xFFFFEC00  }
0xf7: {  	[spmem:s3] =	stream.indirect.scatter.add.f32 [tilespmem:s23], [sflag:$0x9], $0x80, s24, s4, $0xb8;
	[tilespmem:$0x1F1C0] =	vst v63  }
0xf8: {  	_ =	swait.ge [sflag:s8], $0x2800  }
0xf9: {  	[sflag:s8] =	ssyncset.done $0x0  }
0xfa: {  	s0 =	simm.s32 $0x13B40;
	[sflag:s8] =	ssyncadd.s32 $0xFFFFD800  }
0xfb: {  	[tilespmem:s21], [sflag:$0x1] =	stream.indirect.gather [hbm4b:s31+s22], $0x80, s0, s22, $0xb8;
	[tilespmem:$0x1F1C0] =	vst v63  }
0xfc: {  	s13 =	simm.s32 $0x13B68  }
0xfd: {  	[tilespmem:s2], [sflag:$0x2] =	stream.indirect.gather [hbm4b:s31+s22], $0x80, s13, s22, $0xb8;
	[tilespmem:$0x1F1C0] =	vst v63  }
0xfe: {  	_ =	swait.ge [sflag:s9], $0x2800  }
0xff: {  	[sflag:s9] =	ssyncset.done $0x0  }
0x100: {  	s15 =	simm.s32 $0x13BC0;
	[sflag:s9] =	ssyncadd.s32 $0xFFFFD800  }
0x101: {  	[tilespmem:s28], [sflag:$0x3] =	stream.indirect.gather [hbm4b:s31+s22], $0x80, s15, s22, $0xb8;
	[tilespmem:$0x1F1C0] =	vst v63  }
0x102: {  	s24 =	simm.s32 $0x13BE8  }
0x103: {  	[tilespmem:s1], [sflag:$0x4] =	stream.indirect.gather [hbm4b:s31+s22], $0x80, s24, s22, $0xb8;
	[tilespmem:$0x1F1C0] =	vst v63  }
0x104: {  	_ =	swait.ge [sflag:s10], $0x2800  }
0x105: {  	[sflag:s10] =	ssyncset.done $0x0  }
0x106: {  	s0 =	simm.s32 $0x13C40;
	[sflag:s10] =	ssyncadd.s32 $0xFFFFD800  }
0x107: {  	[tilespmem:s23], [sflag:$0x5] =	stream.indirect.gather [hbm4b:s31+s22], $0x80, s0, s22, $0xb8;
	[tilespmem:$0x1F1C0] =	vst v63  }
0x108: {  	s13 =	simm.s32 $0x13C68  }
0x109: {  	[tilespmem:s29], [sflag:$0x6] =	stream.indirect.gather [hbm4b:s31+s22], $0x80, s13, s22, $0xb8;
	[tilespmem:$0x1F1C0] =	vst v63  }
0x10a: {  	_ =	swait.ge [sflag:s17], $0x1400  }
0x10b: {  	[sflag:s17] =	ssyncset.done $0x0  }
0x10c: {  	[sflag:s17] =	ssyncadd.s32 $0xFFFFEC00  }
0x10d: {  	_ =	swait.ge [sflag:s25], $0x1400  }
0x10e: {  	[sflag:s25] =	ssyncset.done $0x0  }
0x10f: {  	s15 =	simm.s32 $0x15B40;
	[sflag:s25] =	ssyncadd.s32 $0xFFFFEC00  }
0x110: {  	[spmem:s3] =	stream.indirect.scatter.add.f32 [tilespmem:s21], [sflag:$0x7], $0x80, s15, s4, $0xb8;
	[tilespmem:$0x1F1C0] =	vst v63  }
0x111: {  	_ =	swait.ge [sflag:s6], $0x1400  }
0x112: {  	[sflag:s6] =	ssyncset.done $0x0  }
0x113: {  	[sflag:s6] =	ssyncadd.s32 $0xFFFFEC00  }
0x114: {  	_ =	swait.ge [sflag:s26], $0x1400  }
0x115: {  	[sflag:s26] =	ssyncset.done $0x0  }
0x116: {  	s24 =	simm.s32 $0x15BC0;
	[sflag:s26] =	ssyncadd.s32 $0xFFFFEC00  }
0x117: {  	[spmem:s3] =	stream.indirect.scatter.add.f32 [tilespmem:s28], [sflag:$0x8], $0x80, s24, s4, $0xb8;
	[tilespmem:$0x1F1C0] =	vst v63  }
0x118: {  	_ =	swait.ge [sflag:s19], $0x1400  }
0x119: {  	[sflag:s19] =	ssyncset.done $0x0  }
0x11a: {  	[sflag:s19] =	ssyncadd.s32 $0xFFFFEC00  }
0x11b: {  	_ =	swait.ge [sflag:s5], $0x1400  }
0x11c: {  	[sflag:s5] =	ssyncset.done $0x0  }
0x11d: {  	s12 =	simm.s32 $0x15C40;
	s24 =	simm.s32 $0x600;
	[sflag:s5] =	ssyncadd.s32 $0xFFFFEC00  }
.LBB2_4:
0x11e: {  	[spmem:s3] =	stream.indirect.scatter.add.f32 [tilespmem:s23], [sflag:$0x9], $0x80, s12, s4, $0xb8;
	[tilespmem:$0x1F1C0] =	vst v63  }
0x11f: {  	s12 =	smov.u32 s24  }
0x120: {  	p1 =	sne.s32 s24, $0x7200;
	s24 =	sadd.s32 $0x600, s24;
	_ =	swait.ge [sflag:s8], $0x2800  }
0x121: {  	s12 =	sshra.s32 s12, $0x2;
	[sflag:s8] =	ssyncset.done $0x0  }
0x122: {  	s13 =	sadd.s32 $0x13B40, s12;
	[sflag:s8] =	ssyncadd.s32 $0xFFFFD800  }
0x123: {  	[tilespmem:s21], [sflag:$0x1] =	stream.indirect.gather [hbm4b:s31+s22], $0x80, s13, s22, $0xb8;
	[tilespmem:$0x1F1C0] =	vst v63  }
0x124: {  	s13 =	sadd.s32 $0x13B68, s12  }
0x125: {  	[tilespmem:s2], [sflag:$0x2] =	stream.indirect.gather [hbm4b:s31+s22], $0x80, s13, s22, $0xb8;
	[tilespmem:$0x1F1C0] =	vst v63  }
0x126: {  	_ =	swait.ge [sflag:s9], $0x2800  }
0x127: {  	[sflag:s9] =	ssyncset.done $0x0  }
0x128: {  	s13 =	sadd.s32 $0x13BC0, s12;
	[sflag:s9] =	ssyncadd.s32 $0xFFFFD800  }
0x129: {  	[tilespmem:s28], [sflag:$0x3] =	stream.indirect.gather [hbm4b:s31+s22], $0x80, s13, s22, $0xb8;
	[tilespmem:$0x1F1C0] =	vst v63  }
0x12a: {  	s13 =	sadd.s32 $0x13BE8, s12  }
0x12b: {  	[tilespmem:s1], [sflag:$0x4] =	stream.indirect.gather [hbm4b:s31+s22], $0x80, s13, s22, $0xb8;
	[tilespmem:$0x1F1C0] =	vst v63  }
0x12c: {  	_ =	swait.ge [sflag:s10], $0x2800  }
0x12d: {  	[sflag:s10] =	ssyncset.done $0x0  }
0x12e: {  	s13 =	sadd.s32 $0x13C40, s12;
	[sflag:s10] =	ssyncadd.s32 $0xFFFFD800  }
0x12f: {  	[tilespmem:s23], [sflag:$0x5] =	stream.indirect.gather [hbm4b:s31+s22], $0x80, s13, s22, $0xb8;
	[tilespmem:$0x1F1C0] =	vst v63  }
0x130: {  	s13 =	sadd.s32 $0x13C68, s12  }
0x131: {  	[tilespmem:s29], [sflag:$0x6] =	stream.indirect.gather [hbm4b:s31+s22], $0x80, s13, s22, $0xb8;
	[tilespmem:$0x1F1C0] =	vst v63  }
0x132: {  	_ =	swait.ge [sflag:s17], $0x1400  }
0x133: {  	[sflag:s17] =	ssyncset.done $0x0  }
0x134: {  	[sflag:s17] =	ssyncadd.s32 $0xFFFFEC00  }
0x135: {  	_ =	swait.ge [sflag:s25], $0x1400  }
0x136: {  	[sflag:s25] =	ssyncset.done $0x0  }
0x137: {  	s13 =	sadd.s32 $0x15B40, s12;
	[sflag:s25] =	ssyncadd.s32 $0xFFFFEC00  }
0x138: {  	[spmem:s3] =	stream.indirect.scatter.add.f32 [tilespmem:s21], [sflag:$0x7], $0x80, s13, s4, $0xb8;
	[tilespmem:$0x1F1C0] =	vst v63  }
0x139: {  	_ =	swait.ge [sflag:s6], $0x1400  }
0x13a: {  	[sflag:s6] =	ssyncset.done $0x0  }
0x13b: {  	[sflag:s6] =	ssyncadd.s32 $0xFFFFEC00  }
0x13c: {  	_ =	swait.ge [sflag:s26], $0x1400  }
0x13d: {  	[sflag:s26] =	ssyncset.done $0x0  }
0x13e: {  	s13 =	sadd.s32 $0x15BC0, s12;
	[sflag:s26] =	ssyncadd.s32 $0xFFFFEC00  }
0x13f: {  	[spmem:s3] =	stream.indirect.scatter.add.f32 [tilespmem:s28], [sflag:$0x8], $0x80, s13, s4, $0xb8;
	[tilespmem:$0x1F1C0] =	vst v63  }
0x140: {  	_ =	swait.ge [sflag:s19], $0x1400  }
.Ltmp1:
0x141: {  	[sflag:s19] =	ssyncset.done $0x0;
	(pc) =	sbr.rel @p1 .LBB2_4-.Ltmp1, $4  }
0x142: {  	[sflag:s19] =	ssyncadd.s32 $0xFFFFEC00  }
0x143: {  	_ =	swait.ge [sflag:s5], $0x1400  }
0x144: {  	[sflag:s5] =	ssyncset.done $0x0  }
0x145: {  	s12 =	sadd.s32 $0x15C40, s12;
	[sflag:s5] =	ssyncadd.s32 $0xFFFFEC00  }
0x146: {  	[spmem:s3] =	stream.indirect.scatter.add.f32 [tilespmem:s23], [sflag:$0x9], $0x80, s12, s4, $0xb8;
	[tilespmem:$0x1F1C0] =	vst v63  }
0x147: {  	_ =	swait.ge [sflag:s8], $0x2800  }
0x148: {  	[sflag:s8] =	ssyncset.done $0x0  }
0x149: {  	[sflag:s8] =	ssyncadd.s32 $0xFFFFD800  }
0x14a: {  	_ =	swait.ge [sflag:s9], $0x2800  }
0x14b: {  	[sflag:s9] =	ssyncset.done $0x0  }
0x14c: {  	[sflag:s9] =	ssyncadd.s32 $0xFFFFD800  }
0x14d: {  	_ =	swait.ge [sflag:s10], $0x2800  }
0x14e: {  	s12 =	simm.s32 $0x0;
	[sflag:s10] =	ssyncset.done $0x0  }
0x14f: {  	s0 =	simm.s32 $0x139C0;
	s13 =	rddreg [dreg:$0x1f];
	[sflag:s10] =	ssyncadd.s32 $0xFFFFD800  }
0x150: {  	[tilespmem:s0], [sflag:$0xD] =	stream.linear.gather [hbm4b:s13+s12], $0x1F80, $0x38;
	[tilespmem:$0x1F1C0] =	vst v63  }
0x151: {  	_ =	swait.ge [sflag:s16], $0x1F80  }
0x152: {  	s24 =	sld [smem:$0x7F4]  }
0x153: {  	[sflag:s16] =	ssyncset.done $0x0  }
0x154: {  	s15 =	simm.s32 $0x159C0;
	[sflag:s16] =	ssyncadd.s32 $0xFFFFE080  }
0x155: {  	[tilespmem:s15], [sflag:$0xD] =	stream.linear.gather [hbm4b:s24+s12], $0x1F80, $0x38;
	[tilespmem:$0x1F1C0] =	vst v63  }
0x156: {  	_ =	swait.ge [sflag:s16], $0x1F80  }
0x157: {  	[sflag:s16] =	ssyncset.done $0x0  }
0x158: {  	[sflag:s16] =	ssyncadd.s32 $0xFFFFE080  }
0x159: {  	[tilespmem:s21], [sflag:$0x1] =	stream.indirect.gather [hbm4b:s31+s22], $0x80, s0, s22, $0xb8;
	[tilespmem:$0x1F1C0] =	vst v63  }
0x15a: {  	s12 =	simm.s32 $0x139E8  }
0x15b: {  	[tilespmem:s2], [sflag:$0x2] =	stream.indirect.gather [hbm4b:s31+s22], $0x80, s12, s22, $0xb8;
	[tilespmem:$0x1F1C0] =	vst v63  }
0x15c: {  	s13 =	simm.s32 $0x13A40  }
0x15d: {  	[tilespmem:s28], [sflag:$0x3] =	stream.indirect.gather [hbm4b:s31+s22], $0x80, s13, s22, $0xb8;
	[tilespmem:$0x1F1C0] =	vst v63  }
0x15e: {  	s24 =	simm.s32 $0x13A68  }
0x15f: {  	[tilespmem:s1], [sflag:$0x4] =	stream.indirect.gather [hbm4b:s31+s22], $0x80, s24, s22, $0xb8;
	[tilespmem:$0x1F1C0] =	vst v63  }
0x160: {  	s12 =	simm.s32 $0x13AC0  }
0x161: {  	[tilespmem:s23], [sflag:$0x5] =	stream.indirect.gather [hbm4b:s31+s22], $0x80, s12, s22, $0xb8;
	[tilespmem:$0x1F1C0] =	vst v63  }
0x162: {  	s13 =	simm.s32 $0x13AE8  }
0x163: {  	[tilespmem:s29], [sflag:$0x6] =	stream.indirect.gather [hbm4b:s31+s22], $0x80, s13, s22, $0xb8;
	[tilespmem:$0x1F1C0] =	vst v63  }
0x164: {  	_ =	swait.ge [sflag:s17], $0x1400  }
0x165: {  	[sflag:s17] =	ssyncset.done $0x0  }
0x166: {  	[sflag:s17] =	ssyncadd.s32 $0xFFFFEC00  }
0x167: {  	_ =	swait.ge [sflag:s25], $0x1400  }
0x168: {  	[sflag:s25] =	ssyncset.done $0x0  }
0x169: {  	[sflag:s25] =	ssyncadd.s32 $0xFFFFEC00  }
0x16a: {  	[spmem:s3] =	stream.indirect.scatter.add.f32 [tilespmem:s21], [sflag:$0x7], $0x80, s15, s4, $0xb8;
	[tilespmem:$0x1F1C0] =	vst v63  }
0x16b: {  	_ =	swait.ge [sflag:s6], $0x1400  }
0x16c: {  	[sflag:s6] =	ssyncset.done $0x0  }
0x16d: {  	[sflag:s6] =	ssyncadd.s32 $0xFFFFEC00  }
0x16e: {  	_ =	swait.ge [sflag:s26], $0x1400  }
0x16f: {  	[sflag:s26] =	ssyncset.done $0x0  }
0x170: {  	s15 =	simm.s32 $0x15A40;
	[sflag:s26] =	ssyncadd.s32 $0xFFFFEC00  }
0x171: {  	[spmem:s3] =	stream.indirect.scatter.add.f32 [tilespmem:s28], [sflag:$0x8], $0x80, s15, s4, $0xb8;
	[tilespmem:$0x1F1C0] =	vst v63  }
0x172: {  	_ =	swait.ge [sflag:s19], $0x1400  }
0x173: {  	[sflag:s19] =	ssyncset.done $0x0  }
0x174: {  	[sflag:s19] =	ssyncadd.s32 $0xFFFFEC00  }
0x175: {  	_ =	swait.ge [sflag:s5], $0x1400  }
0x176: {  	[sflag:s5] =	ssyncset.done $0x0  }
0x177: {  	s24 =	simm.s32 $0x15AC0;
	[sflag:s5] =	ssyncadd.s32 $0xFFFFEC00  }
0x178: {  	[spmem:s3] =	stream.indirect.scatter.add.f32 [tilespmem:s23], [sflag:$0x9], $0x80, s24, s4, $0xb8;
	[tilespmem:$0x1F1C0] =	vst v63  }
0x179: {  	_ =	swait.ge [sflag:s8], $0x2800  }
0x17a: {  	[sflag:s8] =	ssyncset.done $0x0  }
0x17b: {  	s0 =	simm.s32 $0x13B40;
	[sflag:s8] =	ssyncadd.s32 $0xFFFFD800  }
0x17c: {  	[tilespmem:s21], [sflag:$0x1] =	stream.indirect.gather [hbm4b:s31+s22], $0x80, s0, s22, $0xb8;
	[tilespmem:$0x1F1C0] =	vst v63  }
0x17d: {  	s13 =	simm.s32 $0x13B68  }
0x17e: {  	[tilespmem:s2], [sflag:$0x2] =	stream.indirect.gather [hbm4b:s31+s22], $0x80, s13, s22, $0xb8;
	[tilespmem:$0x1F1C0] =	vst v63  }
0x17f: {  	_ =	swait.ge [sflag:s9], $0x2800  }
0x180: {  	[sflag:s9] =	ssyncset.done $0x0  }
0x181: {  	s15 =	simm.s32 $0x13BC0;
	[sflag:s9] =	ssyncadd.s32 $0xFFFFD800  }
0x182: {  	[tilespmem:s28], [sflag:$0x3] =	stream.indirect.gather [hbm4b:s31+s22], $0x80, s15, s22, $0xb8;
	[tilespmem:$0x1F1C0] =	vst v63  }
0x183: {  	s24 =	simm.s32 $0x13BE8  }
0x184: {  	[tilespmem:s1], [sflag:$0x4] =	stream.indirect.gather [hbm4b:s31+s22], $0x80, s24, s22, $0xb8;
	[tilespmem:$0x1F1C0] =	vst v63  }
0x185: {  	_ =	swait.ge [sflag:s10], $0x2800  }
0x186: {  	[sflag:s10] =	ssyncset.done $0x0  }
0x187: {  	s0 =	simm.s32 $0x13C40;
	[sflag:s10] =	ssyncadd.s32 $0xFFFFD800  }
0x188: {  	[tilespmem:s23], [sflag:$0x5] =	stream.indirect.gather [hbm4b:s31+s22], $0x80, s0, s22, $0xb8;
	[tilespmem:$0x1F1C0] =	vst v63  }
0x189: {  	s13 =	simm.s32 $0x13C68  }
0x18a: {  	[tilespmem:s29], [sflag:$0x6] =	stream.indirect.gather [hbm4b:s31+s22], $0x80, s13, s22, $0xb8;
	[tilespmem:$0x1F1C0] =	vst v63  }
0x18b: {  	_ =	swait.ge [sflag:s17], $0x1400  }
0x18c: {  	[sflag:s17] =	ssyncset.done $0x0  }
0x18d: {  	[sflag:s17] =	ssyncadd.s32 $0xFFFFEC00  }
0x18e: {  	_ =	swait.ge [sflag:s25], $0x1400  }
0x18f: {  	[sflag:s25] =	ssyncset.done $0x0  }
0x190: {  	s15 =	simm.s32 $0x15B40;
	[sflag:s25] =	ssyncadd.s32 $0xFFFFEC00  }
0x191: {  	[spmem:s3] =	stream.indirect.scatter.add.f32 [tilespmem:s21], [sflag:$0x7], $0x80, s15, s4, $0xb8;
	[tilespmem:$0x1F1C0] =	vst v63  }
0x192: {  	_ =	swait.ge [sflag:s6], $0x1400  }
0x193: {  	[sflag:s6] =	ssyncset.done $0x0  }
0x194: {  	[sflag:s6] =	ssyncadd.s32 $0xFFFFEC00  }
0x195: {  	_ =	swait.ge [sflag:s26], $0x1400  }
0x196: {  	[sflag:s26] =	ssyncset.done $0x0  }
0x197: {  	s24 =	simm.s32 $0x15BC0;
	[sflag:s26] =	ssyncadd.s32 $0xFFFFEC00  }
0x198: {  	[spmem:s3] =	stream.indirect.scatter.add.f32 [tilespmem:s28], [sflag:$0x8], $0x80, s24, s4, $0xb8;
	[tilespmem:$0x1F1C0] =	vst v63  }
0x199: {  	_ =	swait.ge [sflag:s19], $0x1400  }
0x19a: {  	[sflag:s19] =	ssyncset.done $0x0  }
0x19b: {  	[sflag:s19] =	ssyncadd.s32 $0xFFFFEC00  }
0x19c: {  	_ =	swait.ge [sflag:s5], $0x1400  }
0x19d: {  	[sflag:s5] =	ssyncset.done $0x0  }
0x19e: {  	s12 =	simm.s32 $0x15C40;
	s24 =	simm.s32 $0x600;
	[sflag:s5] =	ssyncadd.s32 $0xFFFFEC00  }
.LBB2_6:
0x19f: {  	[spmem:s3] =	stream.indirect.scatter.add.f32 [tilespmem:s23], [sflag:$0x9], $0x80, s12, s4, $0xb8;
	[tilespmem:$0x1F1C0] =	vst v63  }
0x1a0: {  	s12 =	smov.u32 s24  }
0x1a1: {  	p1 =	sne.s32 s24, $0x7200;
	s24 =	sadd.s32 $0x600, s24;
	_ =	swait.ge [sflag:s8], $0x2800  }
0x1a2: {  	s12 =	sshra.s32 s12, $0x2;
	[sflag:s8] =	ssyncset.done $0x0  }
0x1a3: {  	s13 =	sadd.s32 $0x13B40, s12;
	[sflag:s8] =	ssyncadd.s32 $0xFFFFD800  }
0x1a4: {  	[tilespmem:s21], [sflag:$0x1] =	stream.indirect.gather [hbm4b:s31+s22], $0x80, s13, s22, $0xb8;
	[tilespmem:$0x1F1C0] =	vst v63  }
0x1a5: {  	s13 =	sadd.s32 $0x13B68, s12  }
0x1a6: {  	[tilespmem:s2], [sflag:$0x2] =	stream.indirect.gather [hbm4b:s31+s22], $0x80, s13, s22, $0xb8;
	[tilespmem:$0x1F1C0] =	vst v63  }
0x1a7: {  	_ =	swait.ge [sflag:s9], $0x2800  }
0x1a8: {  	[sflag:s9] =	ssyncset.done $0x0  }
0x1a9: {  	s13 =	sadd.s32 $0x13BC0, s12;
	[sflag:s9] =	ssyncadd.s32 $0xFFFFD800  }
0x1aa: {  	[tilespmem:s28], [sflag:$0x3] =	stream.indirect.gather [hbm4b:s31+s22], $0x80, s13, s22, $0xb8;
	[tilespmem:$0x1F1C0] =	vst v63  }
0x1ab: {  	s13 =	sadd.s32 $0x13BE8, s12  }
0x1ac: {  	[tilespmem:s1], [sflag:$0x4] =	stream.indirect.gather [hbm4b:s31+s22], $0x80, s13, s22, $0xb8;
	[tilespmem:$0x1F1C0] =	vst v63  }
0x1ad: {  	_ =	swait.ge [sflag:s10], $0x2800  }
0x1ae: {  	[sflag:s10] =	ssyncset.done $0x0  }
0x1af: {  	s13 =	sadd.s32 $0x13C40, s12;
	[sflag:s10] =	ssyncadd.s32 $0xFFFFD800  }
0x1b0: {  	[tilespmem:s23], [sflag:$0x5] =	stream.indirect.gather [hbm4b:s31+s22], $0x80, s13, s22, $0xb8;
	[tilespmem:$0x1F1C0] =	vst v63  }
0x1b1: {  	s13 =	sadd.s32 $0x13C68, s12  }
0x1b2: {  	[tilespmem:s29], [sflag:$0x6] =	stream.indirect.gather [hbm4b:s31+s22], $0x80, s13, s22, $0xb8;
	[tilespmem:$0x1F1C0] =	vst v63  }
0x1b3: {  	_ =	swait.ge [sflag:s17], $0x1400  }
0x1b4: {  	[sflag:s17] =	ssyncset.done $0x0  }
0x1b5: {  	[sflag:s17] =	ssyncadd.s32 $0xFFFFEC00  }
0x1b6: {  	_ =	swait.ge [sflag:s25], $0x1400  }
0x1b7: {  	[sflag:s25] =	ssyncset.done $0x0  }
0x1b8: {  	s13 =	sadd.s32 $0x15B40, s12;
	[sflag:s25] =	ssyncadd.s32 $0xFFFFEC00  }
0x1b9: {  	[spmem:s3] =	stream.indirect.scatter.add.f32 [tilespmem:s21], [sflag:$0x7], $0x80, s13, s4, $0xb8;
	[tilespmem:$0x1F1C0] =	vst v63  }
0x1ba: {  	_ =	swait.ge [sflag:s6], $0x1400  }
0x1bb: {  	[sflag:s6] =	ssyncset.done $0x0  }
0x1bc: {  	[sflag:s6] =	ssyncadd.s32 $0xFFFFEC00  }
0x1bd: {  	_ =	swait.ge [sflag:s26], $0x1400  }
0x1be: {  	[sflag:s26] =	ssyncset.done $0x0  }
0x1bf: {  	s13 =	sadd.s32 $0x15BC0, s12;
	[sflag:s26] =	ssyncadd.s32 $0xFFFFEC00  }
0x1c0: {  	[spmem:s3] =	stream.indirect.scatter.add.f32 [tilespmem:s28], [sflag:$0x8], $0x80, s13, s4, $0xb8;
	[tilespmem:$0x1F1C0] =	vst v63  }
0x1c1: {  	_ =	swait.ge [sflag:s19], $0x1400  }
.Ltmp2:
0x1c2: {  	[sflag:s19] =	ssyncset.done $0x0;
	(pc) =	sbr.rel @p1 .LBB2_6-.Ltmp2, $4  }
0x1c3: {  	[sflag:s19] =	ssyncadd.s32 $0xFFFFEC00  }
0x1c4: {  	_ =	swait.ge [sflag:s5], $0x1400  }
0x1c5: {  	[sflag:s5] =	ssyncset.done $0x0  }
0x1c6: {  	s12 =	sadd.s32 $0x15C40, s12;
	[sflag:s5] =	ssyncadd.s32 $0xFFFFEC00  }
0x1c7: {  	[spmem:s3] =	stream.indirect.scatter.add.f32 [tilespmem:s23], [sflag:$0x9], $0x80, s12, s4, $0xb8;
	[tilespmem:$0x1F1C0] =	vst v63  }
0x1c8: {  	_ =	swait.ge [sflag:s8], $0x2800  }
0x1c9: {  	[sflag:s8] =	ssyncset.done $0x0  }
0x1ca: {  	[sflag:s8] =	ssyncadd.s32 $0xFFFFD800  }
0x1cb: {  	_ =	swait.ge [sflag:s9], $0x2800  }
0x1cc: {  	[sflag:s9] =	ssyncset.done $0x0  }
0x1cd: {  	[sflag:s9] =	ssyncadd.s32 $0xFFFFD800  }
0x1ce: {  	_ =	swait.ge [sflag:s10], $0x2800  }
0x1cf: {  	[sflag:s10] =	ssyncset.done $0x0  }
0x1d0: {  	[sflag:s10] =	ssyncadd.s32 $0xFFFFD800  }
0x1d1: {  	[bflag:$0x0] =	sbarrier.arrive $0xFFFF  }
0x1d2: {  	s15 =	sld [smem:$0x7F5];
	_ =	sdelay $0x1  }
0x1d3: {  	s0 =	simm.s32 $0x100;
	s13 =	simm.s32 $0x80  }
0x1d4: {  	[hbm:s15@s0], [sflag:s7] =	dma.strided [spmem:s18@s13], $0x500, s9, $0x10   }
0x1d5: {  	_ =	swait.ge [sflag:s16], $0x500  }
0x1d6: {  	s24 =	sld [smem:$0x7F6]  }
0x1d7: {  	[sflag:s16] =	ssyncset.done $0x0  }
0x1d8: {  	[sflag:s16] =	ssyncadd.s32 $0xFFFFFB00  }
0x1d9: {  	[hbm:s24@s0], [sflag:s7] =	dma.strided [spmem:s11@s13], $0x500, s9, $0x10   }
0x1da: {  	_ =	swait.ge [sflag:s16], $0x500  }
0x1db: {  	s11 =	sld [smem:$0x7F7]  }
0x1dc: {  	[sflag:s16] =	ssyncset.done $0x0  }
0x1dd: {  	[sflag:s16] =	ssyncadd.s32 $0xFFFFFB00  }
0x1de: {  	[hbm:s11@s0], [sflag:s7] =	dma.strided [spmem:s14@s13], $0x500, s9, $0x10   }
0x1df: {  	_ =	swait.ge [sflag:s16], $0x500  }
0x1e0: {  	s14 =	sld [smem:$0x7F8]  }
0x1e1: {  	[sflag:s16] =	ssyncset.done $0x0  }
0x1e2: {  	[sflag:s16] =	ssyncadd.s32 $0xFFFFFB00  }
0x1e3: {  	[hbm:s14@s0], [sflag:s7] =	dma.strided [spmem:s30@s13], $0x500, s9, $0x10   }
0x1e4: {  	_ =	swait.ge [sflag:s16], $0x500  }
0x1e5: {  	s15 =	sld [smem:$0x7F9]  }
0x1e6: {  	s18 =	sld [smem:$0x7F1]  }
0x1e7: {  	[sflag:s16] =	ssyncset.done $0x0  }
0x1e8: {  	[sflag:s16] =	ssyncadd.s32 $0xFFFFFB00  }
0x1e9: {  	[hbm:s15@s0], [sflag:s7] =	dma.strided [spmem:s18@s13], $0x500, s9, $0x10   }
0x1ea: {  	_ =	swait.ge [sflag:s16], $0x500  }
0x1eb: {  	s14 =	sld [smem:$0x7FA]  }
0x1ec: {  	s12 =	simm.s32 @!p0 $0x100;
	s11 =	simm.s32 @!p0 $0x8;
	[sflag:s16] =	ssyncset.done $0x0  }
0x1ed: {  	s13 =	simm.s32 @!p0 $0x80;
	s0 =	simm.s32 @!p0 $0xD;
	[sflag:s16] =	ssyncadd.s32 $0xFFFFFB00  }
0x1ee: {  	[hbm:s14@s12], [sflag:s7] =	dma.strided @!p0 [spmem:s20@s13], $0x500, s11, $0x10   }
0x1ef: {  	s18 =	rddreg [dreg:$0xa];
	_ =	swait.ge @!p0 [sflag:s0], $0x500  }
0x1f0: {  	s14 =	sshll.u32 @!p0 s18, $0x8;
	s24 =	rddreg [dreg:$0x1c];
	[sflag:s0] =	ssyncset.done @!p0 $0x0  }
0x1f1: {  	s20 =	sld [smem:$0x7F2];
	s14 =	sadd.s32 @!p0 s24, s14;
	[sflag:s0] =	ssyncadd.s32 @!p0 $0xFFFFFB00  }
0x1f2: {  	s14 =	sshrl.u32 @!p0 s14, $0x3;
	s15 =	rddreg [dreg:$0x1]  }
0x1f3: {  	s14 =	sadd.s32 @!p0 s15, s14  }
0x1f4: {  	[hbm:s14@s12], [sflag:s7] =	dma.strided @!p0 [spmem:s20@s13], $0x500, s11, $0x10   }
0x1f5: {  	s20 =	rddreg [dreg:$0xb]  }
0x1f6: {  	s14 =	sshll.u32 @!p0 s20, $0x8  }
0x1f7: {  	s14 =	sadd.s32 @!p0 s24, s14  }
0x1f8: {  	_ =	swait.ge @!p0 [sflag:s0], $0x500;
	s14 =	sshrl.u32 @!p0 s14, $0x3  }
0x1f9: {  	s14 =	sadd.s32 @!p0 s15, s14;
	s15 =	sld [smem:$0x7F3]  }
0x1fa: {  	[sflag:s0] =	ssyncset.done @!p0 $0x0  }
0x1fb: {  	[sflag:s0] =	ssyncadd.s32 @!p0 $0xFFFFFB00  }
0x1fc: {  	[hbm:s14@s12], [sflag:s7] =	dma.strided @!p0 [spmem:s15@s13], $0x500, s11, $0x10   }
0x1fd: {  	_ =	swait.ge @!p0 [sflag:s0], $0x500  }
0x1fe: {  	s24 =	sld [smem:$0x7EF]  }
0x1ff: {  	s30 =	sld [smem:$0x7FB];
	_ =	sdelay $0x1  }
0x200: {  	s12 =	sadd.s32 $0x1, s24  }
0x201: {  	p1 =	sne.s32 s12, s30  }
.Ltmp3:
0x202: {  	_ = 	snop;
	(pc) =	sbr.rel @p1 .LBB2_1-.Ltmp3, $3  }
0x203: {  	_ =	sdelay $0x1  }
0x204: {  	[sflag:s0] =	ssyncset.done @!p0 $0x0  }
0x205: {  	[sflag:s0] =	ssyncadd.s32 @!p0 $0xFFFFFB00  }
0x206: {  	_ =	sfence.sel $0x180000  }
0x207: {  	[bflag:$0x0] =	sbarrier.arrive $0xFFFF  }
0x208: {  	_ =	strace $0x90000047  }
0x209: {  	s0 =	stileid.u32;
	[bflag:$0x2] =	sbarrier.arrive $0xFFFF  }
0x20a: {  	p0 =	sne.s32 s0, $0x0;
	s0 =	rddreg [dreg:$0x3]  }
0x20b: {  	s0 =	sadd.s32 @!p0 $0x100000, s0  }
0x20c: {  	[sflag:s0] =	ssyncadd.tile.s32 @!p0 $0x1;
	_ =	shalt  }
.Lfunc_end2:
_tile_overlayer_lowered:
.L_overlay_start_2:
0x20d: {  	(tag) =	ssettag $0x2  }
0x20e: {  	s0 =	rddreg [dreg:$0x0];
	s2 =	stileid.u32  }
0x20f: {  	s1 =	rddreg [dreg:$0x1];
	p0 =	sne.s32 s2, $0x0  }
0x210: {  	s3 =	rddreg [dreg:$0x2];
	[bflag:$0x3] =	sbarrier.arrive $0xFFFF;
	s2 =	simm.s32 @!p0 $0x1C0D  }
0x211: {  	[timem:s3], [sflag:s2] =	dma.local @!p0 [hbm:s0], s1  }
0x212: {  	s0 =	simm.s32 @!p0 $0xD  }
0x213: {  	_ =	swait.ge @!p0 [sflag:s0], s1  }
0x214: {  	s1 =	ssub.s32 @!p0 $0x0, s1;
	[sflag:s0] =	ssyncset.done @!p0 $0x0  }
0x215: {  	[sflag:s0] =	ssyncadd.s32 @!p0 s1  }
0x216: {  	[bflag:$0x3] =	sbarrier.arrive $0xFFFF  }
0x217: {  	_ =	shalt  }

</sc_bundles>
